<compile_context>
chip_gen: v7x
topology: tpu7x:2x2x1
jax: 0.10.2.dev20260603
libtpu: 0.0.44.dev20260713+nightly
codegen_flags: <defaults>
</compile_context>

<pallas_src>
import functools

import jax
import jax.numpy as jnp
from jax import lax
from jax.experimental import pallas as pl
from jax.experimental.pallas import tpu as pltpu
from jax.experimental.pallas import tpu_sc as plsc

ROWS_BLK = 16
LANES = 16


def kernel(x, pos_table):
    B, S, D = x.shape
    xf = x.reshape(B * S, D)
    n_blocks = (B * S) // ROWS_BLK
    pos_blocks = S // ROWS_BLK
    mesh = plsc.VectorSubcoreMesh(core_axis_name="c", subcore_axis_name="s")

    @functools.partial(
        pl.kernel,
        out_type=jax.ShapeDtypeStruct((B * S, D), x.dtype),
        mesh=mesh,
    )
    def sc_add(x_hbm, pos_hbm, o_hbm):
        def body(x_vmem, pos_vmem, o_vmem):
            @pl.loop(0, ROWS_BLK)
            def _(r):
                for c in range(0, D, LANES):
                    o_vmem.at[r, pl.ds(c, LANES)][...] = (
                        x_vmem.at[r, pl.ds(c, LANES)][...]
                        + pos_vmem.at[r, pl.ds(c, LANES)][...]
                    )

        pltpu.emit_pipeline(
            body,
            grid=(n_blocks,),
            in_specs=[
                pl.BlockSpec((ROWS_BLK, D), index_map=lambda i: (i, 0)),
                pl.BlockSpec(
                    (ROWS_BLK, D),
                    index_map=lambda i: (lax.rem(i, pos_blocks), 0),
                ),
            ],
            out_specs=[pl.BlockSpec((ROWS_BLK, D), index_map=lambda i: (i, 0))],
            core_axis_name=("c", "s"),
            dimension_semantics=(pltpu.PARALLEL,),
        )(x_hbm, pos_hbm, o_hbm)

    return sc_add(xf, pos_table).reshape(B, S, D)

# --- scband reference (transcript-rebuilt; emitter-appended) ---
"""Pipeline reference for scband-learnable-positional-encoding-17695265259797 (READ-ONLY COPY).

The authoritative reference and input builder live on the scoring server;
editing this copy changes nothing except your own understanding.
"""

import jax, jax.numpy as jnp
import numpy as np

B, S, D = 4, 8192, 1024
MAX_LEN = 8192

def setup_inputs(seed: int = 0) -> dict:
    key = jax.random.key(seed)
    k1, k2 = jax.random.split(key)
    x = jax.random.normal(k1, (B, S, D), dtype=jnp.float32)
    # learned positional embedding table, init N(0, 0.02)
    pos_table = 0.02 * jax.random.normal(k2, (MAX_LEN, D), dtype=jnp.float32)
    return {"x": x, "pos_table": pos_table}

def reference(x, pos_table):
    seq_len = x.shape[1]
    positions = jnp.arange(seq_len)
    pos_emb = jnp.take(pos_table, positions, axis=0)  # embedding lookup
    out = x + pos_emb[None, :, :]
    # dropout p=0.0 -> identity (eval semantics)
    return out

if __name__ == "__main__":
    import jax
    _d = setup_inputs()
    print(jax.jit(kernel)(*tuple(_d.values())))

</pallas_src>

<mosaic_0001>
#map = affine_map<(d0, d1) -> (0, 0)>
module attributes {stable_mosaic.version = 14 : i64} {
  func.func @sc_add(%arg0: i32, %arg1: i32, %arg2: memref<32768x1024xf32, #tpu.memory_space<hbm>>, %arg3: memref<8192x1024xf32, #tpu.memory_space<hbm>>, %arg4: memref<32768x1024xf32, #tpu.memory_space<hbm>>) attributes {dimension_semantics = [#tpu.dimension_semantics<core_parallel>, #tpu.dimension_semantics<subcore_parallel>], iteration_bounds = array<i64: 2, 16>, scalar_prefetch = 0 : i64, scratch_operands = 0 : i64, tpu.core_type = #tpu.core_type<sc_vector_subcore>, window_params = [{transform_indices = #map}, {transform_indices = #map}, {transform_indices = #map}]} {
    %mul3A = arith.constant 1 : i32
    %mul3A_0 = arith.muli %arg1, %mul3A : i32
    %add3A = arith.constant 0 : i32
    %add3A_1 = arith.addi %add3A, %mul3A_0 : i32
    %mul3A_2 = arith.constant 16 : i32
    %mul3A_3 = arith.muli %arg0, %mul3A_2 : i32
    %add3A_4 = arith.addi %add3A_1, %mul3A_3 : i32
    %mul3A_5 = arith.constant 64 : i32
    %mul3A_6 = arith.muli %add3A_4, %mul3A_5 : i32
    "tpu.region"() ({
      %run_scoped3A = memref.alloca() : memref<2x16x1024xf32, #tpu.memory_space<vmem>>
      %run_scoped3A_7 = tpu.sem_alloc : memref<2x!tpu.dma_semaphore, #tpu.memory_space<semaphore_mem>>
      %run_scoped3A_8 = memref.alloca() : memref<2x16x1024xf32, #tpu.memory_space<vmem>>
      %run_scoped3A_9 = tpu.sem_alloc : memref<2x!tpu.dma_semaphore, #tpu.memory_space<semaphore_mem>>
      %run_scoped3A_10 = memref.alloca() : memref<2x16x1024xf32, #tpu.memory_space<vmem>>
      %run_scoped3A_11 = tpu.sem_alloc : memref<2x!tpu.dma_semaphore, #tpu.memory_space<semaphore_mem>>
      %add3A_12 = arith.constant 0 : i32
      %add3A_13 = arith.addi %add3A_12, %mul3A_6 : i32
      %select_n3A = arith.constant true
      %select_n3A_14 = arith.constant 0 : i32
      %select_n3A_15 = arith.constant -1 : i32
      %select_n3A_16 = arith.select %select_n3A, %select_n3A_15, %select_n3A_14 : i32
      %eq3A = arith.constant -1 : i32
      %eq3A_17 = arith.cmpi eq, %select_n3A_16, %eq3A : i32
      %select_n3A_18 = arith.constant 63 : i32
      %select_n3A_19 = arith.select %eq3A_17, %select_n3A_18, %select_n3A_16 : i32
      %add3A_20 = arith.addi %select_n3A_19, %mul3A_6 : i32
      %select_n3A_21 = arith.constant true
      %select_n3A_22 = arith.constant 0 : i32
      %select_n3A_23 = arith.constant 1 : i32
      %select_n3A_24 = arith.select %select_n3A_21, %select_n3A_23, %select_n3A_22 : i32
      %eq3A_25 = arith.constant 64 : i32
      %eq3A_26 = arith.cmpi eq, %select_n3A_24, %eq3A_25 : i32
      %select_n3A_27 = arith.constant 0 : i32
      %select_n3A_28 = arith.select %eq3A_26, %select_n3A_27, %select_n3A_24 : i32
      %add3A_29 = arith.addi %select_n3A_28, %mul3A_6 : i32
      %add3A_30 = arith.constant 1 : i32
      %add3A_31 = arith.addi %select_n3A_28, %add3A_30 : i32
      %select_n3A_32 = arith.constant true
      %select_n3A_33 = arith.select %select_n3A_32, %add3A_31, %select_n3A_28 : i32
      %eq3A_34 = arith.constant 64 : i32
      %eq3A_35 = arith.cmpi eq, %select_n3A_33, %eq3A_34 : i32
      %select_n3A_36 = arith.constant 0 : i32
      %select_n3A_37 = arith.select %eq3A_35, %select_n3A_36, %select_n3A_33 : i32
      %add3A_38 = arith.addi %select_n3A_37, %mul3A_6 : i32
      "tpu.trace_start"() <{level = 10 : i32, message = "ep_initialize_0"}> : () -> ()
      %rem3A = arith.constant 0 : i32
      %rem3A_39 = arith.constant 2 : i32
      %rem3A_40 = arith.remui %rem3A, %rem3A_39 : i32
      %mul3A_41 = arith.constant 16 : i32
      %mul3A_42 = arith.muli %mul3A_41, %add3A_13 : i32
      %dma_start3A = arith.constant 0 : i32
      %dma_start3A_43 = arith.constant 0 : i32
      %dma_start3A_44 = tpu.memref_slice %run_scoped3A[%rem3A_40, %dma_start3A, %dma_start3A_43] : memref<2x16x1024xf32, #tpu.memory_space<vmem>> -> memref<1x16x1024xf32, #tpu.memory_space<vmem>>
      %dma_start3A_45 = tpu.memref_squeeze %dma_start3A_44 : memref<1x16x1024xf32, #tpu.memory_space<vmem>> -> memref<16x1024xf32, #tpu.memory_space<vmem>>
      %dma_start3A_46 = arith.constant 0 : i32
      %dma_start3A_47 = tpu.memref_slice %arg2[%mul3A_42, %dma_start3A_46] : memref<32768x1024xf32, #tpu.memory_space<hbm>> -> memref<16x1024xf32, #tpu.memory_space<hbm>>
      %dma_start3A_48 = tpu.memref_slice %run_scoped3A_7[%rem3A_40] : memref<2x!tpu.dma_semaphore, #tpu.memory_space<semaphore_mem>> -> memref<1x!tpu.dma_semaphore, #tpu.memory_space<semaphore_mem>>
      %dma_start3A_49 = tpu.memref_squeeze %dma_start3A_48 : memref<1x!tpu.dma_semaphore, #tpu.memory_space<semaphore_mem>> -> memref<!tpu.dma_semaphore, #tpu.memory_space<semaphore_mem>>
      %dma_start3A_50 = arith.constant 0 : i32
      %dma_start3A_51 = arith.constant 0 : i32
      %dma_start3A_52 = tpu.memref_slice %run_scoped3A[%rem3A_40, %dma_start3A_50, %dma_start3A_51] : memref<2x16x1024xf32, #tpu.memory_space<vmem>> -> memref<1x16x1024xf32, #tpu.memory_space<vmem>>
      %dma_start3A_53 = tpu.memref_squeeze %dma_start3A_52 : memref<1x16x1024xf32, #tpu.memory_space<vmem>> -> memref<16x1024xf32, #tpu.memory_space<vmem>>
      %dma_start3A_54 = arith.constant 0 : i32
      %dma_start3A_55 = tpu.memref_slice %arg2[%mul3A_42, %dma_start3A_54] : memref<32768x1024xf32, #tpu.memory_space<hbm>> -> memref<16x1024xf32, #tpu.memory_space<hbm>>
      tpu.enqueue_dma source(%dma_start3A_55 : memref<16x1024xf32, #tpu.memory_space<hbm>>) target(%dma_start3A_53 : memref<16x1024xf32, #tpu.memory_space<vmem>>) target_semaphore(%dma_start3A_49 : memref<!tpu.dma_semaphore, #tpu.memory_space<semaphore_mem>>)
      %add3A_56 = arith.constant 0 : i32
      %add3A_57 = arith.constant 1 : i32
      %add3A_58 = arith.addi %add3A_56, %add3A_57 : i32
      %select_n3A_59 = arith.constant true
      %select_n3A_60 = arith.constant 0 : i32
      %select_n3A_61 = arith.select %select_n3A_59, %add3A_58, %select_n3A_60 : i32
      %rem3A_62 = arith.constant 0 : i32
      %rem3A_63 = arith.constant 2 : i32
      %rem3A_64 = arith.remui %rem3A_62, %rem3A_63 : i32
      %rem3A_65 = arith.constant 512 : i32
      %rem3A_66 = arith.remsi %add3A_13, %rem3A_65 : i32
      %mul3A_67 = arith.constant 16 : i32
      %mul3A_68 = arith.muli %mul3A_67, %rem3A_66 : i32
      %dma_start3A_69 = arith.constant 0 : i32
      %dma_start3A_70 = arith.constant 0 : i32
      %dma_start3A_71 = tpu.memref_slice %run_scoped3A_8[%rem3A_64, %dma_start3A_69, %dma_start3A_70] : memref<2x16x1024xf32, #tpu.memory_space<vmem>> -> memref<1x16x1024xf32, #tpu.memory_space<vmem>>
      %dma_start3A_72 = tpu.memref_squeeze %dma_start3A_71 : memref<1x16x1024xf32, #tpu.memory_space<vmem>> -> memref<16x1024xf32, #tpu.memory_space<vmem>>
      %dma_start3A_73 = arith.constant 0 : i32
      %dma_start3A_74 = tpu.memref_slice %arg3[%mul3A_68, %dma_start3A_73] : memref<8192x1024xf32, #tpu.memory_space<hbm>> -> memref<16x1024xf32, #tpu.memory_space<hbm>>
      %dma_start3A_75 = tpu.memref_slice %run_scoped3A_9[%rem3A_64] : memref<2x!tpu.dma_semaphore, #tpu.memory_space<semaphore_mem>> -> memref<1x!tpu.dma_semaphore, #tpu.memory_space<semaphore_mem>>
      %dma_start3A_76 = tpu.memref_squeeze %dma_start3A_75 : memref<1x!tpu.dma_semaphore, #tpu.memory_space<semaphore_mem>> -> memref<!tpu.dma_semaphore, #tpu.memory_space<semaphore_mem>>
      %dma_start3A_77 = arith.constant 0 : i32
      %dma_start3A_78 = arith.constant 0 : i32
      %dma_start3A_79 = tpu.memref_slice %run_scoped3A_8[%rem3A_64, %dma_start3A_77, %dma_start3A_78] : memref<2x16x1024xf32, #tpu.memory_space<vmem>> -> memref<1x16x1024xf32, #tpu.memory_space<vmem>>
      %dma_start3A_80 = tpu.memref_squeeze %dma_start3A_79 : memref<1x16x1024xf32, #tpu.memory_space<vmem>> -> memref<16x1024xf32, #tpu.memory_space<vmem>>
      %dma_start3A_81 = arith.constant 0 : i32
      %dma_start3A_82 = tpu.memref_slice %arg3[%mul3A_68, %dma_start3A_81] : memref<8192x1024xf32, #tpu.memory_space<hbm>> -> memref<16x1024xf32, #tpu.memory_space<hbm>>
      tpu.enqueue_dma source(%dma_start3A_82 : memref<16x1024xf32, #tpu.memory_space<hbm>>) target(%dma_start3A_80 : memref<16x1024xf32, #tpu.memory_space<vmem>>) target_semaphore(%dma_start3A_76 : memref<!tpu.dma_semaphore, #tpu.memory_space<semaphore_mem>>)
      %add3A_83 = arith.constant 0 : i32
      %add3A_84 = arith.constant 1 : i32
      %add3A_85 = arith.addi %add3A_83, %add3A_84 : i32
      %select_n3A_86 = arith.constant true
      %select_n3A_87 = arith.constant 0 : i32
      %select_n3A_88 = arith.select %select_n3A_86, %add3A_85, %select_n3A_87 : i32
      "tpu.trace_stop"() : () -> ()
      %scan3A = arith.constant 0 : i32
      %scan3A_89 = arith.constant 0 : i32
      %scan3A_90 = arith.constant 0 : i32
      %scan3A_91 = arith.constant 0 : i32
      %scan3A_92 = arith.constant 0 : i32
      %scan3A_93 = arith.constant 0 : i32
      %scan3A_94 = arith.constant 64 : i32
      %scan3A_95 = arith.addi %scan3A_93, %scan3A_94 : i32
      %scan3A_96 = arith.constant 1 : i32
      %scan3A_97:7 = scf.for %scan3A_151 = %scan3A_93 to %scan3A_95 step %scan3A_96 iter_args(%scan3A_152 = %select_n3A_61, %scan3A_153 = %scan3A, %scan3A_154 = %select_n3A_88, %scan3A_155 = %scan3A_89, %scan3A_156 = %scan3A_90, %scan3A_157 = %scan3A_91, %scan3A_158 = %scan3A_92) -> (i32, i32, i32, i32, i32, i32, i32)  : i32 {
        %eq3A_159 = arith.constant 0 : i32
        %eq3A_160 = arith.cmpi eq, %scan3A_151, %eq3A_159 : i32
        %eq3A_161 = arith.constant 63 : i32
        %eq3A_162 = arith.cmpi eq, %scan3A_151, %eq3A_161 : i32
        %add3A_163 = arith.addi %scan3A_158, %mul3A_6 : i32
        %sub3A_164 = arith.constant 1 : i32
        %sub3A_165 = arith.subi %scan3A_158, %sub3A_164 : i32
        %select_n3A_166 = arith.constant true
        %select_n3A_167 = arith.select %select_n3A_166, %sub3A_165, %scan3A_158 : i32
        %eq3A_168 = arith.constant -1 : i32
        %eq3A_169 = arith.cmpi eq, %select_n3A_167, %eq3A_168 : i32
        %select_n3A_170 = arith.constant 63 : i32
        %select_n3A_171 = arith.select %eq3A_169, %select_n3A_170, %select_n3A_167 : i32
        %add3A_172 = arith.addi %select_n3A_171, %mul3A_6 : i32
        %add3A_173 = arith.constant 1 : i32
        %add3A_174 = arith.addi %scan3A_158, %add3A_173 : i32
        %select_n3A_175 = arith.constant true
        %select_n3A_176 = arith.select %select_n3A_175, %add3A_174, %scan3A_158 : i32
        %eq3A_177 = arith.constant 64 : i32
        %eq3A_178 = arith.cmpi eq, %select_n3A_176, %eq3A_177 : i32
        %select_n3A_179 = arith.constant 0 : i32
        %select_n3A_180 = arith.select %eq3A_178, %select_n3A_179, %select_n3A_176 : i32
        %add3A_181 = arith.addi %select_n3A_180, %mul3A_6 : i32
        %add3A_182 = arith.constant 1 : i32
        %add3A_183 = arith.addi %select_n3A_180, %add3A_182 : i32
        %select_n3A_184 = arith.constant true
        %select_n3A_185 = arith.select %select_n3A_184, %add3A_183, %select_n3A_180 : i32
        %eq3A_186 = arith.constant 64 : i32
        %eq3A_187 = arith.cmpi eq, %select_n3A_185, %eq3A_186 : i32
        %select_n3A_188 = arith.constant 0 : i32
        %select_n3A_189 = arith.select %eq3A_187, %select_n3A_188, %select_n3A_185 : i32
        %add3A_190 = arith.addi %select_n3A_189, %mul3A_6 : i32
        %ne3A = arith.cmpi ne, %add3A_163, %add3A_181 : i32
        %or3A = arith.constant false
        %or3A_191 = arith.ori %or3A, %ne3A : i1
        %or3A_192 = arith.constant false
        %or3A_193 = arith.ori %or3A_191, %or3A_192 : i1
        %ge3A = arith.constant 63 : i32
        %ge3A_194 = arith.cmpi sge, %scan3A_151, %ge3A : i32
        %not3A = arith.constant true
        %not3A_195 = arith.xori %ge3A_194, %not3A : i1
        %and3A = arith.andi %or3A_193, %not3A_195 : i1
        %convert_element_type3A = arith.extui %and3A : i1 to i32
        %cond3A = arith.constant 0 : i32
        %cond3A_196 = arith.cmpi ne, %convert_element_type3A, %cond3A : i32
        scf.if %cond3A_196 {
          "tpu.trace_start"() <{level = 10 : i32, message = "ep_copy_in"}> : () -> ()
          %rem3A_392 = arith.constant 2 : i32
          %rem3A_393 = arith.remui %scan3A_152, %rem3A_392 : i32
          %mul3A_394 = arith.constant 16 : i32
          %mul3A_395 = arith.muli %mul3A_394, %add3A_181 : i32
          %dma_start3A_396 = arith.constant 0 : i32
          %dma_start3A_397 = arith.constant 0 : i32
          %dma_start3A_398 = tpu.memref_slice %run_scoped3A[%rem3A_393, %dma_start3A_396, %dma_start3A_397] : memref<2x16x1024xf32, #tpu.memory_space<vmem>> -> memref<1x16x1024xf32, #tpu.memory_space<vmem>>
          %dma_start3A_399 = tpu.memref_squeeze %dma_start3A_398 : memref<1x16x1024xf32, #tpu.memory_space<vmem>> -> memref<16x1024xf32, #tpu.memory_space<vmem>>
          %dma_start3A_400 = arith.constant 0 : i32
          %dma_start3A_401 = tpu.memref_slice %arg2[%mul3A_395, %dma_start3A_400] : memref<32768x1024xf32, #tpu.memory_space<hbm>> -> memref<16x1024xf32, #tpu.memory_space<hbm>>
          %dma_start3A_402 = tpu.memref_slice %run_scoped3A_7[%rem3A_393] : memref<2x!tpu.dma_semaphore, #tpu.memory_space<semaphore_mem>> -> memref<1x!tpu.dma_semaphore, #tpu.memory_space<semaphore_mem>>
          %dma_start3A_403 = tpu.memref_squeeze %dma_start3A_402 : memref<1x!tpu.dma_semaphore, #tpu.memory_space<semaphore_mem>> -> memref<!tpu.dma_semaphore, #tpu.memory_space<semaphore_mem>>
          %dma_start3A_404 = arith.constant 0 : i32
          %dma_start3A_405 = arith.constant 0 : i32
          %dma_start3A_406 = tpu.memref_slice %run_scoped3A[%rem3A_393, %dma_start3A_404, %dma_start3A_405] : memref<2x16x1024xf32, #tpu.memory_space<vmem>> -> memref<1x16x1024xf32, #tpu.memory_space<vmem>>
          %dma_start3A_407 = tpu.memref_squeeze %dma_start3A_406 : memref<1x16x1024xf32, #tpu.memory_space<vmem>> -> memref<16x1024xf32, #tpu.memory_space<vmem>>
          %dma_start3A_408 = arith.constant 0 : i32
          %dma_start3A_409 = tpu.memref_slice %arg2[%mul3A_395, %dma_start3A_408] : memref<32768x1024xf32, #tpu.memory_space<hbm>> -> memref<16x1024xf32, #tpu.memory_space<hbm>>
          tpu.enqueue_dma source(%dma_start3A_409 : memref<16x1024xf32, #tpu.memory_space<hbm>>) target(%dma_start3A_407 : memref<16x1024xf32, #tpu.memory_space<vmem>>) target_semaphore(%dma_start3A_403 : memref<!tpu.dma_semaphore, #tpu.memory_space<semaphore_mem>>)
          "tpu.trace_stop"() : () -> ()
        } else {
        }
        %and3A_197 = arith.constant true
        %and3A_198 = arith.andi %and3A, %and3A_197 : i1
        %add3A_199 = arith.constant 1 : i32
        %add3A_200 = arith.addi %scan3A_152, %add3A_199 : i32
        %select_n3A_201 = arith.select %and3A_198, %add3A_200, %scan3A_152 : i32
        %rem3A_202 = arith.constant 512 : i32
        %rem3A_203 = arith.remsi %add3A_163, %rem3A_202 : i32
        %rem3A_204 = arith.constant 512 : i32
        %rem3A_205 = arith.remsi %add3A_181, %rem3A_204 : i32
        %ne3A_206 = arith.cmpi ne, %rem3A_203, %rem3A_205 : i32
        %or3A_207 = arith.constant false
        %or3A_208 = arith.ori %or3A_207, %ne3A_206 : i1
        %or3A_209 = arith.constant false
        %or3A_210 = arith.ori %or3A_208, %or3A_209 : i1
        %ge3A_211 = arith.constant 63 : i32
        %ge3A_212 = arith.cmpi sge, %scan3A_151, %ge3A_211 : i32
        %not3A_213 = arith.constant true
        %not3A_214 = arith.xori %ge3A_212, %not3A_213 : i1
        %and3A_215 = arith.andi %or3A_210, %not3A_214 : i1
        %convert_element_type3A_216 = arith.extui %and3A_215 : i1 to i32
        %cond3A_217 = arith.constant 0 : i32
        %cond3A_218 = arith.cmpi ne, %convert_element_type3A_216, %cond3A_217 : i32
        scf.if %cond3A_218 {
          "tpu.trace_start"() <{level = 10 : i32, message = "ep_copy_in"}> : () -> ()
          %rem3A_392 = arith.constant 2 : i32
          %rem3A_393 = arith.remui %scan3A_154, %rem3A_392 : i32
          %rem3A_394 = arith.constant 512 : i32
          %rem3A_395 = arith.remsi %add3A_181, %rem3A_394 : i32
          %mul3A_396 = arith.constant 16 : i32
          %mul3A_397 = arith.muli %mul3A_396, %rem3A_395 : i32
          %dma_start3A_398 = arith.constant 0 : i32
          %dma_start3A_399 = arith.constant 0 : i32
          %dma_start3A_400 = tpu.memref_slice %run_scoped3A_8[%rem3A_393, %dma_start3A_398, %dma_start3A_399] : memref<2x16x1024xf32, #tpu.memory_space<vmem>> -> memref<1x16x1024xf32, #tpu.memory_space<vmem>>
          %dma_start3A_401 = tpu.memref_squeeze %dma_start3A_400 : memref<1x16x1024xf32, #tpu.memory_space<vmem>> -> memref<16x1024xf32, #tpu.memory_space<vmem>>
          %dma_start3A_402 = arith.constant 0 : i32
          %dma_start3A_403 = tpu.memref_slice %arg3[%mul3A_397, %dma_start3A_402] : memref<8192x1024xf32, #tpu.memory_space<hbm>> -> memref<16x1024xf32, #tpu.memory_space<hbm>>
          %dma_start3A_404 = tpu.memref_slice %run_scoped3A_9[%rem3A_393] : memref<2x!tpu.dma_semaphore, #tpu.memory_space<semaphore_mem>> -> memref<1x!tpu.dma_semaphore, #tpu.memory_space<semaphore_mem>>
          %dma_start3A_405 = tpu.memref_squeeze %dma_start3A_404 : memref<1x!tpu.dma_semaphore, #tpu.memory_space<semaphore_mem>> -> memref<!tpu.dma_semaphore, #tpu.memory_space<semaphore_mem>>
          %dma_start3A_406 = arith.constant 0 : i32
          %dma_start3A_407 = arith.constant 0 : i32
          %dma_start3A_408 = tpu.memref_slice %run_scoped3A_8[%rem3A_393, %dma_start3A_406, %dma_start3A_407] : memref<2x16x1024xf32, #tpu.memory_space<vmem>> -> memref<1x16x1024xf32, #tpu.memory_space<vmem>>
          %dma_start3A_409 = tpu.memref_squeeze %dma_start3A_408 : memref<1x16x1024xf32, #tpu.memory_space<vmem>> -> memref<16x1024xf32, #tpu.memory_space<vmem>>
          %dma_start3A_410 = arith.constant 0 : i32
          %dma_start3A_411 = tpu.memref_slice %arg3[%mul3A_397, %dma_start3A_410] : memref<8192x1024xf32, #tpu.memory_space<hbm>> -> memref<16x1024xf32, #tpu.memory_space<hbm>>
          tpu.enqueue_dma source(%dma_start3A_411 : memref<16x1024xf32, #tpu.memory_space<hbm>>) target(%dma_start3A_409 : memref<16x1024xf32, #tpu.memory_space<vmem>>) target_semaphore(%dma_start3A_405 : memref<!tpu.dma_semaphore, #tpu.memory_space<semaphore_mem>>)
          "tpu.trace_stop"() : () -> ()
        } else {
        }
        %and3A_219 = arith.constant true
        %and3A_220 = arith.andi %and3A_215, %and3A_219 : i1
        %add3A_221 = arith.constant 1 : i32
        %add3A_222 = arith.addi %scan3A_154, %add3A_221 : i32
        %select_n3A_223 = arith.select %and3A_220, %add3A_222, %scan3A_154 : i32
        %ne3A_224 = arith.cmpi ne, %add3A_163, %add3A_181 : i32
        %or3A_225 = arith.constant false
        %or3A_226 = arith.ori %or3A_225, %ne3A_224 : i1
        %or3A_227 = arith.constant false
        %or3A_228 = arith.ori %or3A_226, %or3A_227 : i1
        %ge3A_229 = arith.constant 63 : i32
        %ge3A_230 = arith.cmpi sge, %scan3A_151, %ge3A_229 : i32
        %not3A_231 = arith.constant true
        %not3A_232 = arith.xori %ge3A_230, %not3A_231 : i1
        %and3A_233 = arith.andi %or3A_228, %not3A_232 : i1
        %ne3A_234 = arith.cmpi ne, %add3A_163, %add3A_172 : i32
        %or3A_235 = arith.constant false
        %or3A_236 = arith.ori %or3A_235, %ne3A_234 : i1
        %or3A_237 = arith.constant false
        %or3A_238 = arith.ori %or3A_236, %or3A_237 : i1
        %or3A_239 = arith.ori %or3A_238, %eq3A_160 : i1
        %convert_element_type3A_240 = arith.extui %or3A_239 : i1 to i32
        %cond3A_241 = arith.constant 0 : i32
        %cond3A_242 = arith.cmpi ne, %convert_element_type3A_240, %cond3A_241 : i32
        scf.if %cond3A_242 {
          "tpu.trace_start"() <{level = 10 : i32, message = "ep_wait_in"}> : () -> ()
          %mul3A_392 = arith.constant 16 : i32
          %mul3A_393 = arith.muli %mul3A_392, %add3A_163 : i32
          %rem3A_394 = arith.constant 2 : i32
          %rem3A_395 = arith.remui %scan3A_153, %rem3A_394 : i32
          %dma_wait3A_396 = arith.constant 0 : i32
          %dma_wait3A_397 = arith.constant 0 : i32
          %dma_wait3A_398 = tpu.memref_slice %run_scoped3A[%rem3A_395, %dma_wait3A_396, %dma_wait3A_397] : memref<2x16x1024xf32, #tpu.memory_space<vmem>> -> memref<1x16x1024xf32, #tpu.memory_space<vmem>>
          %dma_wait3A_399 = tpu.memref_squeeze %dma_wait3A_398 : memref<1x16x1024xf32, #tpu.memory_space<vmem>> -> memref<16x1024xf32, #tpu.memory_space<vmem>>
          %dma_wait3A_400 = arith.constant 0 : i32
          %dma_wait3A_401 = tpu.memref_slice %arg2[%mul3A_393, %dma_wait3A_400] : memref<32768x1024xf32, #tpu.memory_space<hbm>> -> memref<16x1024xf32, #tpu.memory_space<hbm>>
          %dma_wait3A_402 = tpu.memref_slice %run_scoped3A_7[%rem3A_395] : memref<2x!tpu.dma_semaphore, #tpu.memory_space<semaphore_mem>> -> memref<1x!tpu.dma_semaphore, #tpu.memory_space<semaphore_mem>>
          %dma_wait3A_403 = tpu.memref_squeeze %dma_wait3A_402 : memref<1x!tpu.dma_semaphore, #tpu.memory_space<semaphore_mem>> -> memref<!tpu.dma_semaphore, #tpu.memory_space<semaphore_mem>>
          %dma_wait3A_404 = arith.constant 0 : i32
          %dma_wait3A_405 = arith.constant 0 : i32
          %dma_wait3A_406 = tpu.memref_slice %run_scoped3A[%rem3A_395, %dma_wait3A_404, %dma_wait3A_405] : memref<2x16x1024xf32, #tpu.memory_space<vmem>> -> memref<1x16x1024xf32, #tpu.memory_space<vmem>>
          %dma_wait3A_407 = tpu.memref_squeeze %dma_wait3A_406 : memref<1x16x1024xf32, #tpu.memory_space<vmem>> -> memref<16x1024xf32, #tpu.memory_space<vmem>>
          %dma_wait3A_408 = arith.constant 0 : i32
          %dma_wait3A_409 = tpu.memref_slice %arg2[%mul3A_393, %dma_wait3A_408] : memref<32768x1024xf32, #tpu.memory_space<hbm>> -> memref<16x1024xf32, #tpu.memory_space<hbm>>
          tpu.wait_dma2 semaphore(%dma_wait3A_403 : memref<!tpu.dma_semaphore, #tpu.memory_space<semaphore_mem>>) src(%dma_wait3A_409 : memref<16x1024xf32, #tpu.memory_space<hbm>>) dst(%dma_wait3A_407 : memref<16x1024xf32, #tpu.memory_space<vmem>>)
          "tpu.trace_stop"() : () -> ()
        } else {
        }
        %rem3A_243 = arith.constant 512 : i32
        %rem3A_244 = arith.remsi %add3A_163, %rem3A_243 : i32
        %rem3A_245 = arith.constant 512 : i32
        %rem3A_246 = arith.remsi %add3A_172, %rem3A_245 : i32
        %ne3A_247 = arith.cmpi ne, %rem3A_244, %rem3A_246 : i32
        %or3A_248 = arith.constant false
        %or3A_249 = arith.ori %or3A_248, %ne3A_247 : i1
        %or3A_250 = arith.constant false
        %or3A_251 = arith.ori %or3A_249, %or3A_250 : i1
        %or3A_252 = arith.ori %or3A_251, %eq3A_160 : i1
        %convert_element_type3A_253 = arith.extui %or3A_252 : i1 to i32
        %cond3A_254 = arith.constant 0 : i32
        %cond3A_255 = arith.cmpi ne, %convert_element_type3A_253, %cond3A_254 : i32
        scf.if %cond3A_255 {
          "tpu.trace_start"() <{level = 10 : i32, message = "ep_wait_in"}> : () -> ()
          %rem3A_392 = arith.constant 512 : i32
          %rem3A_393 = arith.remsi %add3A_163, %rem3A_392 : i32
          %mul3A_394 = arith.constant 16 : i32
          %mul3A_395 = arith.muli %mul3A_394, %rem3A_393 : i32
          %rem3A_396 = arith.constant 2 : i32
          %rem3A_397 = arith.remui %scan3A_155, %rem3A_396 : i32
          %dma_wait3A_398 = arith.constant 0 : i32
          %dma_wait3A_399 = arith.constant 0 : i32
          %dma_wait3A_400 = tpu.memref_slice %run_scoped3A_8[%rem3A_397, %dma_wait3A_398, %dma_wait3A_399] : memref<2x16x1024xf32, #tpu.memory_space<vmem>> -> memref<1x16x1024xf32, #tpu.memory_space<vmem>>
          %dma_wait3A_401 = tpu.memref_squeeze %dma_wait3A_400 : memref<1x16x1024xf32, #tpu.memory_space<vmem>> -> memref<16x1024xf32, #tpu.memory_space<vmem>>
          %dma_wait3A_402 = arith.constant 0 : i32
          %dma_wait3A_403 = tpu.memref_slice %arg3[%mul3A_395, %dma_wait3A_402] : memref<8192x1024xf32, #tpu.memory_space<hbm>> -> memref<16x1024xf32, #tpu.memory_space<hbm>>
          %dma_wait3A_404 = tpu.memref_slice %run_scoped3A_9[%rem3A_397] : memref<2x!tpu.dma_semaphore, #tpu.memory_space<semaphore_mem>> -> memref<1x!tpu.dma_semaphore, #tpu.memory_space<semaphore_mem>>
          %dma_wait3A_405 = tpu.memref_squeeze %dma_wait3A_404 : memref<1x!tpu.dma_semaphore, #tpu.memory_space<semaphore_mem>> -> memref<!tpu.dma_semaphore, #tpu.memory_space<semaphore_mem>>
          %dma_wait3A_406 = arith.constant 0 : i32
          %dma_wait3A_407 = arith.constant 0 : i32
          %dma_wait3A_408 = tpu.memref_slice %run_scoped3A_8[%rem3A_397, %dma_wait3A_406, %dma_wait3A_407] : memref<2x16x1024xf32, #tpu.memory_space<vmem>> -> memref<1x16x1024xf32, #tpu.memory_space<vmem>>
          %dma_wait3A_409 = tpu.memref_squeeze %dma_wait3A_408 : memref<1x16x1024xf32, #tpu.memory_space<vmem>> -> memref<16x1024xf32, #tpu.memory_space<vmem>>
          %dma_wait3A_410 = arith.constant 0 : i32
          %dma_wait3A_411 = tpu.memref_slice %arg3[%mul3A_395, %dma_wait3A_410] : memref<8192x1024xf32, #tpu.memory_space<hbm>> -> memref<16x1024xf32, #tpu.memory_space<hbm>>
          tpu.wait_dma2 semaphore(%dma_wait3A_405 : memref<!tpu.dma_semaphore, #tpu.memory_space<semaphore_mem>>) src(%dma_wait3A_411 : memref<16x1024xf32, #tpu.memory_space<hbm>>) dst(%dma_wait3A_409 : memref<16x1024xf32, #tpu.memory_space<vmem>>)
          "tpu.trace_stop"() : () -> ()
        } else {
        }
        %ne3A_256 = arith.cmpi ne, %add3A_163, %add3A_172 : i32
        %or3A_257 = arith.constant false
        %or3A_258 = arith.ori %or3A_257, %ne3A_256 : i1
        %or3A_259 = arith.constant false
        %or3A_260 = arith.ori %or3A_258, %or3A_259 : i1
        %or3A_261 = arith.ori %or3A_260, %eq3A_160 : i1
        %convert_element_type3A_262 = arith.extui %or3A_261 : i1 to i32
        %cond3A_263 = arith.constant 0 : i32
        %cond3A_264 = arith.cmpi ne, %convert_element_type3A_262, %cond3A_263 : i32
        scf.if %cond3A_264 {
        } else {
        }
        %rem3A_265 = arith.constant 2 : i32
        %rem3A_266 = arith.remui %scan3A_153, %rem3A_265 : i32
        %rem3A_267 = arith.constant 2 : i32
        %rem3A_268 = arith.remui %scan3A_155, %rem3A_267 : i32
        %rem3A_269 = arith.constant 2 : i32
        %rem3A_270 = arith.remui %scan3A_156, %rem3A_269 : i32
        "tpu.trace_start"() <{level = 10 : i32, message = "ep_run_kernel"}> : () -> ()
        %scan3A_271 = arith.constant 0 : i32
        %scan3A_272 = arith.constant 16 : i32
        %scan3A_273 = arith.addi %scan3A_271, %scan3A_272 : i32
        %scan3A_274 = arith.constant 1 : i32
        scf.for %scan3A_392 = %scan3A_271 to %scan3A_273 step %scan3A_274  : i32 {
          %mul3A_393 = arith.constant 1 : i32
          %mul3A_394 = arith.muli %scan3A_392, %mul3A_393 : i32
          %add3A_395 = arith.constant 0 : i32
          %add3A_396 = arith.addi %add3A_395, %mul3A_394 : i32
          %get3A = arith.constant 0 : i32
          %get3A_397 = arith.constant 0 : i32
          %get3A_398 = tpu.memref_slice %run_scoped3A[%rem3A_266, %get3A, %get3A_397] : memref<2x16x1024xf32, #tpu.memory_space<vmem>> -> memref<1x16x1024xf32, #tpu.memory_space<vmem>>
          %get3A_399 = tpu.memref_squeeze %get3A_398 : memref<1x16x1024xf32, #tpu.memory_space<vmem>> -> memref<16x1024xf32, #tpu.memory_space<vmem>>
          %get3A_400 = arith.index_cast %add3A_396 : i32 to index
          %get3A_401 = arith.constant 0 : index
          %get3A_402 = tpu.vector_load %get3A_399[%get3A_400, %get3A_401] {strides = array<i32>} : memref<16x1024xf32, #tpu.memory_space<vmem>>, vector<1x16xf32>,
          %get3A_403 = vector.shape_cast %get3A_402 : vector<1x16xf32> to vector<16xf32>
          %get3A_404 = arith.constant 0 : i32
          %get3A_405 = arith.constant 0 : i32
          %get3A_406 = tpu.memref_slice %run_scoped3A_8[%rem3A_268, %get3A_404, %get3A_405] : memref<2x16x1024xf32, #tpu.memory_space<vmem>> -> memref<1x16x1024xf32, #tpu.memory_space<vmem>>
          %get3A_407 = tpu.memref_squeeze %get3A_406 : memref<1x16x1024xf32, #tpu.memory_space<vmem>> -> memref<16x1024xf32, #tpu.memory_space<vmem>>
          %get3A_408 = arith.index_cast %add3A_396 : i32 to index
          %get3A_409 = arith.constant 0 : index
          %get3A_410 = tpu.vector_load %get3A_407[%get3A_408, %get3A_409] {strides = array<i32>} : memref<16x1024xf32, #tpu.memory_space<vmem>>, vector<1x16xf32>,
          %get3A_411 = vector.shape_cast %get3A_410 : vector<1x16xf32> to vector<16xf32>
          %add3A_412 = arith.addf %get3A_403, %get3A_411 : vector<16xf32>
          %swap3A = arith.constant 0 : i32
          %swap3A_413 = arith.constant 0 : i32
          %swap3A_414 = tpu.memref_slice %run_scoped3A_10[%rem3A_270, %swap3A, %swap3A_413] : memref<2x16x1024xf32, #tpu.memory_space<vmem>> -> memref<1x16x1024xf32, #tpu.memory_space<vmem>>
          %swap3A_415 = tpu.memref_squeeze %swap3A_414 : memref<1x16x1024xf32, #tpu.memory_space<vmem>> -> memref<16x1024xf32, #tpu.memory_space<vmem>>
          %swap3A_416 = arith.index_cast %add3A_396 : i32 to index
          %swap3A_417 = arith.constant 0 : index
          %swap3A_418 = tpu.vector_load %swap3A_415[%swap3A_416, %swap3A_417] {strides = array<i32>} : memref<16x1024xf32, #tpu.memory_space<vmem>>, vector<1x16xf32>,
          %swap3A_419 = vector.shape_cast %swap3A_418 : vector<1x16xf32> to vector<16xf32>
          %swap3A_420 = vector.shape_cast %add3A_412 : vector<16xf32> to vector<1x16xf32>
          tpu.vector_store %swap3A_415[%swap3A_416, %swap3A_417], %swap3A_420 {strides = array<i32>} : memref<16x1024xf32, #tpu.memory_space<vmem>>, vector<1x16xf32>,
          %get3A_421 = arith.constant 0 : i32
          %get3A_422 = arith.constant 0 : i32
          %get3A_423 = tpu.memref_slice %run_scoped3A[%rem3A_266, %get3A_421, %get3A_422] : memref<2x16x1024xf32, #tpu.memory_space<vmem>> -> memref<1x16x1024xf32, #tpu.memory_space<vmem>>
          %get3A_424 = tpu.memref_squeeze %get3A_423 : memref<1x16x1024xf32, #tpu.memory_space<vmem>> -> memref<16x1024xf32, #tpu.memory_space<vmem>>
          %get3A_425 = arith.index_cast %add3A_396 : i32 to index
          %get3A_426 = arith.constant 16 : index
          %get3A_427 = tpu.vector_load %get3A_424[%get3A_425, %get3A_426] {strides = array<i32>} : memref<16x1024xf32, #tpu.memory_space<vmem>>, vector<1x16xf32>,
          %get3A_428 = vector.shape_cast %get3A_427 : vector<1x16xf32> to vector<16xf32>
          %get3A_429 = arith.constant 0 : i32
          %get3A_430 = arith.constant 0 : i32
          %get3A_431 = tpu.memref_slice %run_scoped3A_8[%rem3A_268, %get3A_429, %get3A_430] : memref<2x16x1024xf32, #tpu.memory_space<vmem>> -> memref<1x16x1024xf32, #tpu.memory_space<vmem>>
          %get3A_432 = tpu.memref_squeeze %get3A_431 : memref<1x16x1024xf32, #tpu.memory_space<vmem>> -> memref<16x1024xf32, #tpu.memory_space<vmem>>
          %get3A_433 = arith.index_cast %add3A_396 : i32 to index
          %get3A_434 = arith.constant 16 : index
          %get3A_435 = tpu.vector_load %get3A_432[%get3A_433, %get3A_434] {strides = array<i32>} : memref<16x1024xf32, #tpu.memory_space<vmem>>, vector<1x16xf32>,
          %get3A_436 = vector.shape_cast %get3A_435 : vector<1x16xf32> to vector<16xf32>
          %add3A_437 = arith.addf %get3A_428, %get3A_436 : vector<16xf32>
          %swap3A_438 = arith.constant 0 : i32
          %swap3A_439 = arith.constant 0 : i32
          %swap3A_440 = tpu.memref_slice %run_scoped3A_10[%rem3A_270, %swap3A_438, %swap3A_439] : memref<2x16x1024xf32, #tpu.memory_space<vmem>> -> memref<1x16x1024xf32, #tpu.memory_space<vmem>>
          %swap3A_441 = tpu.memref_squeeze %swap3A_440 : memref<1x16x1024xf32, #tpu.memory_space<vmem>> -> memref<16x1024xf32, #tpu.memory_space<vmem>>
          %swap3A_442 = arith.index_cast %add3A_396 : i32 to index
          %swap3A_443 = arith.constant 16 : index
          %swap3A_444 = tpu.vector_load %swap3A_441[%swap3A_442, %swap3A_443] {strides = array<i32>} : memref<16x1024xf32, #tpu.memory_space<vmem>>, vector<1x16xf32>,
          %swap3A_445 = vector.shape_cast %swap3A_444 : vector<1x16xf32> to vector<16xf32>
          %swap3A_446 = vector.shape_cast %add3A_437 : vector<16xf32> to vector<1x16xf32>
          tpu.vector_store %swap3A_441[%swap3A_442, %swap3A_443], %swap3A_446 {strides = array<i32>} : memref<16x1024xf32, #tpu.memory_space<vmem>>, vector<1x16xf32>,
          %get3A_447 = arith.constant 0 : i32
          %get3A_448 = arith.constant 0 : i32
          %get3A_449 = tpu.memref_slice %run_scoped3A[%rem3A_266, %get3A_447, %get3A_448] : memref<2x16x1024xf32, #tpu.memory_space<vmem>> -> memref<1x16x1024xf32, #tpu.memory_space<vmem>>
          %get3A_450 = tpu.memref_squeeze %get3A_449 : memref<1x16x1024xf32, #tpu.memory_space<vmem>> -> memref<16x1024xf32, #tpu.memory_space<vmem>>
          %get3A_451 = arith.index_cast %add3A_396 : i32 to index
          %get3A_452 = arith.constant 32 : index
          %get3A_453 = tpu.vector_load %get3A_450[%get3A_451, %get3A_452] {strides = array<i32>} : memref<16x1024xf32, #tpu.memory_space<vmem>>, vector<1x16xf32>,
          %get3A_454 = vector.shape_cast %get3A_453 : vector<1x16xf32> to vector<16xf32>
          %get3A_455 = arith.constant 0 : i32
          %get3A_456 = arith.constant 0 : i32
          %get3A_457 = tpu.memref_slice %run_scoped3A_8[%rem3A_268, %get3A_455, %get3A_456] : memref<2x16x1024xf32, #tpu.memory_space<vmem>> -> memref<1x16x1024xf32, #tpu.memory_space<vmem>>
          %get3A_458 = tpu.memref_squeeze %get3A_457 : memref<1x16x1024xf32, #tpu.memory_space<vmem>> -> memref<16x1024xf32, #tpu.memory_space<vmem>>
          %get3A_459 = arith.index_cast %add3A_396 : i32 to index
          %get3A_460 = arith.constant 32 : index
          %get3A_461 = tpu.vector_load %get3A_458[%get3A_459, %get3A_460] {strides = array<i32>} : memref<16x1024xf32, #tpu.memory_space<vmem>>, vector<1x16xf32>,
          %get3A_462 = vector.shape_cast %get3A_461 : vector<1x16xf32> to vector<16xf32>
          %add3A_463 = arith.addf %get3A_454, %get3A_462 : vector<16xf32>
          %swap3A_464 = arith.constant 0 : i32
          %swap3A_465 = arith.constant 0 : i32
          %swap3A_466 = tpu.memref_slice %run_scoped3A_10[%rem3A_270, %swap3A_464, %swap3A_465] : memref<2x16x1024xf32, #tpu.memory_space<vmem>> -> memref<1x16x1024xf32, #tpu.memory_space<vmem>>
          %swap3A_467 = tpu.memref_squeeze %swap3A_466 : memref<1x16x1024xf32, #tpu.memory_space<vmem>> -> memref<16x1024xf32, #tpu.memory_space<vmem>>
          %swap3A_468 = arith.index_cast %add3A_396 : i32 to index
          %swap3A_469 = arith.constant 32 : index
          %swap3A_470 = tpu.vector_load %swap3A_467[%swap3A_468, %swap3A_469] {strides = array<i32>} : memref<16x1024xf32, #tpu.memory_space<vmem>>, vector<1x16xf32>,
          %swap3A_471 = vector.shape_cast %swap3A_470 : vector<1x16xf32> to vector<16xf32>
          %swap3A_472 = vector.shape_cast %add3A_463 : vector<16xf32> to vector<1x16xf32>
          tpu.vector_store %swap3A_467[%swap3A_468, %swap3A_469], %swap3A_472 {strides = array<i32>} : memref<16x1024xf32, #tpu.memory_space<vmem>>, vector<1x16xf32>,
          %get3A_473 = arith.constant 0 : i32
          %get3A_474 = arith.constant 0 : i32
          %get3A_475 = tpu.memref_slice %run_scoped3A[%rem3A_266, %get3A_473, %get3A_474] : memref<2x16x1024xf32, #tpu.memory_space<vmem>> -> memref<1x16x1024xf32, #tpu.memory_space<vmem>>
          %get3A_476 = tpu.memref_squeeze %get3A_475 : memref<1x16x1024xf32, #tpu.memory_space<vmem>> -> memref<16x1024xf32, #tpu.memory_space<vmem>>
          %get3A_477 = arith.index_cast %add3A_396 : i32 to index
          %get3A_478 = arith.constant 48 : index
          %get3A_479 = tpu.vector_load %get3A_476[%get3A_477, %get3A_478] {strides = array<i32>} : memref<16x1024xf32, #tpu.memory_space<vmem>>, vector<1x16xf32>,
          %get3A_480 = vector.shape_cast %get3A_479 : vector<1x16xf32> to vector<16xf32>
          %get3A_481 = arith.constant 0 : i32
          %get3A_482 = arith.constant 0 : i32
          %get3A_483 = tpu.memref_slice %run_scoped3A_8[%rem3A_268, %get3A_481, %get3A_482] : memref<2x16x1024xf32, #tpu.memory_space<vmem>> -> memref<1x16x1024xf32, #tpu.memory_space<vmem>>
          %get3A_484 = tpu.memref_squeeze %get3A_483 : memref<1x16x1024xf32, #tpu.memory_space<vmem>> -> memref<16x1024xf32, #tpu.memory_space<vmem>>
          %get3A_485 = arith.index_cast %add3A_396 : i32 to index
          %get3A_486 = arith.constant 48 : index
          %get3A_487 = tpu.vector_load %get3A_484[%get3A_485, %get3A_486] {strides = array<i32>} : memref<16x1024xf32, #tpu.memory_space<vmem>>, vector<1x16xf32>,
          %get3A_488 = vector.shape_cast %get3A_487 : vector<1x16xf32> to vector<16xf32>
          %add3A_489 = arith.addf %get3A_480, %get3A_488 : vector<16xf32>
          %swap3A_490 = arith.constant 0 : i32
          %swap3A_491 = arith.constant 0 : i32
          %swap3A_492 = tpu.memref_slice %run_scoped3A_10[%rem3A_270, %swap3A_490, %swap3A_491] : memref<2x16x1024xf32, #tpu.memory_space<vmem>> -> memref<1x16x1024xf32, #tpu.memory_space<vmem>>
          %swap3A_493 = tpu.memref_squeeze %swap3A_492 : memref<1x16x1024xf32, #tpu.memory_space<vmem>> -> memref<16x1024xf32, #tpu.memory_space<vmem>>
          %swap3A_494 = arith.index_cast %add3A_396 : i32 to index
          %swap3A_495 = arith.constant 48 : index
          %swap3A_496 = tpu.vector_load %swap3A_493[%swap3A_494, %swap3A_495] {strides = array<i32>} : memref<16x1024xf32, #tpu.memory_space<vmem>>, vector<1x16xf32>,
          %swap3A_497 = vector.shape_cast %swap3A_496 : vector<1x16xf32> to vector<16xf32>
          %swap3A_498 = vector.shape_cast %add3A_489 : vector<16xf32> to vector<1x16xf32>
          tpu.vector_store %swap3A_493[%swap3A_494, %swap3A_495], %swap3A_498 {strides = array<i32>} : memref<16x1024xf32, #tpu.memory_space<vmem>>, vector<1x16xf32>,
          %get3A_499 = arith.constant 0 : i32
          %get3A_500 = arith.constant 0 : i32
          %get3A_501 = tpu.memref_slice %run_scoped3A[%rem3A_266, %get3A_499, %get3A_500] : memref<2x16x1024xf32, #tpu.memory_space<vmem>> -> memref<1x16x1024xf32, #tpu.memory_space<vmem>>
          %get3A_502 = tpu.memref_squeeze %get3A_501 : memref<1x16x1024xf32, #tpu.memory_space<vmem>> -> memref<16x1024xf32, #tpu.memory_space<vmem>>
          %get3A_503 = arith.index_cast %add3A_396 : i32 to index
          %get3A_504 = arith.constant 64 : index
          %get3A_505 = tpu.vector_load %get3A_502[%get3A_503, %get3A_504] {strides = array<i32>} : memref<16x1024xf32, #tpu.memory_space<vmem>>, vector<1x16xf32>,
          %get3A_506 = vector.shape_cast %get3A_505 : vector<1x16xf32> to vector<16xf32>
          %get3A_507 = arith.constant 0 : i32
          %get3A_508 = arith.constant 0 : i32
          %get3A_509 = tpu.memref_slice %run_scoped3A_8[%rem3A_268, %get3A_507, %get3A_508] : memref<2x16x1024xf32, #tpu.memory_space<vmem>> -> memref<1x16x1024xf32, #tpu.memory_space<vmem>>
          %get3A_510 = tpu.memref_squeeze %get3A_509 : memref<1x16x1024xf32, #tpu.memory_space<vmem>> -> memref<16x1024xf32, #tpu.memory_space<vmem>>
          %get3A_511 = arith.index_cast %add3A_396 : i32 to index
          %get3A_512 = arith.constant 64 : index
          %get3A_513 = tpu.vector_load %get3A_510[%get3A_511, %get3A_512] {strides = array<i32>} : memref<16x1024xf32, #tpu.memory_space<vmem>>, vector<1x16xf32>,
          %get3A_514 = vector.shape_cast %get3A_513 : vector<1x16xf32> to vector<16xf32>
          %add3A_515 = arith.addf %get3A_506, %get3A_514 : vector<16xf32>
          %swap3A_516 = arith.constant 0 : i32
          %swap3A_517 = arith.constant 0 : i32
          %swap3A_518 = tpu.memref_slice %run_scoped3A_10[%rem3A_270, %swap3A_516, %swap3A_517] : memref<2x16x1024xf32, #tpu.memory_space<vmem>> -> memref<1x16x1024xf32, #tpu.memory_space<vmem>>
          %swap3A_519 = tpu.memref_squeeze %swap3A_518 : memref<1x16x1024xf32, #tpu.memory_space<vmem>> -> memref<16x1024xf32, #tpu.memory_space<vmem>>
          %swap3A_520 = arith.index_cast %add3A_396 : i32 to index
          %swap3A_521 = arith.constant 64 : index
          %swap3A_522 = tpu.vector_load %swap3A_519[%swap3A_520, %swap3A_521] {strides = array<i32>} : memref<16x1024xf32, #tpu.memory_space<vmem>>, vector<1x16xf32>,
          %swap3A_523 = vector.shape_cast %swap3A_522 : vector<1x16xf32> to vector<16xf32>
          %swap3A_524 = vector.shape_cast %add3A_515 : vector<16xf32> to vector<1x16xf32>
          tpu.vector_store %swap3A_519[%swap3A_520, %swap3A_521], %swap3A_524 {strides = array<i32>} : memref<16x1024xf32, #tpu.memory_space<vmem>>, vector<1x16xf32>,
          %get3A_525 = arith.constant 0 : i32
          %get3A_526 = arith.constant 0 : i32
          %get3A_527 = tpu.memref_slice %run_scoped3A[%rem3A_266, %get3A_525, %get3A_526] : memref<2x16x1024xf32, #tpu.memory_space<vmem>> -> memref<1x16x1024xf32, #tpu.memory_space<vmem>>
          %get3A_528 = tpu.memref_squeeze %get3A_527 : memref<1x16x1024xf32, #tpu.memory_space<vmem>> -> memref<16x1024xf32, #tpu.memory_space<vmem>>
          %get3A_529 = arith.index_cast %add3A_396 : i32 to index
          %get3A_530 = arith.constant 80 : index
          %get3A_531 = tpu.vector_load %get3A_528[%get3A_529, %get3A_530] {strides = array<i32>} : memref<16x1024xf32, #tpu.memory_space<vmem>>, vector<1x16xf32>,
          %get3A_532 = vector.shape_cast %get3A_531 : vector<1x16xf32> to vector<16xf32>
          %get3A_533 = arith.constant 0 : i32
          %get3A_534 = arith.constant 0 : i32
          %get3A_535 = tpu.memref_slice %run_scoped3A_8[%rem3A_268, %get3A_533, %get3A_534] : memref<2x16x1024xf32, #tpu.memory_space<vmem>> -> memref<1x16x1024xf32, #tpu.memory_space<vmem>>
          %get3A_536 = tpu.memref_squeeze %get3A_535 : memref<1x16x1024xf32, #tpu.memory_space<vmem>> -> memref<16x1024xf32, #tpu.memory_space<vmem>>
          %get3A_537 = arith.index_cast %add3A_396 : i32 to index
          %get3A_538 = arith.constant 80 : index
          %get3A_539 = tpu.vector_load %get3A_536[%get3A_537, %get3A_538] {strides = array<i32>} : memref<16x1024xf32, #tpu.memory_space<vmem>>, vector<1x16xf32>,
          %get3A_540 = vector.shape_cast %get3A_539 : vector<1x16xf32> to vector<16xf32>
          %add3A_541 = arith.addf %get3A_532, %get3A_540 : vector<16xf32>
          %swap3A_542 = arith.constant 0 : i32
          %swap3A_543 = arith.constant 0 : i32
          %swap3A_544 = tpu.memref_slice %run_scoped3A_10[%rem3A_270, %swap3A_542, %swap3A_543] : memref<2x16x1024xf32, #tpu.memory_space<vmem>> -> memref<1x16x1024xf32, #tpu.memory_space<vmem>>
          %swap3A_545 = tpu.memref_squeeze %swap3A_544 : memref<1x16x1024xf32, #tpu.memory_space<vmem>> -> memref<16x1024xf32, #tpu.memory_space<vmem>>
          %swap3A_546 = arith.index_cast %add3A_396 : i32 to index
          %swap3A_547 = arith.constant 80 : index
          %swap3A_548 = tpu.vector_load %swap3A_545[%swap3A_546, %swap3A_547] {strides = array<i32>} : memref<16x1024xf32, #tpu.memory_space<vmem>>, vector<1x16xf32>,
          %swap3A_549 = vector.shape_cast %swap3A_548 : vector<1x16xf32> to vector<16xf32>
          %swap3A_550 = vector.shape_cast %add3A_541 : vector<16xf32> to vector<1x16xf32>
          tpu.vector_store %swap3A_545[%swap3A_546, %swap3A_547], %swap3A_550 {strides = array<i32>} : memref<16x1024xf32, #tpu.memory_space<vmem>>, vector<1x16xf32>,
          %get3A_551 = arith.constant 0 : i32
          %get3A_552 = arith.constant 0 : i32
          %get3A_553 = tpu.memref_slice %run_scoped3A[%rem3A_266, %get3A_551, %get3A_552] : memref<2x16x1024xf32, #tpu.memory_space<vmem>> -> memref<1x16x1024xf32, #tpu.memory_space<vmem>>
          %get3A_554 = tpu.memref_squeeze %get3A_553 : memref<1x16x1024xf32, #tpu.memory_space<vmem>> -> memref<16x1024xf32, #tpu.memory_space<vmem>>
          %get3A_555 = arith.index_cast %add3A_396 : i32 to index
          %get3A_556 = arith.constant 96 : index
          %get3A_557 = tpu.vector_load %get3A_554[%get3A_555, %get3A_556] {strides = array<i32>} : memref<16x1024xf32, #tpu.memory_space<vmem>>, vector<1x16xf32>,
          %get3A_558 = vector.shape_cast %get3A_557 : vector<1x16xf32> to vector<16xf32>
          %get3A_559 = arith.constant 0 : i32
          %get3A_560 = arith.constant 0 : i32
          %get3A_561 = tpu.memref_slice %run_scoped3A_8[%rem3A_268, %get3A_559, %get3A_560] : memref<2x16x1024xf32, #tpu.memory_space<vmem>> -> memref<1x16x1024xf32, #tpu.memory_space<vmem>>
          %get3A_562 = tpu.memref_squeeze %get3A_561 : memref<1x16x1024xf32, #tpu.memory_space<vmem>> -> memref<16x1024xf32, #tpu.memory_space<vmem>>
          %get3A_563 = arith.index_cast %add3A_396 : i32 to index
          %get3A_564 = arith.constant 96 : index
          %get3A_565 = tpu.vector_load %get3A_562[%get3A_563, %get3A_564] {strides = array<i32>} : memref<16x1024xf32, #tpu.memory_space<vmem>>, vector<1x16xf32>,
          %get3A_566 = vector.shape_cast %get3A_565 : vector<1x16xf32> to vector<16xf32>
          %add3A_567 = arith.addf %get3A_558, %get3A_566 : vector<16xf32>
          %swap3A_568 = arith.constant 0 : i32
          %swap3A_569 = arith.constant 0 : i32
          %swap3A_570 = tpu.memref_slice %run_scoped3A_10[%rem3A_270, %swap3A_568, %swap3A_569] : memref<2x16x1024xf32, #tpu.memory_space<vmem>> -> memref<1x16x1024xf32, #tpu.memory_space<vmem>>
          %swap3A_571 = tpu.memref_squeeze %swap3A_570 : memref<1x16x1024xf32, #tpu.memory_space<vmem>> -> memref<16x1024xf32, #tpu.memory_space<vmem>>
          %swap3A_572 = arith.index_cast %add3A_396 : i32 to index
          %swap3A_573 = arith.constant 96 : index
          %swap3A_574 = tpu.vector_load %swap3A_571[%swap3A_572, %swap3A_573] {strides = array<i32>} : memref<16x1024xf32, #tpu.memory_space<vmem>>, vector<1x16xf32>,
          %swap3A_575 = vector.shape_cast %swap3A_574 : vector<1x16xf32> to vector<16xf32>
          %swap3A_576 = vector.shape_cast %add3A_567 : vector<16xf32> to vector<1x16xf32>
          tpu.vector_store %swap3A_571[%swap3A_572, %swap3A_573], %swap3A_576 {strides = array<i32>} : memref<16x1024xf32, #tpu.memory_space<vmem>>, vector<1x16xf32>,
          %get3A_577 = arith.constant 0 : i32
          %get3A_578 = arith.constant 0 : i32
          %get3A_579 = tpu.memref_slice %run_scoped3A[%rem3A_266, %get3A_577, %get3A_578] : memref<2x16x1024xf32, #tpu.memory_space<vmem>> -> memref<1x16x1024xf32, #tpu.memory_space<vmem>>
          %get3A_580 = tpu.memref_squeeze %get3A_579 : memref<1x16x1024xf32, #tpu.memory_space<vmem>> -> memref<16x1024xf32, #tpu.memory_space<vmem>>
          %get3A_581 = arith.index_cast %add3A_396 : i32 to index
          %get3A_582 = arith.constant 112 : index
          %get3A_583 = tpu.vector_load %get3A_580[%get3A_581, %get3A_582] {strides = array<i32>} : memref<16x1024xf32, #tpu.memory_space<vmem>>, vector<1x16xf32>,
          %get3A_584 = vector.shape_cast %get3A_583 : vector<1x16xf32> to vector<16xf32>
          %get3A_585 = arith.constant 0 : i32
          %get3A_586 = arith.constant 0 : i32
          %get3A_587 = tpu.memref_slice %run_scoped3A_8[%rem3A_268, %get3A_585, %get3A_586] : memref<2x16x1024xf32, #tpu.memory_space<vmem>> -> memref<1x16x1024xf32, #tpu.memory_space<vmem>>
          %get3A_588 = tpu.memref_squeeze %get3A_587 : memref<1x16x1024xf32, #tpu.memory_space<vmem>> -> memref<16x1024xf32, #tpu.memory_space<vmem>>
          %get3A_589 = arith.index_cast %add3A_396 : i32 to index
          %get3A_590 = arith.constant 112 : index
          %get3A_591 = tpu.vector_load %get3A_588[%get3A_589, %get3A_590] {strides = array<i32>} : memref<16x1024xf32, #tpu.memory_space<vmem>>, vector<1x16xf32>,
          %get3A_592 = vector.shape_cast %get3A_591 : vector<1x16xf32> to vector<16xf32>
          %add3A_593 = arith.addf %get3A_584, %get3A_592 : vector<16xf32>
          %swap3A_594 = arith.constant 0 : i32
          %swap3A_595 = arith.constant 0 : i32
          %swap3A_596 = tpu.memref_slice %run_scoped3A_10[%rem3A_270, %swap3A_594, %swap3A_595] : memref<2x16x1024xf32, #tpu.memory_space<vmem>> -> memref<1x16x1024xf32, #tpu.memory_space<vmem>>
          %swap3A_597 = tpu.memref_squeeze %swap3A_596 : memref<1x16x1024xf32, #tpu.memory_space<vmem>> -> memref<16x1024xf32, #tpu.memory_space<vmem>>
          %swap3A_598 = arith.index_cast %add3A_396 : i32 to index
          %swap3A_599 = arith.constant 112 : index
          %swap3A_600 = tpu.vector_load %swap3A_597[%swap3A_598, %swap3A_599] {strides = array<i32>} : memref<16x1024xf32, #tpu.memory_space<vmem>>, vector<1x16xf32>,
          %swap3A_601 = vector.shape_cast %swap3A_600 : vector<1x16xf32> to vector<16xf32>
          %swap3A_602 = vector.shape_cast %add3A_593 : vector<16xf32> to vector<1x16xf32>
          tpu.vector_store %swap3A_597[%swap3A_598, %swap3A_599], %swap3A_602 {strides = array<i32>} : memref<16x1024xf32, #tpu.memory_space<vmem>>, vector<1x16xf32>,
          %get3A_603 = arith.constant 0 : i32
          %get3A_604 = arith.constant 0 : i32
          %get3A_605 = tpu.memref_slice %run_scoped3A[%rem3A_266, %get3A_603, %get3A_604] : memref<2x16x1024xf32, #tpu.memory_space<vmem>> -> memref<1x16x1024xf32, #tpu.memory_space<vmem>>
          %get3A_606 = tpu.memref_squeeze %get3A_605 : memref<1x16x1024xf32, #tpu.memory_space<vmem>> -> memref<16x1024xf32, #tpu.memory_space<vmem>>
          %get3A_607 = arith.index_cast %add3A_396 : i32 to index
          %get3A_608 = arith.constant 128 : index
          %get3A_609 = tpu.vector_load %get3A_606[%get3A_607, %get3A_608] {strides = array<i32>} : memref<16x1024xf32, #tpu.memory_space<vmem>>, vector<1x16xf32>,
          %get3A_610 = vector.shape_cast %get3A_609 : vector<1x16xf32> to vector<16xf32>
          %get3A_611 = arith.constant 0 : i32
          %get3A_612 = arith.constant 0 : i32
          %get3A_613 = tpu.memref_slice %run_scoped3A_8[%rem3A_268, %get3A_611, %get3A_612] : memref<2x16x1024xf32, #tpu.memory_space<vmem>> -> memref<1x16x1024xf32, #tpu.memory_space<vmem>>
          %get3A_614 = tpu.memref_squeeze %get3A_613 : memref<1x16x1024xf32, #tpu.memory_space<vmem>> -> memref<16x1024xf32, #tpu.memory_space<vmem>>
          %get3A_615 = arith.index_cast %add3A_396 : i32 to index
          %get3A_616 = arith.constant 128 : index
          %get3A_617 = tpu.vector_load %get3A_614[%get3A_615, %get3A_616] {strides = array<i32>} : memref<16x1024xf32, #tpu.memory_space<vmem>>, vector<1x16xf32>,
          %get3A_618 = vector.shape_cast %get3A_617 : vector<1x16xf32> to vector<16xf32>
          %add3A_619 = arith.addf %get3A_610, %get3A_618 : vector<16xf32>
          %swap3A_620 = arith.constant 0 : i32
          %swap3A_621 = arith.constant 0 : i32
          %swap3A_622 = tpu.memref_slice %run_scoped3A_10[%rem3A_270, %swap3A_620, %swap3A_621] : memref<2x16x1024xf32, #tpu.memory_space<vmem>> -> memref<1x16x1024xf32, #tpu.memory_space<vmem>>
          %swap3A_623 = tpu.memref_squeeze %swap3A_622 : memref<1x16x1024xf32, #tpu.memory_space<vmem>> -> memref<16x1024xf32, #tpu.memory_space<vmem>>
          %swap3A_624 = arith.index_cast %add3A_396 : i32 to index
          %swap3A_625 = arith.constant 128 : index
          %swap3A_626 = tpu.vector_load %swap3A_623[%swap3A_624, %swap3A_625] {strides = array<i32>} : memref<16x1024xf32, #tpu.memory_space<vmem>>, vector<1x16xf32>,
          %swap3A_627 = vector.shape_cast %swap3A_626 : vector<1x16xf32> to vector<16xf32>
          %swap3A_628 = vector.shape_cast %add3A_619 : vector<16xf32> to vector<1x16xf32>
          tpu.vector_store %swap3A_623[%swap3A_624, %swap3A_625], %swap3A_628 {strides = array<i32>} : memref<16x1024xf32, #tpu.memory_space<vmem>>, vector<1x16xf32>,
          %get3A_629 = arith.constant 0 : i32
          %get3A_630 = arith.constant 0 : i32
          %get3A_631 = tpu.memref_slice %run_scoped3A[%rem3A_266, %get3A_629, %get3A_630] : memref<2x16x1024xf32, #tpu.memory_space<vmem>> -> memref<1x16x1024xf32, #tpu.memory_space<vmem>>
          %get3A_632 = tpu.memref_squeeze %get3A_631 : memref<1x16x1024xf32, #tpu.memory_space<vmem>> -> memref<16x1024xf32, #tpu.memory_space<vmem>>
          %get3A_633 = arith.index_cast %add3A_396 : i32 to index
          %get3A_634 = arith.constant 144 : index
          %get3A_635 = tpu.vector_load %get3A_632[%get3A_633, %get3A_634] {strides = array<i32>} : memref<16x1024xf32, #tpu.memory_space<vmem>>, vector<1x16xf32>,
          %get3A_636 = vector.shape_cast %get3A_635 : vector<1x16xf32> to vector<16xf32>
          %get3A_637 = arith.constant 0 : i32
          %get3A_638 = arith.constant 0 : i32
          %get3A_639 = tpu.memref_slice %run_scoped3A_8[%rem3A_268, %get3A_637, %get3A_638] : memref<2x16x1024xf32, #tpu.memory_space<vmem>> -> memref<1x16x1024xf32, #tpu.memory_space<vmem>>
          %get3A_640 = tpu.memref_squeeze %get3A_639 : memref<1x16x1024xf32, #tpu.memory_space<vmem>> -> memref<16x1024xf32, #tpu.memory_space<vmem>>
          %get3A_641 = arith.index_cast %add3A_396 : i32 to index
          %get3A_642 = arith.constant 144 : index
          %get3A_643 = tpu.vector_load %get3A_640[%get3A_641, %get3A_642] {strides = array<i32>} : memref<16x1024xf32, #tpu.memory_space<vmem>>, vector<1x16xf32>,
          %get3A_644 = vector.shape_cast %get3A_643 : vector<1x16xf32> to vector<16xf32>
          %add3A_645 = arith.addf %get3A_636, %get3A_644 : vector<16xf32>
          %swap3A_646 = arith.constant 0 : i32
          %swap3A_647 = arith.constant 0 : i32
          %swap3A_648 = tpu.memref_slice %run_scoped3A_10[%rem3A_270, %swap3A_646, %swap3A_647] : memref<2x16x1024xf32, #tpu.memory_space<vmem>> -> memref<1x16x1024xf32, #tpu.memory_space<vmem>>
          %swap3A_649 = tpu.memref_squeeze %swap3A_648 : memref<1x16x1024xf32, #tpu.memory_space<vmem>> -> memref<16x1024xf32, #tpu.memory_space<vmem>>
          %swap3A_650 = arith.index_cast %add3A_396 : i32 to index
          %swap3A_651 = arith.constant 144 : index
          %swap3A_652 = tpu.vector_load %swap3A_649[%swap3A_650, %swap3A_651] {strides = array<i32>} : memref<16x1024xf32, #tpu.memory_space<vmem>>, vector<1x16xf32>,
          %swap3A_653 = vector.shape_cast %swap3A_652 : vector<1x16xf32> to vector<16xf32>
          %swap3A_654 = vector.shape_cast %add3A_645 : vector<16xf32> to vector<1x16xf32>
          tpu.vector_store %swap3A_649[%swap3A_650, %swap3A_651], %swap3A_654 {strides = array<i32>} : memref<16x1024xf32, #tpu.memory_space<vmem>>, vector<1x16xf32>,
          %get3A_655 = arith.constant 0 : i32
          %get3A_656 = arith.constant 0 : i32
          %get3A_657 = tpu.memref_slice %run_scoped3A[%rem3A_266, %get3A_655, %get3A_656] : memref<2x16x1024xf32, #tpu.memory_space<vmem>> -> memref<1x16x1024xf32, #tpu.memory_space<vmem>>
          %get3A_658 = tpu.memref_squeeze %get3A_657 : memref<1x16x1024xf32, #tpu.memory_space<vmem>> -> memref<16x1024xf32, #tpu.memory_space<vmem>>
          %get3A_659 = arith.index_cast %add3A_396 : i32 to index
          %get3A_660 = arith.constant 160 : index
          %get3A_661 = tpu.vector_load %get3A_658[%get3A_659, %get3A_660] {strides = array<i32>} : memref<16x1024xf32, #tpu.memory_space<vmem>>, vector<1x16xf32>,
          %get3A_662 = vector.shape_cast %get3A_661 : vector<1x16xf32> to vector<16xf32>
          %get3A_663 = arith.constant 0 : i32
          %get3A_664 = arith.constant 0 : i32
          %get3A_665 = tpu.memref_slice %run_scoped3A_8[%rem3A_268, %get3A_663, %get3A_664] : memref<2x16x1024xf32, #tpu.memory_space<vmem>> -> memref<1x16x1024xf32, #tpu.memory_space<vmem>>
          %get3A_666 = tpu.memref_squeeze %get3A_665 : memref<1x16x1024xf32, #tpu.memory_space<vmem>> -> memref<16x1024xf32, #tpu.memory_space<vmem>>
          %get3A_667 = arith.index_cast %add3A_396 : i32 to index
          %get3A_668 = arith.constant 160 : index
          %get3A_669 = tpu.vector_load %get3A_666[%get3A_667, %get3A_668] {strides = array<i32>} : memref<16x1024xf32, #tpu.memory_space<vmem>>, vector<1x16xf32>,
          %get3A_670 = vector.shape_cast %get3A_669 : vector<1x16xf32> to vector<16xf32>
          %add3A_671 = arith.addf %get3A_662, %get3A_670 : vector<16xf32>
          %swap3A_672 = arith.constant 0 : i32
          %swap3A_673 = arith.constant 0 : i32
          %swap3A_674 = tpu.memref_slice %run_scoped3A_10[%rem3A_270, %swap3A_672, %swap3A_673] : memref<2x16x1024xf32, #tpu.memory_space<vmem>> -> memref<1x16x1024xf32, #tpu.memory_space<vmem>>
          %swap3A_675 = tpu.memref_squeeze %swap3A_674 : memref<1x16x1024xf32, #tpu.memory_space<vmem>> -> memref<16x1024xf32, #tpu.memory_space<vmem>>
          %swap3A_676 = arith.index_cast %add3A_396 : i32 to index
          %swap3A_677 = arith.constant 160 : index
          %swap3A_678 = tpu.vector_load %swap3A_675[%swap3A_676, %swap3A_677] {strides = array<i32>} : memref<16x1024xf32, #tpu.memory_space<vmem>>, vector<1x16xf32>,
          %swap3A_679 = vector.shape_cast %swap3A_678 : vector<1x16xf32> to vector<16xf32>
          %swap3A_680 = vector.shape_cast %add3A_671 : vector<16xf32> to vector<1x16xf32>
          tpu.vector_store %swap3A_675[%swap3A_676, %swap3A_677], %swap3A_680 {strides = array<i32>} : memref<16x1024xf32, #tpu.memory_space<vmem>>, vector<1x16xf32>,
          %get3A_681 = arith.constant 0 : i32
          %get3A_682 = arith.constant 0 : i32
          %get3A_683 = tpu.memref_slice %run_scoped3A[%rem3A_266, %get3A_681, %get3A_682] : memref<2x16x1024xf32, #tpu.memory_space<vmem>> -> memref<1x16x1024xf32, #tpu.memory_space<vmem>>
          %get3A_684 = tpu.memref_squeeze %get3A_683 : memref<1x16x1024xf32, #tpu.memory_space<vmem>> -> memref<16x1024xf32, #tpu.memory_space<vmem>>
          %get3A_685 = arith.index_cast %add3A_396 : i32 to index
          %get3A_686 = arith.constant 176 : index
          %get3A_687 = tpu.vector_load %get3A_684[%get3A_685, %get3A_686] {strides = array<i32>} : memref<16x1024xf32, #tpu.memory_space<vmem>>, vector<1x16xf32>,
          %get3A_688 = vector.shape_cast %get3A_687 : vector<1x16xf32> to vector<16xf32>
          %get3A_689 = arith.constant 0 : i32
          %get3A_690 = arith.constant 0 : i32
          %get3A_691 = tpu.memref_slice %run_scoped3A_8[%rem3A_268, %get3A_689, %get3A_690] : memref<2x16x1024xf32, #tpu.memory_space<vmem>> -> memref<1x16x1024xf32, #tpu.memory_space<vmem>>
          %get3A_692 = tpu.memref_squeeze %get3A_691 : memref<1x16x1024xf32, #tpu.memory_space<vmem>> -> memref<16x1024xf32, #tpu.memory_space<vmem>>
          %get3A_693 = arith.index_cast %add3A_396 : i32 to index
          %get3A_694 = arith.constant 176 : index
          %get3A_695 = tpu.vector_load %get3A_692[%get3A_693, %get3A_694] {strides = array<i32>} : memref<16x1024xf32, #tpu.memory_space<vmem>>, vector<1x16xf32>,
          %get3A_696 = vector.shape_cast %get3A_695 : vector<1x16xf32> to vector<16xf32>
          %add3A_697 = arith.addf %get3A_688, %get3A_696 : vector<16xf32>
          %swap3A_698 = arith.constant 0 : i32
          %swap3A_699 = arith.constant 0 : i32
          %swap3A_700 = tpu.memref_slice %run_scoped3A_10[%rem3A_270, %swap3A_698, %swap3A_699] : memref<2x16x1024xf32, #tpu.memory_space<vmem>> -> memref<1x16x1024xf32, #tpu.memory_space<vmem>>
          %swap3A_701 = tpu.memref_squeeze %swap3A_700 : memref<1x16x1024xf32, #tpu.memory_space<vmem>> -> memref<16x1024xf32, #tpu.memory_space<vmem>>
          %swap3A_702 = arith.index_cast %add3A_396 : i32 to index
          %swap3A_703 = arith.constant 176 : index
          %swap3A_704 = tpu.vector_load %swap3A_701[%swap3A_702, %swap3A_703] {strides = array<i32>} : memref<16x1024xf32, #tpu.memory_space<vmem>>, vector<1x16xf32>,
          %swap3A_705 = vector.shape_cast %swap3A_704 : vector<1x16xf32> to vector<16xf32>
          %swap3A_706 = vector.shape_cast %add3A_697 : vector<16xf32> to vector<1x16xf32>
          tpu.vector_store %swap3A_701[%swap3A_702, %swap3A_703], %swap3A_706 {strides = array<i32>} : memref<16x1024xf32, #tpu.memory_space<vmem>>, vector<1x16xf32>,
          %get3A_707 = arith.constant 0 : i32
          %get3A_708 = arith.constant 0 : i32
          %get3A_709 = tpu.memref_slice %run_scoped3A[%rem3A_266, %get3A_707, %get3A_708] : memref<2x16x1024xf32, #tpu.memory_space<vmem>> -> memref<1x16x1024xf32, #tpu.memory_space<vmem>>
          %get3A_710 = tpu.memref_squeeze %get3A_709 : memref<1x16x1024xf32, #tpu.memory_space<vmem>> -> memref<16x1024xf32, #tpu.memory_space<vmem>>
          %get3A_711 = arith.index_cast %add3A_396 : i32 to index
          %get3A_712 = arith.constant 192 : index
          %get3A_713 = tpu.vector_load %get3A_710[%get3A_711, %get3A_712] {strides = array<i32>} : memref<16x1024xf32, #tpu.memory_space<vmem>>, vector<1x16xf32>,
          %get3A_714 = vector.shape_cast %get3A_713 : vector<1x16xf32> to vector<16xf32>
          %get3A_715 = arith.constant 0 : i32
          %get3A_716 = arith.constant 0 : i32
          %get3A_717 = tpu.memref_slice %run_scoped3A_8[%rem3A_268, %get3A_715, %get3A_716] : memref<2x16x1024xf32, #tpu.memory_space<vmem>> -> memref<1x16x1024xf32, #tpu.memory_space<vmem>>
          %get3A_718 = tpu.memref_squeeze %get3A_717 : memref<1x16x1024xf32, #tpu.memory_space<vmem>> -> memref<16x1024xf32, #tpu.memory_space<vmem>>
          %get3A_719 = arith.index_cast %add3A_396 : i32 to index
          %get3A_720 = arith.constant 192 : index
          %get3A_721 = tpu.vector_load %get3A_718[%get3A_719, %get3A_720] {strides = array<i32>} : memref<16x1024xf32, #tpu.memory_space<vmem>>, vector<1x16xf32>,
          %get3A_722 = vector.shape_cast %get3A_721 : vector<1x16xf32> to vector<16xf32>
          %add3A_723 = arith.addf %get3A_714, %get3A_722 : vector<16xf32>
          %swap3A_724 = arith.constant 0 : i32
          %swap3A_725 = arith.constant 0 : i32
          %swap3A_726 = tpu.memref_slice %run_scoped3A_10[%rem3A_270, %swap3A_724, %swap3A_725] : memref<2x16x1024xf32, #tpu.memory_space<vmem>> -> memref<1x16x1024xf32, #tpu.memory_space<vmem>>
          %swap3A_727 = tpu.memref_squeeze %swap3A_726 : memref<1x16x1024xf32, #tpu.memory_space<vmem>> -> memref<16x1024xf32, #tpu.memory_space<vmem>>
          %swap3A_728 = arith.index_cast %add3A_396 : i32 to index
          %swap3A_729 = arith.constant 192 : index
          %swap3A_730 = tpu.vector_load %swap3A_727[%swap3A_728, %swap3A_729] {strides = array<i32>} : memref<16x1024xf32, #tpu.memory_space<vmem>>, vector<1x16xf32>,
          %swap3A_731 = vector.shape_cast %swap3A_730 : vector<1x16xf32> to vector<16xf32>
          %swap3A_732 = vector.shape_cast %add3A_723 : vector<16xf32> to vector<1x16xf32>
          tpu.vector_store %swap3A_727[%swap3A_728, %swap3A_729], %swap3A_732 {strides = array<i32>} : memref<16x1024xf32, #tpu.memory_space<vmem>>, vector<1x16xf32>,
          %get3A_733 = arith.constant 0 : i32
          %get3A_734 = arith.constant 0 : i32
          %get3A_735 = tpu.memref_slice %run_scoped3A[%rem3A_266, %get3A_733, %get3A_734] : memref<2x16x1024xf32, #tpu.memory_space<vmem>> -> memref<1x16x1024xf32, #tpu.memory_space<vmem>>
          %get3A_736 = tpu.memref_squeeze %get3A_735 : memref<1x16x1024xf32, #tpu.memory_space<vmem>> -> memref<16x1024xf32, #tpu.memory_space<vmem>>
          %get3A_737 = arith.index_cast %add3A_396 : i32 to index
          %get3A_738 = arith.constant 208 : index
          %get3A_739 = tpu.vector_load %get3A_736[%get3A_737, %get3A_738] {strides = array<i32>} : memref<16x1024xf32, #tpu.memory_space<vmem>>, vector<1x16xf32>,
          %get3A_740 = vector.shape_cast %get3A_739 : vector<1x16xf32> to vector<16xf32>
          %get3A_741 = arith.constant 0 : i32
          %get3A_742 = arith.constant 0 : i32
          %get3A_743 = tpu.memref_slice %run_scoped3A_8[%rem3A_268, %get3A_741, %get3A_742] : memref<2x16x1024xf32, #tpu.memory_space<vmem>> -> memref<1x16x1024xf32, #tpu.memory_space<vmem>>
          %get3A_744 = tpu.memref_squeeze %get3A_743 : memref<1x16x1024xf32, #tpu.memory_space<vmem>> -> memref<16x1024xf32, #tpu.memory_space<vmem>>
          %get3A_745 = arith.index_cast %add3A_396 : i32 to index
          %get3A_746 = arith.constant 208 : index
          %get3A_747 = tpu.vector_load %get3A_744[%get3A_745, %get3A_746] {strides = array<i32>} : memref<16x1024xf32, #tpu.memory_space<vmem>>, vector<1x16xf32>,
          %get3A_748 = vector.shape_cast %get3A_747 : vector<1x16xf32> to vector<16xf32>
          %add3A_749 = arith.addf %get3A_740, %get3A_748 : vector<16xf32>
          %swap3A_750 = arith.constant 0 : i32
          %swap3A_751 = arith.constant 0 : i32
          %swap3A_752 = tpu.memref_slice %run_scoped3A_10[%rem3A_270, %swap3A_750, %swap3A_751] : memref<2x16x1024xf32, #tpu.memory_space<vmem>> -> memref<1x16x1024xf32, #tpu.memory_space<vmem>>
          %swap3A_753 = tpu.memref_squeeze %swap3A_752 : memref<1x16x1024xf32, #tpu.memory_space<vmem>> -> memref<16x1024xf32, #tpu.memory_space<vmem>>
          %swap3A_754 = arith.index_cast %add3A_396 : i32 to index
          %swap3A_755 = arith.constant 208 : index
          %swap3A_756 = tpu.vector_load %swap3A_753[%swap3A_754, %swap3A_755] {strides = array<i32>} : memref<16x1024xf32, #tpu.memory_space<vmem>>, vector<1x16xf32>,
          %swap3A_757 = vector.shape_cast %swap3A_756 : vector<1x16xf32> to vector<16xf32>
          %swap3A_758 = vector.shape_cast %add3A_749 : vector<16xf32> to vector<1x16xf32>
          tpu.vector_store %swap3A_753[%swap3A_754, %swap3A_755], %swap3A_758 {strides = array<i32>} : memref<16x1024xf32, #tpu.memory_space<vmem>>, vector<1x16xf32>,
          %get3A_759 = arith.constant 0 : i32
          %get3A_760 = arith.constant 0 : i32
          %get3A_761 = tpu.memref_slice %run_scoped3A[%rem3A_266, %get3A_759, %get3A_760] : memref<2x16x1024xf32, #tpu.memory_space<vmem>> -> memref<1x16x1024xf32, #tpu.memory_space<vmem>>
          %get3A_762 = tpu.memref_squeeze %get3A_761 : memref<1x16x1024xf32, #tpu.memory_space<vmem>> -> memref<16x1024xf32, #tpu.memory_space<vmem>>
          %get3A_763 = arith.index_cast %add3A_396 : i32 to index
          %get3A_764 = arith.constant 224 : index
          %get3A_765 = tpu.vector_load %get3A_762[%get3A_763, %get3A_764] {strides = array<i32>} : memref<16x1024xf32, #tpu.memory_space<vmem>>, vector<1x16xf32>,
          %get3A_766 = vector.shape_cast %get3A_765 : vector<1x16xf32> to vector<16xf32>
          %get3A_767 = arith.constant 0 : i32
          %get3A_768 = arith.constant 0 : i32
          %get3A_769 = tpu.memref_slice %run_scoped3A_8[%rem3A_268, %get3A_767, %get3A_768] : memref<2x16x1024xf32, #tpu.memory_space<vmem>> -> memref<1x16x1024xf32, #tpu.memory_space<vmem>>
          %get3A_770 = tpu.memref_squeeze %get3A_769 : memref<1x16x1024xf32, #tpu.memory_space<vmem>> -> memref<16x1024xf32, #tpu.memory_space<vmem>>
          %get3A_771 = arith.index_cast %add3A_396 : i32 to index
          %get3A_772 = arith.constant 224 : index
          %get3A_773 = tpu.vector_load %get3A_770[%get3A_771, %get3A_772] {strides = array<i32>} : memref<16x1024xf32, #tpu.memory_space<vmem>>, vector<1x16xf32>,
          %get3A_774 = vector.shape_cast %get3A_773 : vector<1x16xf32> to vector<16xf32>
          %add3A_775 = arith.addf %get3A_766, %get3A_774 : vector<16xf32>
          %swap3A_776 = arith.constant 0 : i32
          %swap3A_777 = arith.constant 0 : i32
          %swap3A_778 = tpu.memref_slice %run_scoped3A_10[%rem3A_270, %swap3A_776, %swap3A_777] : memref<2x16x1024xf32, #tpu.memory_space<vmem>> -> memref<1x16x1024xf32, #tpu.memory_space<vmem>>
          %swap3A_779 = tpu.memref_squeeze %swap3A_778 : memref<1x16x1024xf32, #tpu.memory_space<vmem>> -> memref<16x1024xf32, #tpu.memory_space<vmem>>
          %swap3A_780 = arith.index_cast %add3A_396 : i32 to index
          %swap3A_781 = arith.constant 224 : index
          %swap3A_782 = tpu.vector_load %swap3A_779[%swap3A_780, %swap3A_781] {strides = array<i32>} : memref<16x1024xf32, #tpu.memory_space<vmem>>, vector<1x16xf32>,
          %swap3A_783 = vector.shape_cast %swap3A_782 : vector<1x16xf32> to vector<16xf32>
          %swap3A_784 = vector.shape_cast %add3A_775 : vector<16xf32> to vector<1x16xf32>
          tpu.vector_store %swap3A_779[%swap3A_780, %swap3A_781], %swap3A_784 {strides = array<i32>} : memref<16x1024xf32, #tpu.memory_space<vmem>>, vector<1x16xf32>,
          %get3A_785 = arith.constant 0 : i32
          %get3A_786 = arith.constant 0 : i32
          %get3A_787 = tpu.memref_slice %run_scoped3A[%rem3A_266, %get3A_785, %get3A_786] : memref<2x16x1024xf32, #tpu.memory_space<vmem>> -> memref<1x16x1024xf32, #tpu.memory_space<vmem>>
          %get3A_788 = tpu.memref_squeeze %get3A_787 : memref<1x16x1024xf32, #tpu.memory_space<vmem>> -> memref<16x1024xf32, #tpu.memory_space<vmem>>
          %get3A_789 = arith.index_cast %add3A_396 : i32 to index
          %get3A_790 = arith.constant 240 : index
          %get3A_791 = tpu.vector_load %get3A_788[%get3A_789, %get3A_790] {strides = array<i32>} : memref<16x1024xf32, #tpu.memory_space<vmem>>, vector<1x16xf32>,
          %get3A_792 = vector.shape_cast %get3A_791 : vector<1x16xf32> to vector<16xf32>
          %get3A_793 = arith.constant 0 : i32
          %get3A_794 = arith.constant 0 : i32
          %get3A_795 = tpu.memref_slice %run_scoped3A_8[%rem3A_268, %get3A_793, %get3A_794] : memref<2x16x1024xf32, #tpu.memory_space<vmem>> -> memref<1x16x1024xf32, #tpu.memory_space<vmem>>
          %get3A_796 = tpu.memref_squeeze %get3A_795 : memref<1x16x1024xf32, #tpu.memory_space<vmem>> -> memref<16x1024xf32, #tpu.memory_space<vmem>>
          %get3A_797 = arith.index_cast %add3A_396 : i32 to index
          %get3A_798 = arith.constant 240 : index
          %get3A_799 = tpu.vector_load %get3A_796[%get3A_797, %get3A_798] {strides = array<i32>} : memref<16x1024xf32, #tpu.memory_space<vmem>>, vector<1x16xf32>,
          %get3A_800 = vector.shape_cast %get3A_799 : vector<1x16xf32> to vector<16xf32>
          %add3A_801 = arith.addf %get3A_792, %get3A_800 : vector<16xf32>
          %swap3A_802 = arith.constant 0 : i32
          %swap3A_803 = arith.constant 0 : i32
          %swap3A_804 = tpu.memref_slice %run_scoped3A_10[%rem3A_270, %swap3A_802, %swap3A_803] : memref<2x16x1024xf32, #tpu.memory_space<vmem>> -> memref<1x16x1024xf32, #tpu.memory_space<vmem>>
          %swap3A_805 = tpu.memref_squeeze %swap3A_804 : memref<1x16x1024xf32, #tpu.memory_space<vmem>> -> memref<16x1024xf32, #tpu.memory_space<vmem>>
          %swap3A_806 = arith.index_cast %add3A_396 : i32 to index
          %swap3A_807 = arith.constant 240 : index
          %swap3A_808 = tpu.vector_load %swap3A_805[%swap3A_806, %swap3A_807] {strides = array<i32>} : memref<16x1024xf32, #tpu.memory_space<vmem>>, vector<1x16xf32>,
          %swap3A_809 = vector.shape_cast %swap3A_808 : vector<1x16xf32> to vector<16xf32>
          %swap3A_810 = vector.shape_cast %add3A_801 : vector<16xf32> to vector<1x16xf32>
          tpu.vector_store %swap3A_805[%swap3A_806, %swap3A_807], %swap3A_810 {strides = array<i32>} : memref<16x1024xf32, #tpu.memory_space<vmem>>, vector<1x16xf32>,
          %get3A_811 = arith.constant 0 : i32
          %get3A_812 = arith.constant 0 : i32
          %get3A_813 = tpu.memref_slice %run_scoped3A[%rem3A_266, %get3A_811, %get3A_812] : memref<2x16x1024xf32, #tpu.memory_space<vmem>> -> memref<1x16x1024xf32, #tpu.memory_space<vmem>>
          %get3A_814 = tpu.memref_squeeze %get3A_813 : memref<1x16x1024xf32, #tpu.memory_space<vmem>> -> memref<16x1024xf32, #tpu.memory_space<vmem>>
          %get3A_815 = arith.index_cast %add3A_396 : i32 to index
          %get3A_816 = arith.constant 256 : index
          %get3A_817 = tpu.vector_load %get3A_814[%get3A_815, %get3A_816] {strides = array<i32>} : memref<16x1024xf32, #tpu.memory_space<vmem>>, vector<1x16xf32>,
          %get3A_818 = vector.shape_cast %get3A_817 : vector<1x16xf32> to vector<16xf32>
          %get3A_819 = arith.constant 0 : i32
          %get3A_820 = arith.constant 0 : i32
          %get3A_821 = tpu.memref_slice %run_scoped3A_8[%rem3A_268, %get3A_819, %get3A_820] : memref<2x16x1024xf32, #tpu.memory_space<vmem>> -> memref<1x16x1024xf32, #tpu.memory_space<vmem>>
          %get3A_822 = tpu.memref_squeeze %get3A_821 : memref<1x16x1024xf32, #tpu.memory_space<vmem>> -> memref<16x1024xf32, #tpu.memory_space<vmem>>
          %get3A_823 = arith.index_cast %add3A_396 : i32 to index
          %get3A_824 = arith.constant 256 : index
          %get3A_825 = tpu.vector_load %get3A_822[%get3A_823, %get3A_824] {strides = array<i32>} : memref<16x1024xf32, #tpu.memory_space<vmem>>, vector<1x16xf32>,
          %get3A_826 = vector.shape_cast %get3A_825 : vector<1x16xf32> to vector<16xf32>
          %add3A_827 = arith.addf %get3A_818, %get3A_826 : vector<16xf32>
          %swap3A_828 = arith.constant 0 : i32
          %swap3A_829 = arith.constant 0 : i32
          %swap3A_830 = tpu.memref_slice %run_scoped3A_10[%rem3A_270, %swap3A_828, %swap3A_829] : memref<2x16x1024xf32, #tpu.memory_space<vmem>> -> memref<1x16x1024xf32, #tpu.memory_space<vmem>>
          %swap3A_831 = tpu.memref_squeeze %swap3A_830 : memref<1x16x1024xf32, #tpu.memory_space<vmem>> -> memref<16x1024xf32, #tpu.memory_space<vmem>>
          %swap3A_832 = arith.index_cast %add3A_396 : i32 to index
          %swap3A_833 = arith.constant 256 : index
          %swap3A_834 = tpu.vector_load %swap3A_831[%swap3A_832, %swap3A_833] {strides = array<i32>} : memref<16x1024xf32, #tpu.memory_space<vmem>>, vector<1x16xf32>,
          %swap3A_835 = vector.shape_cast %swap3A_834 : vector<1x16xf32> to vector<16xf32>
          %swap3A_836 = vector.shape_cast %add3A_827 : vector<16xf32> to vector<1x16xf32>
          tpu.vector_store %swap3A_831[%swap3A_832, %swap3A_833], %swap3A_836 {strides = array<i32>} : memref<16x1024xf32, #tpu.memory_space<vmem>>, vector<1x16xf32>,
          %get3A_837 = arith.constant 0 : i32
          %get3A_838 = arith.constant 0 : i32
          %get3A_839 = tpu.memref_slice %run_scoped3A[%rem3A_266, %get3A_837, %get3A_838] : memref<2x16x1024xf32, #tpu.memory_space<vmem>> -> memref<1x16x1024xf32, #tpu.memory_space<vmem>>
          %get3A_840 = tpu.memref_squeeze %get3A_839 : memref<1x16x1024xf32, #tpu.memory_space<vmem>> -> memref<16x1024xf32, #tpu.memory_space<vmem>>
          %get3A_841 = arith.index_cast %add3A_396 : i32 to index
          %get3A_842 = arith.constant 272 : index
          %get3A_843 = tpu.vector_load %get3A_840[%get3A_841, %get3A_842] {strides = array<i32>} : memref<16x1024xf32, #tpu.memory_space<vmem>>, vector<1x16xf32>,
          %get3A_844 = vector.shape_cast %get3A_843 : vector<1x16xf32> to vector<16xf32>
          %get3A_845 = arith.constant 0 : i32
          %get3A_846 = arith.constant 0 : i32
          %get3A_847 = tpu.memref_slice %run_scoped3A_8[%rem3A_268, %get3A_845, %get3A_846] : memref<2x16x1024xf32, #tpu.memory_space<vmem>> -> memref<1x16x1024xf32, #tpu.memory_space<vmem>>
          %get3A_848 = tpu.memref_squeeze %get3A_847 : memref<1x16x1024xf32, #tpu.memory_space<vmem>> -> memref<16x1024xf32, #tpu.memory_space<vmem>>
          %get3A_849 = arith.index_cast %add3A_396 : i32 to index
          %get3A_850 = arith.constant 272 : index
          %get3A_851 = tpu.vector_load %get3A_848[%get3A_849, %get3A_850] {strides = array<i32>} : memref<16x1024xf32, #tpu.memory_space<vmem>>, vector<1x16xf32>,
          %get3A_852 = vector.shape_cast %get3A_851 : vector<1x16xf32> to vector<16xf32>
          %add3A_853 = arith.addf %get3A_844, %get3A_852 : vector<16xf32>
          %swap3A_854 = arith.constant 0 : i32
          %swap3A_855 = arith.constant 0 : i32
          %swap3A_856 = tpu.memref_slice %run_scoped3A_10[%rem3A_270, %swap3A_854, %swap3A_855] : memref<2x16x1024xf32, #tpu.memory_space<vmem>> -> memref<1x16x1024xf32, #tpu.memory_space<vmem>>
          %swap3A_857 = tpu.memref_squeeze %swap3A_856 : memref<1x16x1024xf32, #tpu.memory_space<vmem>> -> memref<16x1024xf32, #tpu.memory_space<vmem>>
          %swap3A_858 = arith.index_cast %add3A_396 : i32 to index
          %swap3A_859 = arith.constant 272 : index
          %swap3A_860 = tpu.vector_load %swap3A_857[%swap3A_858, %swap3A_859] {strides = array<i32>} : memref<16x1024xf32, #tpu.memory_space<vmem>>, vector<1x16xf32>,
          %swap3A_861 = vector.shape_cast %swap3A_860 : vector<1x16xf32> to vector<16xf32>
          %swap3A_862 = vector.shape_cast %add3A_853 : vector<16xf32> to vector<1x16xf32>
          tpu.vector_store %swap3A_857[%swap3A_858, %swap3A_859], %swap3A_862 {strides = array<i32>} : memref<16x1024xf32, #tpu.memory_space<vmem>>, vector<1x16xf32>,
          %get3A_863 = arith.constant 0 : i32
          %get3A_864 = arith.constant 0 : i32
          %get3A_865 = tpu.memref_slice %run_scoped3A[%rem3A_266, %get3A_863, %get3A_864] : memref<2x16x1024xf32, #tpu.memory_space<vmem>> -> memref<1x16x1024xf32, #tpu.memory_space<vmem>>
          %get3A_866 = tpu.memref_squeeze %get3A_865 : memref<1x16x1024xf32, #tpu.memory_space<vmem>> -> memref<16x1024xf32, #tpu.memory_space<vmem>>
          %get3A_867 = arith.index_cast %add3A_396 : i32 to index
          %get3A_868 = arith.constant 288 : index
          %get3A_869 = tpu.vector_load %get3A_866[%get3A_867, %get3A_868] {strides = array<i32>} : memref<16x1024xf32, #tpu.memory_space<vmem>>, vector<1x16xf32>,
          %get3A_870 = vector.shape_cast %get3A_869 : vector<1x16xf32> to vector<16xf32>
          %get3A_871 = arith.constant 0 : i32
          %get3A_872 = arith.constant 0 : i32
          %get3A_873 = tpu.memref_slice %run_scoped3A_8[%rem3A_268, %get3A_871, %get3A_872] : memref<2x16x1024xf32, #tpu.memory_space<vmem>> -> memref<1x16x1024xf32, #tpu.memory_space<vmem>>
          %get3A_874 = tpu.memref_squeeze %get3A_873 : memref<1x16x1024xf32, #tpu.memory_space<vmem>> -> memref<16x1024xf32, #tpu.memory_space<vmem>>
          %get3A_875 = arith.index_cast %add3A_396 : i32 to index
          %get3A_876 = arith.constant 288 : index
          %get3A_877 = tpu.vector_load %get3A_874[%get3A_875, %get3A_876] {strides = array<i32>} : memref<16x1024xf32, #tpu.memory_space<vmem>>, vector<1x16xf32>,
          %get3A_878 = vector.shape_cast %get3A_877 : vector<1x16xf32> to vector<16xf32>
          %add3A_879 = arith.addf %get3A_870, %get3A_878 : vector<16xf32>
          %swap3A_880 = arith.constant 0 : i32
          %swap3A_881 = arith.constant 0 : i32
          %swap3A_882 = tpu.memref_slice %run_scoped3A_10[%rem3A_270, %swap3A_880, %swap3A_881] : memref<2x16x1024xf32, #tpu.memory_space<vmem>> -> memref<1x16x1024xf32, #tpu.memory_space<vmem>>
          %swap3A_883 = tpu.memref_squeeze %swap3A_882 : memref<1x16x1024xf32, #tpu.memory_space<vmem>> -> memref<16x1024xf32, #tpu.memory_space<vmem>>
          %swap3A_884 = arith.index_cast %add3A_396 : i32 to index
          %swap3A_885 = arith.constant 288 : index
          %swap3A_886 = tpu.vector_load %swap3A_883[%swap3A_884, %swap3A_885] {strides = array<i32>} : memref<16x1024xf32, #tpu.memory_space<vmem>>, vector<1x16xf32>,
          %swap3A_887 = vector.shape_cast %swap3A_886 : vector<1x16xf32> to vector<16xf32>
          %swap3A_888 = vector.shape_cast %add3A_879 : vector<16xf32> to vector<1x16xf32>
          tpu.vector_store %swap3A_883[%swap3A_884, %swap3A_885], %swap3A_888 {strides = array<i32>} : memref<16x1024xf32, #tpu.memory_space<vmem>>, vector<1x16xf32>,
          %get3A_889 = arith.constant 0 : i32
          %get3A_890 = arith.constant 0 : i32
          %get3A_891 = tpu.memref_slice %run_scoped3A[%rem3A_266, %get3A_889, %get3A_890] : memref<2x16x1024xf32, #tpu.memory_space<vmem>> -> memref<1x16x1024xf32, #tpu.memory_space<vmem>>
          %get3A_892 = tpu.memref_squeeze %get3A_891 : memref<1x16x1024xf32, #tpu.memory_space<vmem>> -> memref<16x1024xf32, #tpu.memory_space<vmem>>
          %get3A_893 = arith.index_cast %add3A_396 : i32 to index
          %get3A_894 = arith.constant 304 : index
          %get3A_895 = tpu.vector_load %get3A_892[%get3A_893, %get3A_894] {strides = array<i32>} : memref<16x1024xf32, #tpu.memory_space<vmem>>, vector<1x16xf32>,
          %get3A_896 = vector.shape_cast %get3A_895 : vector<1x16xf32> to vector<16xf32>
          %get3A_897 = arith.constant 0 : i32
          %get3A_898 = arith.constant 0 : i32
          %get3A_899 = tpu.memref_slice %run_scoped3A_8[%rem3A_268, %get3A_897, %get3A_898] : memref<2x16x1024xf32, #tpu.memory_space<vmem>> -> memref<1x16x1024xf32, #tpu.memory_space<vmem>>
          %get3A_900 = tpu.memref_squeeze %get3A_899 : memref<1x16x1024xf32, #tpu.memory_space<vmem>> -> memref<16x1024xf32, #tpu.memory_space<vmem>>
          %get3A_901 = arith.index_cast %add3A_396 : i32 to index
          %get3A_902 = arith.constant 304 : index
          %get3A_903 = tpu.vector_load %get3A_900[%get3A_901, %get3A_902] {strides = array<i32>} : memref<16x1024xf32, #tpu.memory_space<vmem>>, vector<1x16xf32>,
          %get3A_904 = vector.shape_cast %get3A_903 : vector<1x16xf32> to vector<16xf32>
          %add3A_905 = arith.addf %get3A_896, %get3A_904 : vector<16xf32>
          %swap3A_906 = arith.constant 0 : i32
          %swap3A_907 = arith.constant 0 : i32
          %swap3A_908 = tpu.memref_slice %run_scoped3A_10[%rem3A_270, %swap3A_906, %swap3A_907] : memref<2x16x1024xf32, #tpu.memory_space<vmem>> -> memref<1x16x1024xf32, #tpu.memory_space<vmem>>
          %swap3A_909 = tpu.memref_squeeze %swap3A_908 : memref<1x16x1024xf32, #tpu.memory_space<vmem>> -> memref<16x1024xf32, #tpu.memory_space<vmem>>
          %swap3A_910 = arith.index_cast %add3A_396 : i32 to index
          %swap3A_911 = arith.constant 304 : index
          %swap3A_912 = tpu.vector_load %swap3A_909[%swap3A_910, %swap3A_911] {strides = array<i32>} : memref<16x1024xf32, #tpu.memory_space<vmem>>, vector<1x16xf32>,
          %swap3A_913 = vector.shape_cast %swap3A_912 : vector<1x16xf32> to vector<16xf32>
          %swap3A_914 = vector.shape_cast %add3A_905 : vector<16xf32> to vector<1x16xf32>
          tpu.vector_store %swap3A_909[%swap3A_910, %swap3A_911], %swap3A_914 {strides = array<i32>} : memref<16x1024xf32, #tpu.memory_space<vmem>>, vector<1x16xf32>,
          %get3A_915 = arith.constant 0 : i32
          %get3A_916 = arith.constant 0 : i32
          %get3A_917 = tpu.memref_slice %run_scoped3A[%rem3A_266, %get3A_915, %get3A_916] : memref<2x16x1024xf32, #tpu.memory_space<vmem>> -> memref<1x16x1024xf32, #tpu.memory_space<vmem>>
          %get3A_918 = tpu.memref_squeeze %get3A_917 : memref<1x16x1024xf32, #tpu.memory_space<vmem>> -> memref<16x1024xf32, #tpu.memory_space<vmem>>
          %get3A_919 = arith.index_cast %add3A_396 : i32 to index
          %get3A_920 = arith.constant 320 : index
          %get3A_921 = tpu.vector_load %get3A_918[%get3A_919, %get3A_920] {strides = array<i32>} : memref<16x1024xf32, #tpu.memory_space<vmem>>, vector<1x16xf32>,
          %get3A_922 = vector.shape_cast %get3A_921 : vector<1x16xf32> to vector<16xf32>
          %get3A_923 = arith.constant 0 : i32
          %get3A_924 = arith.constant 0 : i32
          %get3A_925 = tpu.memref_slice %run_scoped3A_8[%rem3A_268, %get3A_923, %get3A_924] : memref<2x16x1024xf32, #tpu.memory_space<vmem>> -> memref<1x16x1024xf32, #tpu.memory_space<vmem>>
          %get3A_926 = tpu.memref_squeeze %get3A_925 : memref<1x16x1024xf32, #tpu.memory_space<vmem>> -> memref<16x1024xf32, #tpu.memory_space<vmem>>
          %get3A_927 = arith.index_cast %add3A_396 : i32 to index
          %get3A_928 = arith.constant 320 : index
          %get3A_929 = tpu.vector_load %get3A_926[%get3A_927, %get3A_928] {strides = array<i32>} : memref<16x1024xf32, #tpu.memory_space<vmem>>, vector<1x16xf32>,
          %get3A_930 = vector.shape_cast %get3A_929 : vector<1x16xf32> to vector<16xf32>
          %add3A_931 = arith.addf %get3A_922, %get3A_930 : vector<16xf32>
          %swap3A_932 = arith.constant 0 : i32
          %swap3A_933 = arith.constant 0 : i32
          %swap3A_934 = tpu.memref_slice %run_scoped3A_10[%rem3A_270, %swap3A_932, %swap3A_933] : memref<2x16x1024xf32, #tpu.memory_space<vmem>> -> memref<1x16x1024xf32, #tpu.memory_space<vmem>>
          %swap3A_935 = tpu.memref_squeeze %swap3A_934 : memref<1x16x1024xf32, #tpu.memory_space<vmem>> -> memref<16x1024xf32, #tpu.memory_space<vmem>>
          %swap3A_936 = arith.index_cast %add3A_396 : i32 to index
          %swap3A_937 = arith.constant 320 : index
          %swap3A_938 = tpu.vector_load %swap3A_935[%swap3A_936, %swap3A_937] {strides = array<i32>} : memref<16x1024xf32, #tpu.memory_space<vmem>>, vector<1x16xf32>,
          %swap3A_939 = vector.shape_cast %swap3A_938 : vector<1x16xf32> to vector<16xf32>
          %swap3A_940 = vector.shape_cast %add3A_931 : vector<16xf32> to vector<1x16xf32>
          tpu.vector_store %swap3A_935[%swap3A_936, %swap3A_937], %swap3A_940 {strides = array<i32>} : memref<16x1024xf32, #tpu.memory_space<vmem>>, vector<1x16xf32>,
          %get3A_941 = arith.constant 0 : i32
          %get3A_942 = arith.constant 0 : i32
          %get3A_943 = tpu.memref_slice %run_scoped3A[%rem3A_266, %get3A_941, %get3A_942] : memref<2x16x1024xf32, #tpu.memory_space<vmem>> -> memref<1x16x1024xf32, #tpu.memory_space<vmem>>
          %get3A_944 = tpu.memref_squeeze %get3A_943 : memref<1x16x1024xf32, #tpu.memory_space<vmem>> -> memref<16x1024xf32, #tpu.memory_space<vmem>>
          %get3A_945 = arith.index_cast %add3A_396 : i32 to index
          %get3A_946 = arith.constant 336 : index
          %get3A_947 = tpu.vector_load %get3A_944[%get3A_945, %get3A_946] {strides = array<i32>} : memref<16x1024xf32, #tpu.memory_space<vmem>>, vector<1x16xf32>,
          %get3A_948 = vector.shape_cast %get3A_947 : vector<1x16xf32> to vector<16xf32>
          %get3A_949 = arith.constant 0 : i32
          %get3A_950 = arith.constant 0 : i32
          %get3A_951 = tpu.memref_slice %run_scoped3A_8[%rem3A_268, %get3A_949, %get3A_950] : memref<2x16x1024xf32, #tpu.memory_space<vmem>> -> memref<1x16x1024xf32, #tpu.memory_space<vmem>>
          %get3A_952 = tpu.memref_squeeze %get3A_951 : memref<1x16x1024xf32, #tpu.memory_space<vmem>> -> memref<16x1024xf32, #tpu.memory_space<vmem>>
          %get3A_953 = arith.index_cast %add3A_396 : i32 to index
          %get3A_954 = arith.constant 336 : index
          %get3A_955 = tpu.vector_load %get3A_952[%get3A_953, %get3A_954] {strides = array<i32>} : memref<16x1024xf32, #tpu.memory_space<vmem>>, vector<1x16xf32>,
          %get3A_956 = vector.shape_cast %get3A_955 : vector<1x16xf32> to vector<16xf32>
          %add3A_957 = arith.addf %get3A_948, %get3A_956 : vector<16xf32>
          %swap3A_958 = arith.constant 0 : i32
          %swap3A_959 = arith.constant 0 : i32
          %swap3A_960 = tpu.memref_slice %run_scoped3A_10[%rem3A_270, %swap3A_958, %swap3A_959] : memref<2x16x1024xf32, #tpu.memory_space<vmem>> -> memref<1x16x1024xf32, #tpu.memory_space<vmem>>
          %swap3A_961 = tpu.memref_squeeze %swap3A_960 : memref<1x16x1024xf32, #tpu.memory_space<vmem>> -> memref<16x1024xf32, #tpu.memory_space<vmem>>
          %swap3A_962 = arith.index_cast %add3A_396 : i32 to index
          %swap3A_963 = arith.constant 336 : index
          %swap3A_964 = tpu.vector_load %swap3A_961[%swap3A_962, %swap3A_963] {strides = array<i32>} : memref<16x1024xf32, #tpu.memory_space<vmem>>, vector<1x16xf32>,
          %swap3A_965 = vector.shape_cast %swap3A_964 : vector<1x16xf32> to vector<16xf32>
          %swap3A_966 = vector.shape_cast %add3A_957 : vector<16xf32> to vector<1x16xf32>
          tpu.vector_store %swap3A_961[%swap3A_962, %swap3A_963], %swap3A_966 {strides = array<i32>} : memref<16x1024xf32, #tpu.memory_space<vmem>>, vector<1x16xf32>,
          %get3A_967 = arith.constant 0 : i32
          %get3A_968 = arith.constant 0 : i32
          %get3A_969 = tpu.memref_slice %run_scoped3A[%rem3A_266, %get3A_967, %get3A_968] : memref<2x16x1024xf32, #tpu.memory_space<vmem>> -> memref<1x16x1024xf32, #tpu.memory_space<vmem>>
          %get3A_970 = tpu.memref_squeeze %get3A_969 : memref<1x16x1024xf32, #tpu.memory_space<vmem>> -> memref<16x1024xf32, #tpu.memory_space<vmem>>
          %get3A_971 = arith.index_cast %add3A_396 : i32 to index
          %get3A_972 = arith.constant 352 : index
          %get3A_973 = tpu.vector_load %get3A_970[%get3A_971, %get3A_972] {strides = array<i32>} : memref<16x1024xf32, #tpu.memory_space<vmem>>, vector<1x16xf32>,
          %get3A_974 = vector.shape_cast %get3A_973 : vector<1x16xf32> to vector<16xf32>
          %get3A_975 = arith.constant 0 : i32
          %get3A_976 = arith.constant 0 : i32
          %get3A_977 = tpu.memref_slice %run_scoped3A_8[%rem3A_268, %get3A_975, %get3A_976] : memref<2x16x1024xf32, #tpu.memory_space<vmem>> -> memref<1x16x1024xf32, #tpu.memory_space<vmem>>
          %get3A_978 = tpu.memref_squeeze %get3A_977 : memref<1x16x1024xf32, #tpu.memory_space<vmem>> -> memref<16x1024xf32, #tpu.memory_space<vmem>>
          %get3A_979 = arith.index_cast %add3A_396 : i32 to index
          %get3A_980 = arith.constant 352 : index
          %get3A_981 = tpu.vector_load %get3A_978[%get3A_979, %get3A_980] {strides = array<i32>} : memref<16x1024xf32, #tpu.memory_space<vmem>>, vector<1x16xf32>,
          %get3A_982 = vector.shape_cast %get3A_981 : vector<1x16xf32> to vector<16xf32>
          %add3A_983 = arith.addf %get3A_974, %get3A_982 : vector<16xf32>
          %swap3A_984 = arith.constant 0 : i32
          %swap3A_985 = arith.constant 0 : i32
          %swap3A_986 = tpu.memref_slice %run_scoped3A_10[%rem3A_270, %swap3A_984, %swap3A_985] : memref<2x16x1024xf32, #tpu.memory_space<vmem>> -> memref<1x16x1024xf32, #tpu.memory_space<vmem>>
          %swap3A_987 = tpu.memref_squeeze %swap3A_986 : memref<1x16x1024xf32, #tpu.memory_space<vmem>> -> memref<16x1024xf32, #tpu.memory_space<vmem>>
          %swap3A_988 = arith.index_cast %add3A_396 : i32 to index
          %swap3A_989 = arith.constant 352 : index
          %swap3A_990 = tpu.vector_load %swap3A_987[%swap3A_988, %swap3A_989] {strides = array<i32>} : memref<16x1024xf32, #tpu.memory_space<vmem>>, vector<1x16xf32>,
          %swap3A_991 = vector.shape_cast %swap3A_990 : vector<1x16xf32> to vector<16xf32>
          %swap3A_992 = vector.shape_cast %add3A_983 : vector<16xf32> to vector<1x16xf32>
          tpu.vector_store %swap3A_987[%swap3A_988, %swap3A_989], %swap3A_992 {strides = array<i32>} : memref<16x1024xf32, #tpu.memory_space<vmem>>, vector<1x16xf32>,
          %get3A_993 = arith.constant 0 : i32
          %get3A_994 = arith.constant 0 : i32
          %get3A_995 = tpu.memref_slice %run_scoped3A[%rem3A_266, %get3A_993, %get3A_994] : memref<2x16x1024xf32, #tpu.memory_space<vmem>> -> memref<1x16x1024xf32, #tpu.memory_space<vmem>>
          %get3A_996 = tpu.memref_squeeze %get3A_995 : memref<1x16x1024xf32, #tpu.memory_space<vmem>> -> memref<16x1024xf32, #tpu.memory_space<vmem>>
          %get3A_997 = arith.index_cast %add3A_396 : i32 to index
          %get3A_998 = arith.constant 368 : index
          %get3A_999 = tpu.vector_load %get3A_996[%get3A_997, %get3A_998] {strides = array<i32>} : memref<16x1024xf32, #tpu.memory_space<vmem>>, vector<1x16xf32>,
          %get3A_1000 = vector.shape_cast %get3A_999 : vector<1x16xf32> to vector<16xf32>
          %get3A_1001 = arith.constant 0 : i32
          %get3A_1002 = arith.constant 0 : i32
          %get3A_1003 = tpu.memref_slice %run_scoped3A_8[%rem3A_268, %get3A_1001, %get3A_1002] : memref<2x16x1024xf32, #tpu.memory_space<vmem>> -> memref<1x16x1024xf32, #tpu.memory_space<vmem>>
          %get3A_1004 = tpu.memref_squeeze %get3A_1003 : memref<1x16x1024xf32, #tpu.memory_space<vmem>> -> memref<16x1024xf32, #tpu.memory_space<vmem>>
          %get3A_1005 = arith.index_cast %add3A_396 : i32 to index
          %get3A_1006 = arith.constant 368 : index
          %get3A_1007 = tpu.vector_load %get3A_1004[%get3A_1005, %get3A_1006] {strides = array<i32>} : memref<16x1024xf32, #tpu.memory_space<vmem>>, vector<1x16xf32>,
          %get3A_1008 = vector.shape_cast %get3A_1007 : vector<1x16xf32> to vector<16xf32>
          %add3A_1009 = arith.addf %get3A_1000, %get3A_1008 : vector<16xf32>
          %swap3A_1010 = arith.constant 0 : i32
          %swap3A_1011 = arith.constant 0 : i32
          %swap3A_1012 = tpu.memref_slice %run_scoped3A_10[%rem3A_270, %swap3A_1010, %swap3A_1011] : memref<2x16x1024xf32, #tpu.memory_space<vmem>> -> memref<1x16x1024xf32, #tpu.memory_space<vmem>>
          %swap3A_1013 = tpu.memref_squeeze %swap3A_1012 : memref<1x16x1024xf32, #tpu.memory_space<vmem>> -> memref<16x1024xf32, #tpu.memory_space<vmem>>
          %swap3A_1014 = arith.index_cast %add3A_396 : i32 to index
          %swap3A_1015 = arith.constant 368 : index
          %swap3A_1016 = tpu.vector_load %swap3A_1013[%swap3A_1014, %swap3A_1015] {strides = array<i32>} : memref<16x1024xf32, #tpu.memory_space<vmem>>, vector<1x16xf32>,
          %swap3A_1017 = vector.shape_cast %swap3A_1016 : vector<1x16xf32> to vector<16xf32>
          %swap3A_1018 = vector.shape_cast %add3A_1009 : vector<16xf32> to vector<1x16xf32>
          tpu.vector_store %swap3A_1013[%swap3A_1014, %swap3A_1015], %swap3A_1018 {strides = array<i32>} : memref<16x1024xf32, #tpu.memory_space<vmem>>, vector<1x16xf32>,
          %get3A_1019 = arith.constant 0 : i32
          %get3A_1020 = arith.constant 0 : i32
          %get3A_1021 = tpu.memref_slice %run_scoped3A[%rem3A_266, %get3A_1019, %get3A_1020] : memref<2x16x1024xf32, #tpu.memory_space<vmem>> -> memref<1x16x1024xf32, #tpu.memory_space<vmem>>
          %get3A_1022 = tpu.memref_squeeze %get3A_1021 : memref<1x16x1024xf32, #tpu.memory_space<vmem>> -> memref<16x1024xf32, #tpu.memory_space<vmem>>
          %get3A_1023 = arith.index_cast %add3A_396 : i32 to index
          %get3A_1024 = arith.constant 384 : index
          %get3A_1025 = tpu.vector_load %get3A_1022[%get3A_1023, %get3A_1024] {strides = array<i32>} : memref<16x1024xf32, #tpu.memory_space<vmem>>, vector<1x16xf32>,
          %get3A_1026 = vector.shape_cast %get3A_1025 : vector<1x16xf32> to vector<16xf32>
          %get3A_1027 = arith.constant 0 : i32
          %get3A_1028 = arith.constant 0 : i32
          %get3A_1029 = tpu.memref_slice %run_scoped3A_8[%rem3A_268, %get3A_1027, %get3A_1028] : memref<2x16x1024xf32, #tpu.memory_space<vmem>> -> memref<1x16x1024xf32, #tpu.memory_space<vmem>>
          %get3A_1030 = tpu.memref_squeeze %get3A_1029 : memref<1x16x1024xf32, #tpu.memory_space<vmem>> -> memref<16x1024xf32, #tpu.memory_space<vmem>>
          %get3A_1031 = arith.index_cast %add3A_396 : i32 to index
          %get3A_1032 = arith.constant 384 : index
          %get3A_1033 = tpu.vector_load %get3A_1030[%get3A_1031, %get3A_1032] {strides = array<i32>} : memref<16x1024xf32, #tpu.memory_space<vmem>>, vector<1x16xf32>,
          %get3A_1034 = vector.shape_cast %get3A_1033 : vector<1x16xf32> to vector<16xf32>
          %add3A_1035 = arith.addf %get3A_1026, %get3A_1034 : vector<16xf32>
          %swap3A_1036 = arith.constant 0 : i32
          %swap3A_1037 = arith.constant 0 : i32
          %swap3A_1038 = tpu.memref_slice %run_scoped3A_10[%rem3A_270, %swap3A_1036, %swap3A_1037] : memref<2x16x1024xf32, #tpu.memory_space<vmem>> -> memref<1x16x1024xf32, #tpu.memory_space<vmem>>
          %swap3A_1039 = tpu.memref_squeeze %swap3A_1038 : memref<1x16x1024xf32, #tpu.memory_space<vmem>> -> memref<16x1024xf32, #tpu.memory_space<vmem>>
          %swap3A_1040 = arith.index_cast %add3A_396 : i32 to index
          %swap3A_1041 = arith.constant 384 : index
          %swap3A_1042 = tpu.vector_load %swap3A_1039[%swap3A_1040, %swap3A_1041] {strides = array<i32>} : memref<16x1024xf32, #tpu.memory_space<vmem>>, vector<1x16xf32>,
          %swap3A_1043 = vector.shape_cast %swap3A_1042 : vector<1x16xf32> to vector<16xf32>
          %swap3A_1044 = vector.shape_cast %add3A_1035 : vector<16xf32> to vector<1x16xf32>
          tpu.vector_store %swap3A_1039[%swap3A_1040, %swap3A_1041], %swap3A_1044 {strides = array<i32>} : memref<16x1024xf32, #tpu.memory_space<vmem>>, vector<1x16xf32>,
          %get3A_1045 = arith.constant 0 : i32
          %get3A_1046 = arith.constant 0 : i32
          %get3A_1047 = tpu.memref_slice %run_scoped3A[%rem3A_266, %get3A_1045, %get3A_1046] : memref<2x16x1024xf32, #tpu.memory_space<vmem>> -> memref<1x16x1024xf32, #tpu.memory_space<vmem>>
          %get3A_1048 = tpu.memref_squeeze %get3A_1047 : memref<1x16x1024xf32, #tpu.memory_space<vmem>> -> memref<16x1024xf32, #tpu.memory_space<vmem>>
          %get3A_1049 = arith.index_cast %add3A_396 : i32 to index
          %get3A_1050 = arith.constant 400 : index
          %get3A_1051 = tpu.vector_load %get3A_1048[%get3A_1049, %get3A_1050] {strides = array<i32>} : memref<16x1024xf32, #tpu.memory_space<vmem>>, vector<1x16xf32>,
          %get3A_1052 = vector.shape_cast %get3A_1051 : vector<1x16xf32> to vector<16xf32>
          %get3A_1053 = arith.constant 0 : i32
          %get3A_1054 = arith.constant 0 : i32
          %get3A_1055 = tpu.memref_slice %run_scoped3A_8[%rem3A_268, %get3A_1053, %get3A_1054] : memref<2x16x1024xf32, #tpu.memory_space<vmem>> -> memref<1x16x1024xf32, #tpu.memory_space<vmem>>
          %get3A_1056 = tpu.memref_squeeze %get3A_1055 : memref<1x16x1024xf32, #tpu.memory_space<vmem>> -> memref<16x1024xf32, #tpu.memory_space<vmem>>
          %get3A_1057 = arith.index_cast %add3A_396 : i32 to index
          %get3A_1058 = arith.constant 400 : index
          %get3A_1059 = tpu.vector_load %get3A_1056[%get3A_1057, %get3A_1058] {strides = array<i32>} : memref<16x1024xf32, #tpu.memory_space<vmem>>, vector<1x16xf32>,
          %get3A_1060 = vector.shape_cast %get3A_1059 : vector<1x16xf32> to vector<16xf32>
          %add3A_1061 = arith.addf %get3A_1052, %get3A_1060 : vector<16xf32>
          %swap3A_1062 = arith.constant 0 : i32
          %swap3A_1063 = arith.constant 0 : i32
          %swap3A_1064 = tpu.memref_slice %run_scoped3A_10[%rem3A_270, %swap3A_1062, %swap3A_1063] : memref<2x16x1024xf32, #tpu.memory_space<vmem>> -> memref<1x16x1024xf32, #tpu.memory_space<vmem>>
          %swap3A_1065 = tpu.memref_squeeze %swap3A_1064 : memref<1x16x1024xf32, #tpu.memory_space<vmem>> -> memref<16x1024xf32, #tpu.memory_space<vmem>>
          %swap3A_1066 = arith.index_cast %add3A_396 : i32 to index
          %swap3A_1067 = arith.constant 400 : index
          %swap3A_1068 = tpu.vector_load %swap3A_1065[%swap3A_1066, %swap3A_1067] {strides = array<i32>} : memref<16x1024xf32, #tpu.memory_space<vmem>>, vector<1x16xf32>,
          %swap3A_1069 = vector.shape_cast %swap3A_1068 : vector<1x16xf32> to vector<16xf32>
          %swap3A_1070 = vector.shape_cast %add3A_1061 : vector<16xf32> to vector<1x16xf32>
          tpu.vector_store %swap3A_1065[%swap3A_1066, %swap3A_1067], %swap3A_1070 {strides = array<i32>} : memref<16x1024xf32, #tpu.memory_space<vmem>>, vector<1x16xf32>,
          %get3A_1071 = arith.constant 0 : i32
          %get3A_1072 = arith.constant 0 : i32
          %get3A_1073 = tpu.memref_slice %run_scoped3A[%rem3A_266, %get3A_1071, %get3A_1072] : memref<2x16x1024xf32, #tpu.memory_space<vmem>> -> memref<1x16x1024xf32, #tpu.memory_space<vmem>>
          %get3A_1074 = tpu.memref_squeeze %get3A_1073 : memref<1x16x1024xf32, #tpu.memory_space<vmem>> -> memref<16x1024xf32, #tpu.memory_space<vmem>>
          %get3A_1075 = arith.index_cast %add3A_396 : i32 to index
          %get3A_1076 = arith.constant 416 : index
          %get3A_1077 = tpu.vector_load %get3A_1074[%get3A_1075, %get3A_1076] {strides = array<i32>} : memref<16x1024xf32, #tpu.memory_space<vmem>>, vector<1x16xf32>,
          %get3A_1078 = vector.shape_cast %get3A_1077 : vector<1x16xf32> to vector<16xf32>
          %get3A_1079 = arith.constant 0 : i32
          %get3A_1080 = arith.constant 0 : i32
          %get3A_1081 = tpu.memref_slice %run_scoped3A_8[%rem3A_268, %get3A_1079, %get3A_1080] : memref<2x16x1024xf32, #tpu.memory_space<vmem>> -> memref<1x16x1024xf32, #tpu.memory_space<vmem>>
          %get3A_1082 = tpu.memref_squeeze %get3A_1081 : memref<1x16x1024xf32, #tpu.memory_space<vmem>> -> memref<16x1024xf32, #tpu.memory_space<vmem>>
          %get3A_1083 = arith.index_cast %add3A_396 : i32 to index
          %get3A_1084 = arith.constant 416 : index
          %get3A_1085 = tpu.vector_load %get3A_1082[%get3A_1083, %get3A_1084] {strides = array<i32>} : memref<16x1024xf32, #tpu.memory_space<vmem>>, vector<1x16xf32>,
          %get3A_1086 = vector.shape_cast %get3A_1085 : vector<1x16xf32> to vector<16xf32>
          %add3A_1087 = arith.addf %get3A_1078, %get3A_1086 : vector<16xf32>
          %swap3A_1088 = arith.constant 0 : i32
          %swap3A_1089 = arith.constant 0 : i32
          %swap3A_1090 = tpu.memref_slice %run_scoped3A_10[%rem3A_270, %swap3A_1088, %swap3A_1089] : memref<2x16x1024xf32, #tpu.memory_space<vmem>> -> memref<1x16x1024xf32, #tpu.memory_space<vmem>>
          %swap3A_1091 = tpu.memref_squeeze %swap3A_1090 : memref<1x16x1024xf32, #tpu.memory_space<vmem>> -> memref<16x1024xf32, #tpu.memory_space<vmem>>
          %swap3A_1092 = arith.index_cast %add3A_396 : i32 to index
          %swap3A_1093 = arith.constant 416 : index
          %swap3A_1094 = tpu.vector_load %swap3A_1091[%swap3A_1092, %swap3A_1093] {strides = array<i32>} : memref<16x1024xf32, #tpu.memory_space<vmem>>, vector<1x16xf32>,
          %swap3A_1095 = vector.shape_cast %swap3A_1094 : vector<1x16xf32> to vector<16xf32>
          %swap3A_1096 = vector.shape_cast %add3A_1087 : vector<16xf32> to vector<1x16xf32>
          tpu.vector_store %swap3A_1091[%swap3A_1092, %swap3A_1093], %swap3A_1096 {strides = array<i32>} : memref<16x1024xf32, #tpu.memory_space<vmem>>, vector<1x16xf32>,
          %get3A_1097 = arith.constant 0 : i32
          %get3A_1098 = arith.constant 0 : i32
          %get3A_1099 = tpu.memref_slice %run_scoped3A[%rem3A_266, %get3A_1097, %get3A_1098] : memref<2x16x1024xf32, #tpu.memory_space<vmem>> -> memref<1x16x1024xf32, #tpu.memory_space<vmem>>
          %get3A_1100 = tpu.memref_squeeze %get3A_1099 : memref<1x16x1024xf32, #tpu.memory_space<vmem>> -> memref<16x1024xf32, #tpu.memory_space<vmem>>
          %get3A_1101 = arith.index_cast %add3A_396 : i32 to index
          %get3A_1102 = arith.constant 432 : index
          %get3A_1103 = tpu.vector_load %get3A_1100[%get3A_1101, %get3A_1102] {strides = array<i32>} : memref<16x1024xf32, #tpu.memory_space<vmem>>, vector<1x16xf32>,
          %get3A_1104 = vector.shape_cast %get3A_1103 : vector<1x16xf32> to vector<16xf32>
          %get3A_1105 = arith.constant 0 : i32
          %get3A_1106 = arith.constant 0 : i32
          %get3A_1107 = tpu.memref_slice %run_scoped3A_8[%rem3A_268, %get3A_1105, %get3A_1106] : memref<2x16x1024xf32, #tpu.memory_space<vmem>> -> memref<1x16x1024xf32, #tpu.memory_space<vmem>>
          %get3A_1108 = tpu.memref_squeeze %get3A_1107 : memref<1x16x1024xf32, #tpu.memory_space<vmem>> -> memref<16x1024xf32, #tpu.memory_space<vmem>>
          %get3A_1109 = arith.index_cast %add3A_396 : i32 to index
          %get3A_1110 = arith.constant 432 : index
          %get3A_1111 = tpu.vector_load %get3A_1108[%get3A_1109, %get3A_1110] {strides = array<i32>} : memref<16x1024xf32, #tpu.memory_space<vmem>>, vector<1x16xf32>,
          %get3A_1112 = vector.shape_cast %get3A_1111 : vector<1x16xf32> to vector<16xf32>
          %add3A_1113 = arith.addf %get3A_1104, %get3A_1112 : vector<16xf32>
          %swap3A_1114 = arith.constant 0 : i32
          %swap3A_1115 = arith.constant 0 : i32
          %swap3A_1116 = tpu.memref_slice %run_scoped3A_10[%rem3A_270, %swap3A_1114, %swap3A_1115] : memref<2x16x1024xf32, #tpu.memory_space<vmem>> -> memref<1x16x1024xf32, #tpu.memory_space<vmem>>
          %swap3A_1117 = tpu.memref_squeeze %swap3A_1116 : memref<1x16x1024xf32, #tpu.memory_space<vmem>> -> memref<16x1024xf32, #tpu.memory_space<vmem>>
          %swap3A_1118 = arith.index_cast %add3A_396 : i32 to index
          %swap3A_1119 = arith.constant 432 : index
          %swap3A_1120 = tpu.vector_load %swap3A_1117[%swap3A_1118, %swap3A_1119] {strides = array<i32>} : memref<16x1024xf32, #tpu.memory_space<vmem>>, vector<1x16xf32>,
          %swap3A_1121 = vector.shape_cast %swap3A_1120 : vector<1x16xf32> to vector<16xf32>
          %swap3A_1122 = vector.shape_cast %add3A_1113 : vector<16xf32> to vector<1x16xf32>
          tpu.vector_store %swap3A_1117[%swap3A_1118, %swap3A_1119], %swap3A_1122 {strides = array<i32>} : memref<16x1024xf32, #tpu.memory_space<vmem>>, vector<1x16xf32>,
          %get3A_1123 = arith.constant 0 : i32
          %get3A_1124 = arith.constant 0 : i32
          %get3A_1125 = tpu.memref_slice %run_scoped3A[%rem3A_266, %get3A_1123, %get3A_1124] : memref<2x16x1024xf32, #tpu.memory_space<vmem>> -> memref<1x16x1024xf32, #tpu.memory_space<vmem>>
          %get3A_1126 = tpu.memref_squeeze %get3A_1125 : memref<1x16x1024xf32, #tpu.memory_space<vmem>> -> memref<16x1024xf32, #tpu.memory_space<vmem>>
          %get3A_1127 = arith.index_cast %add3A_396 : i32 to index
          %get3A_1128 = arith.constant 448 : index
          %get3A_1129 = tpu.vector_load %get3A_1126[%get3A_1127, %get3A_1128] {strides = array<i32>} : memref<16x1024xf32, #tpu.memory_space<vmem>>, vector<1x16xf32>,
          %get3A_1130 = vector.shape_cast %get3A_1129 : vector<1x16xf32> to vector<16xf32>
          %get3A_1131 = arith.constant 0 : i32
          %get3A_1132 = arith.constant 0 : i32
          %get3A_1133 = tpu.memref_slice %run_scoped3A_8[%rem3A_268, %get3A_1131, %get3A_1132] : memref<2x16x1024xf32, #tpu.memory_space<vmem>> -> memref<1x16x1024xf32, #tpu.memory_space<vmem>>
          %get3A_1134 = tpu.memref_squeeze %get3A_1133 : memref<1x16x1024xf32, #tpu.memory_space<vmem>> -> memref<16x1024xf32, #tpu.memory_space<vmem>>
          %get3A_1135 = arith.index_cast %add3A_396 : i32 to index
          %get3A_1136 = arith.constant 448 : index
          %get3A_1137 = tpu.vector_load %get3A_1134[%get3A_1135, %get3A_1136] {strides = array<i32>} : memref<16x1024xf32, #tpu.memory_space<vmem>>, vector<1x16xf32>,
          %get3A_1138 = vector.shape_cast %get3A_1137 : vector<1x16xf32> to vector<16xf32>
          %add3A_1139 = arith.addf %get3A_1130, %get3A_1138 : vector<16xf32>
          %swap3A_1140 = arith.constant 0 : i32
          %swap3A_1141 = arith.constant 0 : i32
          %swap3A_1142 = tpu.memref_slice %run_scoped3A_10[%rem3A_270, %swap3A_1140, %swap3A_1141] : memref<2x16x1024xf32, #tpu.memory_space<vmem>> -> memref<1x16x1024xf32, #tpu.memory_space<vmem>>
          %swap3A_1143 = tpu.memref_squeeze %swap3A_1142 : memref<1x16x1024xf32, #tpu.memory_space<vmem>> -> memref<16x1024xf32, #tpu.memory_space<vmem>>
          %swap3A_1144 = arith.index_cast %add3A_396 : i32 to index
          %swap3A_1145 = arith.constant 448 : index
          %swap3A_1146 = tpu.vector_load %swap3A_1143[%swap3A_1144, %swap3A_1145] {strides = array<i32>} : memref<16x1024xf32, #tpu.memory_space<vmem>>, vector<1x16xf32>,
          %swap3A_1147 = vector.shape_cast %swap3A_1146 : vector<1x16xf32> to vector<16xf32>
          %swap3A_1148 = vector.shape_cast %add3A_1139 : vector<16xf32> to vector<1x16xf32>
          tpu.vector_store %swap3A_1143[%swap3A_1144, %swap3A_1145], %swap3A_1148 {strides = array<i32>} : memref<16x1024xf32, #tpu.memory_space<vmem>>, vector<1x16xf32>,
          %get3A_1149 = arith.constant 0 : i32
          %get3A_1150 = arith.constant 0 : i32
          %get3A_1151 = tpu.memref_slice %run_scoped3A[%rem3A_266, %get3A_1149, %get3A_1150] : memref<2x16x1024xf32, #tpu.memory_space<vmem>> -> memref<1x16x1024xf32, #tpu.memory_space<vmem>>
          %get3A_1152 = tpu.memref_squeeze %get3A_1151 : memref<1x16x1024xf32, #tpu.memory_space<vmem>> -> memref<16x1024xf32, #tpu.memory_space<vmem>>
          %get3A_1153 = arith.index_cast %add3A_396 : i32 to index
          %get3A_1154 = arith.constant 464 : index
          %get3A_1155 = tpu.vector_load %get3A_1152[%get3A_1153, %get3A_1154] {strides = array<i32>} : memref<16x1024xf32, #tpu.memory_space<vmem>>, vector<1x16xf32>,
          %get3A_1156 = vector.shape_cast %get3A_1155 : vector<1x16xf32> to vector<16xf32>
          %get3A_1157 = arith.constant 0 : i32
          %get3A_1158 = arith.constant 0 : i32
          %get3A_1159 = tpu.memref_slice %run_scoped3A_8[%rem3A_268, %get3A_1157, %get3A_1158] : memref<2x16x1024xf32, #tpu.memory_space<vmem>> -> memref<1x16x1024xf32, #tpu.memory_space<vmem>>
          %get3A_1160 = tpu.memref_squeeze %get3A_1159 : memref<1x16x1024xf32, #tpu.memory_space<vmem>> -> memref<16x1024xf32, #tpu.memory_space<vmem>>
          %get3A_1161 = arith.index_cast %add3A_396 : i32 to index
          %get3A_1162 = arith.constant 464 : index
          %get3A_1163 = tpu.vector_load %get3A_1160[%get3A_1161, %get3A_1162] {strides = array<i32>} : memref<16x1024xf32, #tpu.memory_space<vmem>>, vector<1x16xf32>,
          %get3A_1164 = vector.shape_cast %get3A_1163 : vector<1x16xf32> to vector<16xf32>
          %add3A_1165 = arith.addf %get3A_1156, %get3A_1164 : vector<16xf32>
          %swap3A_1166 = arith.constant 0 : i32
          %swap3A_1167 = arith.constant 0 : i32
          %swap3A_1168 = tpu.memref_slice %run_scoped3A_10[%rem3A_270, %swap3A_1166, %swap3A_1167] : memref<2x16x1024xf32, #tpu.memory_space<vmem>> -> memref<1x16x1024xf32, #tpu.memory_space<vmem>>
          %swap3A_1169 = tpu.memref_squeeze %swap3A_1168 : memref<1x16x1024xf32, #tpu.memory_space<vmem>> -> memref<16x1024xf32, #tpu.memory_space<vmem>>
          %swap3A_1170 = arith.index_cast %add3A_396 : i32 to index
          %swap3A_1171 = arith.constant 464 : index
          %swap3A_1172 = tpu.vector_load %swap3A_1169[%swap3A_1170, %swap3A_1171] {strides = array<i32>} : memref<16x1024xf32, #tpu.memory_space<vmem>>, vector<1x16xf32>,
          %swap3A_1173 = vector.shape_cast %swap3A_1172 : vector<1x16xf32> to vector<16xf32>
          %swap3A_1174 = vector.shape_cast %add3A_1165 : vector<16xf32> to vector<1x16xf32>
          tpu.vector_store %swap3A_1169[%swap3A_1170, %swap3A_1171], %swap3A_1174 {strides = array<i32>} : memref<16x1024xf32, #tpu.memory_space<vmem>>, vector<1x16xf32>,
          %get3A_1175 = arith.constant 0 : i32
          %get3A_1176 = arith.constant 0 : i32
          %get3A_1177 = tpu.memref_slice %run_scoped3A[%rem3A_266, %get3A_1175, %get3A_1176] : memref<2x16x1024xf32, #tpu.memory_space<vmem>> -> memref<1x16x1024xf32, #tpu.memory_space<vmem>>
          %get3A_1178 = tpu.memref_squeeze %get3A_1177 : memref<1x16x1024xf32, #tpu.memory_space<vmem>> -> memref<16x1024xf32, #tpu.memory_space<vmem>>
          %get3A_1179 = arith.index_cast %add3A_396 : i32 to index
          %get3A_1180 = arith.constant 480 : index
          %get3A_1181 = tpu.vector_load %get3A_1178[%get3A_1179, %get3A_1180] {strides = array<i32>} : memref<16x1024xf32, #tpu.memory_space<vmem>>, vector<1x16xf32>,
          %get3A_1182 = vector.shape_cast %get3A_1181 : vector<1x16xf32> to vector<16xf32>
          %get3A_1183 = arith.constant 0 : i32
          %get3A_1184 = arith.constant 0 : i32
          %get3A_1185 = tpu.memref_slice %run_scoped3A_8[%rem3A_268, %get3A_1183, %get3A_1184] : memref<2x16x1024xf32, #tpu.memory_space<vmem>> -> memref<1x16x1024xf32, #tpu.memory_space<vmem>>
          %get3A_1186 = tpu.memref_squeeze %get3A_1185 : memref<1x16x1024xf32, #tpu.memory_space<vmem>> -> memref<16x1024xf32, #tpu.memory_space<vmem>>
          %get3A_1187 = arith.index_cast %add3A_396 : i32 to index
          %get3A_1188 = arith.constant 480 : index
          %get3A_1189 = tpu.vector_load %get3A_1186[%get3A_1187, %get3A_1188] {strides = array<i32>} : memref<16x1024xf32, #tpu.memory_space<vmem>>, vector<1x16xf32>,
          %get3A_1190 = vector.shape_cast %get3A_1189 : vector<1x16xf32> to vector<16xf32>
          %add3A_1191 = arith.addf %get3A_1182, %get3A_1190 : vector<16xf32>
          %swap3A_1192 = arith.constant 0 : i32
          %swap3A_1193 = arith.constant 0 : i32
          %swap3A_1194 = tpu.memref_slice %run_scoped3A_10[%rem3A_270, %swap3A_1192, %swap3A_1193] : memref<2x16x1024xf32, #tpu.memory_space<vmem>> -> memref<1x16x1024xf32, #tpu.memory_space<vmem>>
          %swap3A_1195 = tpu.memref_squeeze %swap3A_1194 : memref<1x16x1024xf32, #tpu.memory_space<vmem>> -> memref<16x1024xf32, #tpu.memory_space<vmem>>
          %swap3A_1196 = arith.index_cast %add3A_396 : i32 to index
          %swap3A_1197 = arith.constant 480 : index
          %swap3A_1198 = tpu.vector_load %swap3A_1195[%swap3A_1196, %swap3A_1197] {strides = array<i32>} : memref<16x1024xf32, #tpu.memory_space<vmem>>, vector<1x16xf32>,
          %swap3A_1199 = vector.shape_cast %swap3A_1198 : vector<1x16xf32> to vector<16xf32>
          %swap3A_1200 = vector.shape_cast %add3A_1191 : vector<16xf32> to vector<1x16xf32>
          tpu.vector_store %swap3A_1195[%swap3A_1196, %swap3A_1197], %swap3A_1200 {strides = array<i32>} : memref<16x1024xf32, #tpu.memory_space<vmem>>, vector<1x16xf32>,
          %get3A_1201 = arith.constant 0 : i32
          %get3A_1202 = arith.constant 0 : i32
          %get3A_1203 = tpu.memref_slice %run_scoped3A[%rem3A_266, %get3A_1201, %get3A_1202] : memref<2x16x1024xf32, #tpu.memory_space<vmem>> -> memref<1x16x1024xf32, #tpu.memory_space<vmem>>
          %get3A_1204 = tpu.memref_squeeze %get3A_1203 : memref<1x16x1024xf32, #tpu.memory_space<vmem>> -> memref<16x1024xf32, #tpu.memory_space<vmem>>
          %get3A_1205 = arith.index_cast %add3A_396 : i32 to index
          %get3A_1206 = arith.constant 496 : index
          %get3A_1207 = tpu.vector_load %get3A_1204[%get3A_1205, %get3A_1206] {strides = array<i32>} : memref<16x1024xf32, #tpu.memory_space<vmem>>, vector<1x16xf32>,
          %get3A_1208 = vector.shape_cast %get3A_1207 : vector<1x16xf32> to vector<16xf32>
          %get3A_1209 = arith.constant 0 : i32
          %get3A_1210 = arith.constant 0 : i32
          %get3A_1211 = tpu.memref_slice %run_scoped3A_8[%rem3A_268, %get3A_1209, %get3A_1210] : memref<2x16x1024xf32, #tpu.memory_space<vmem>> -> memref<1x16x1024xf32, #tpu.memory_space<vmem>>
          %get3A_1212 = tpu.memref_squeeze %get3A_1211 : memref<1x16x1024xf32, #tpu.memory_space<vmem>> -> memref<16x1024xf32, #tpu.memory_space<vmem>>
          %get3A_1213 = arith.index_cast %add3A_396 : i32 to index
          %get3A_1214 = arith.constant 496 : index
          %get3A_1215 = tpu.vector_load %get3A_1212[%get3A_1213, %get3A_1214] {strides = array<i32>} : memref<16x1024xf32, #tpu.memory_space<vmem>>, vector<1x16xf32>,
          %get3A_1216 = vector.shape_cast %get3A_1215 : vector<1x16xf32> to vector<16xf32>
          %add3A_1217 = arith.addf %get3A_1208, %get3A_1216 : vector<16xf32>
          %swap3A_1218 = arith.constant 0 : i32
          %swap3A_1219 = arith.constant 0 : i32
          %swap3A_1220 = tpu.memref_slice %run_scoped3A_10[%rem3A_270, %swap3A_1218, %swap3A_1219] : memref<2x16x1024xf32, #tpu.memory_space<vmem>> -> memref<1x16x1024xf32, #tpu.memory_space<vmem>>
          %swap3A_1221 = tpu.memref_squeeze %swap3A_1220 : memref<1x16x1024xf32, #tpu.memory_space<vmem>> -> memref<16x1024xf32, #tpu.memory_space<vmem>>
          %swap3A_1222 = arith.index_cast %add3A_396 : i32 to index
          %swap3A_1223 = arith.constant 496 : index
          %swap3A_1224 = tpu.vector_load %swap3A_1221[%swap3A_1222, %swap3A_1223] {strides = array<i32>} : memref<16x1024xf32, #tpu.memory_space<vmem>>, vector<1x16xf32>,
          %swap3A_1225 = vector.shape_cast %swap3A_1224 : vector<1x16xf32> to vector<16xf32>
          %swap3A_1226 = vector.shape_cast %add3A_1217 : vector<16xf32> to vector<1x16xf32>
          tpu.vector_store %swap3A_1221[%swap3A_1222, %swap3A_1223], %swap3A_1226 {strides = array<i32>} : memref<16x1024xf32, #tpu.memory_space<vmem>>, vector<1x16xf32>,
          %get3A_1227 = arith.constant 0 : i32
          %get3A_1228 = arith.constant 0 : i32
          %get3A_1229 = tpu.memref_slice %run_scoped3A[%rem3A_266, %get3A_1227, %get3A_1228] : memref<2x16x1024xf32, #tpu.memory_space<vmem>> -> memref<1x16x1024xf32, #tpu.memory_space<vmem>>
          %get3A_1230 = tpu.memref_squeeze %get3A_1229 : memref<1x16x1024xf32, #tpu.memory_space<vmem>> -> memref<16x1024xf32, #tpu.memory_space<vmem>>
          %get3A_1231 = arith.index_cast %add3A_396 : i32 to index
          %get3A_1232 = arith.constant 512 : index
          %get3A_1233 = tpu.vector_load %get3A_1230[%get3A_1231, %get3A_1232] {strides = array<i32>} : memref<16x1024xf32, #tpu.memory_space<vmem>>, vector<1x16xf32>,
          %get3A_1234 = vector.shape_cast %get3A_1233 : vector<1x16xf32> to vector<16xf32>
          %get3A_1235 = arith.constant 0 : i32
          %get3A_1236 = arith.constant 0 : i32
          %get3A_1237 = tpu.memref_slice %run_scoped3A_8[%rem3A_268, %get3A_1235, %get3A_1236] : memref<2x16x1024xf32, #tpu.memory_space<vmem>> -> memref<1x16x1024xf32, #tpu.memory_space<vmem>>
          %get3A_1238 = tpu.memref_squeeze %get3A_1237 : memref<1x16x1024xf32, #tpu.memory_space<vmem>> -> memref<16x1024xf32, #tpu.memory_space<vmem>>
          %get3A_1239 = arith.index_cast %add3A_396 : i32 to index
          %get3A_1240 = arith.constant 512 : index
          %get3A_1241 = tpu.vector_load %get3A_1238[%get3A_1239, %get3A_1240] {strides = array<i32>} : memref<16x1024xf32, #tpu.memory_space<vmem>>, vector<1x16xf32>,
          %get3A_1242 = vector.shape_cast %get3A_1241 : vector<1x16xf32> to vector<16xf32>
          %add3A_1243 = arith.addf %get3A_1234, %get3A_1242 : vector<16xf32>
          %swap3A_1244 = arith.constant 0 : i32
          %swap3A_1245 = arith.constant 0 : i32
          %swap3A_1246 = tpu.memref_slice %run_scoped3A_10[%rem3A_270, %swap3A_1244, %swap3A_1245] : memref<2x16x1024xf32, #tpu.memory_space<vmem>> -> memref<1x16x1024xf32, #tpu.memory_space<vmem>>
          %swap3A_1247 = tpu.memref_squeeze %swap3A_1246 : memref<1x16x1024xf32, #tpu.memory_space<vmem>> -> memref<16x1024xf32, #tpu.memory_space<vmem>>
          %swap3A_1248 = arith.index_cast %add3A_396 : i32 to index
          %swap3A_1249 = arith.constant 512 : index
          %swap3A_1250 = tpu.vector_load %swap3A_1247[%swap3A_1248, %swap3A_1249] {strides = array<i32>} : memref<16x1024xf32, #tpu.memory_space<vmem>>, vector<1x16xf32>,
          %swap3A_1251 = vector.shape_cast %swap3A_1250 : vector<1x16xf32> to vector<16xf32>
          %swap3A_1252 = vector.shape_cast %add3A_1243 : vector<16xf32> to vector<1x16xf32>
          tpu.vector_store %swap3A_1247[%swap3A_1248, %swap3A_1249], %swap3A_1252 {strides = array<i32>} : memref<16x1024xf32, #tpu.memory_space<vmem>>, vector<1x16xf32>,
          %get3A_1253 = arith.constant 0 : i32
          %get3A_1254 = arith.constant 0 : i32
          %get3A_1255 = tpu.memref_slice %run_scoped3A[%rem3A_266, %get3A_1253, %get3A_1254] : memref<2x16x1024xf32, #tpu.memory_space<vmem>> -> memref<1x16x1024xf32, #tpu.memory_space<vmem>>
          %get3A_1256 = tpu.memref_squeeze %get3A_1255 : memref<1x16x1024xf32, #tpu.memory_space<vmem>> -> memref<16x1024xf32, #tpu.memory_space<vmem>>
          %get3A_1257 = arith.index_cast %add3A_396 : i32 to index
          %get3A_1258 = arith.constant 528 : index
          %get3A_1259 = tpu.vector_load %get3A_1256[%get3A_1257, %get3A_1258] {strides = array<i32>} : memref<16x1024xf32, #tpu.memory_space<vmem>>, vector<1x16xf32>,
          %get3A_1260 = vector.shape_cast %get3A_1259 : vector<1x16xf32> to vector<16xf32>
          %get3A_1261 = arith.constant 0 : i32
          %get3A_1262 = arith.constant 0 : i32
          %get3A_1263 = tpu.memref_slice %run_scoped3A_8[%rem3A_268, %get3A_1261, %get3A_1262] : memref<2x16x1024xf32, #tpu.memory_space<vmem>> -> memref<1x16x1024xf32, #tpu.memory_space<vmem>>
          %get3A_1264 = tpu.memref_squeeze %get3A_1263 : memref<1x16x1024xf32, #tpu.memory_space<vmem>> -> memref<16x1024xf32, #tpu.memory_space<vmem>>
          %get3A_1265 = arith.index_cast %add3A_396 : i32 to index
          %get3A_1266 = arith.constant 528 : index
          %get3A_1267 = tpu.vector_load %get3A_1264[%get3A_1265, %get3A_1266] {strides = array<i32>} : memref<16x1024xf32, #tpu.memory_space<vmem>>, vector<1x16xf32>,
          %get3A_1268 = vector.shape_cast %get3A_1267 : vector<1x16xf32> to vector<16xf32>
          %add3A_1269 = arith.addf %get3A_1260, %get3A_1268 : vector<16xf32>
          %swap3A_1270 = arith.constant 0 : i32
          %swap3A_1271 = arith.constant 0 : i32
          %swap3A_1272 = tpu.memref_slice %run_scoped3A_10[%rem3A_270, %swap3A_1270, %swap3A_1271] : memref<2x16x1024xf32, #tpu.memory_space<vmem>> -> memref<1x16x1024xf32, #tpu.memory_space<vmem>>
          %swap3A_1273 = tpu.memref_squeeze %swap3A_1272 : memref<1x16x1024xf32, #tpu.memory_space<vmem>> -> memref<16x1024xf32, #tpu.memory_space<vmem>>
          %swap3A_1274 = arith.index_cast %add3A_396 : i32 to index
          %swap3A_1275 = arith.constant 528 : index
          %swap3A_1276 = tpu.vector_load %swap3A_1273[%swap3A_1274, %swap3A_1275] {strides = array<i32>} : memref<16x1024xf32, #tpu.memory_space<vmem>>, vector<1x16xf32>,
          %swap3A_1277 = vector.shape_cast %swap3A_1276 : vector<1x16xf32> to vector<16xf32>
          %swap3A_1278 = vector.shape_cast %add3A_1269 : vector<16xf32> to vector<1x16xf32>
          tpu.vector_store %swap3A_1273[%swap3A_1274, %swap3A_1275], %swap3A_1278 {strides = array<i32>} : memref<16x1024xf32, #tpu.memory_space<vmem>>, vector<1x16xf32>,
          %get3A_1279 = arith.constant 0 : i32
          %get3A_1280 = arith.constant 0 : i32
          %get3A_1281 = tpu.memref_slice %run_scoped3A[%rem3A_266, %get3A_1279, %get3A_1280] : memref<2x16x1024xf32, #tpu.memory_space<vmem>> -> memref<1x16x1024xf32, #tpu.memory_space<vmem>>
          %get3A_1282 = tpu.memref_squeeze %get3A_1281 : memref<1x16x1024xf32, #tpu.memory_space<vmem>> -> memref<16x1024xf32, #tpu.memory_space<vmem>>
          %get3A_1283 = arith.index_cast %add3A_396 : i32 to index
          %get3A_1284 = arith.constant 544 : index
          %get3A_1285 = tpu.vector_load %get3A_1282[%get3A_1283, %get3A_1284] {strides = array<i32>} : memref<16x1024xf32, #tpu.memory_space<vmem>>, vector<1x16xf32>,
          %get3A_1286 = vector.shape_cast %get3A_1285 : vector<1x16xf32> to vector<16xf32>
          %get3A_1287 = arith.constant 0 : i32
          %get3A_1288 = arith.constant 0 : i32
          %get3A_1289 = tpu.memref_slice %run_scoped3A_8[%rem3A_268, %get3A_1287, %get3A_1288] : memref<2x16x1024xf32, #tpu.memory_space<vmem>> -> memref<1x16x1024xf32, #tpu.memory_space<vmem>>
          %get3A_1290 = tpu.memref_squeeze %get3A_1289 : memref<1x16x1024xf32, #tpu.memory_space<vmem>> -> memref<16x1024xf32, #tpu.memory_space<vmem>>
          %get3A_1291 = arith.index_cast %add3A_396 : i32 to index
          %get3A_1292 = arith.constant 544 : index
          %get3A_1293 = tpu.vector_load %get3A_1290[%get3A_1291, %get3A_1292] {strides = array<i32>} : memref<16x1024xf32, #tpu.memory_space<vmem>>, vector<1x16xf32>,
          %get3A_1294 = vector.shape_cast %get3A_1293 : vector<1x16xf32> to vector<16xf32>
          %add3A_1295 = arith.addf %get3A_1286, %get3A_1294 : vector<16xf32>
          %swap3A_1296 = arith.constant 0 : i32
          %swap3A_1297 = arith.constant 0 : i32
          %swap3A_1298 = tpu.memref_slice %run_scoped3A_10[%rem3A_270, %swap3A_1296, %swap3A_1297] : memref<2x16x1024xf32, #tpu.memory_space<vmem>> -> memref<1x16x1024xf32, #tpu.memory_space<vmem>>
          %swap3A_1299 = tpu.memref_squeeze %swap3A_1298 : memref<1x16x1024xf32, #tpu.memory_space<vmem>> -> memref<16x1024xf32, #tpu.memory_space<vmem>>
          %swap3A_1300 = arith.index_cast %add3A_396 : i32 to index
          %swap3A_1301 = arith.constant 544 : index
          %swap3A_1302 = tpu.vector_load %swap3A_1299[%swap3A_1300, %swap3A_1301] {strides = array<i32>} : memref<16x1024xf32, #tpu.memory_space<vmem>>, vector<1x16xf32>,
          %swap3A_1303 = vector.shape_cast %swap3A_1302 : vector<1x16xf32> to vector<16xf32>
          %swap3A_1304 = vector.shape_cast %add3A_1295 : vector<16xf32> to vector<1x16xf32>
          tpu.vector_store %swap3A_1299[%swap3A_1300, %swap3A_1301], %swap3A_1304 {strides = array<i32>} : memref<16x1024xf32, #tpu.memory_space<vmem>>, vector<1x16xf32>,
          %get3A_1305 = arith.constant 0 : i32
          %get3A_1306 = arith.constant 0 : i32
          %get3A_1307 = tpu.memref_slice %run_scoped3A[%rem3A_266, %get3A_1305, %get3A_1306] : memref<2x16x1024xf32, #tpu.memory_space<vmem>> -> memref<1x16x1024xf32, #tpu.memory_space<vmem>>
          %get3A_1308 = tpu.memref_squeeze %get3A_1307 : memref<1x16x1024xf32, #tpu.memory_space<vmem>> -> memref<16x1024xf32, #tpu.memory_space<vmem>>
          %get3A_1309 = arith.index_cast %add3A_396 : i32 to index
          %get3A_1310 = arith.constant 560 : index
          %get3A_1311 = tpu.vector_load %get3A_1308[%get3A_1309, %get3A_1310] {strides = array<i32>} : memref<16x1024xf32, #tpu.memory_space<vmem>>, vector<1x16xf32>,
          %get3A_1312 = vector.shape_cast %get3A_1311 : vector<1x16xf32> to vector<16xf32>
          %get3A_1313 = arith.constant 0 : i32
          %get3A_1314 = arith.constant 0 : i32
          %get3A_1315 = tpu.memref_slice %run_scoped3A_8[%rem3A_268, %get3A_1313, %get3A_1314] : memref<2x16x1024xf32, #tpu.memory_space<vmem>> -> memref<1x16x1024xf32, #tpu.memory_space<vmem>>
          %get3A_1316 = tpu.memref_squeeze %get3A_1315 : memref<1x16x1024xf32, #tpu.memory_space<vmem>> -> memref<16x1024xf32, #tpu.memory_space<vmem>>
          %get3A_1317 = arith.index_cast %add3A_396 : i32 to index
          %get3A_1318 = arith.constant 560 : index
          %get3A_1319 = tpu.vector_load %get3A_1316[%get3A_1317, %get3A_1318] {strides = array<i32>} : memref<16x1024xf32, #tpu.memory_space<vmem>>, vector<1x16xf32>,
          %get3A_1320 = vector.shape_cast %get3A_1319 : vector<1x16xf32> to vector<16xf32>
          %add3A_1321 = arith.addf %get3A_1312, %get3A_1320 : vector<16xf32>
          %swap3A_1322 = arith.constant 0 : i32
          %swap3A_1323 = arith.constant 0 : i32
          %swap3A_1324 = tpu.memref_slice %run_scoped3A_10[%rem3A_270, %swap3A_1322, %swap3A_1323] : memref<2x16x1024xf32, #tpu.memory_space<vmem>> -> memref<1x16x1024xf32, #tpu.memory_space<vmem>>
          %swap3A_1325 = tpu.memref_squeeze %swap3A_1324 : memref<1x16x1024xf32, #tpu.memory_space<vmem>> -> memref<16x1024xf32, #tpu.memory_space<vmem>>
          %swap3A_1326 = arith.index_cast %add3A_396 : i32 to index
          %swap3A_1327 = arith.constant 560 : index
          %swap3A_1328 = tpu.vector_load %swap3A_1325[%swap3A_1326, %swap3A_1327] {strides = array<i32>} : memref<16x1024xf32, #tpu.memory_space<vmem>>, vector<1x16xf32>,
          %swap3A_1329 = vector.shape_cast %swap3A_1328 : vector<1x16xf32> to vector<16xf32>
          %swap3A_1330 = vector.shape_cast %add3A_1321 : vector<16xf32> to vector<1x16xf32>
          tpu.vector_store %swap3A_1325[%swap3A_1326, %swap3A_1327], %swap3A_1330 {strides = array<i32>} : memref<16x1024xf32, #tpu.memory_space<vmem>>, vector<1x16xf32>,
          %get3A_1331 = arith.constant 0 : i32
          %get3A_1332 = arith.constant 0 : i32
          %get3A_1333 = tpu.memref_slice %run_scoped3A[%rem3A_266, %get3A_1331, %get3A_1332] : memref<2x16x1024xf32, #tpu.memory_space<vmem>> -> memref<1x16x1024xf32, #tpu.memory_space<vmem>>
          %get3A_1334 = tpu.memref_squeeze %get3A_1333 : memref<1x16x1024xf32, #tpu.memory_space<vmem>> -> memref<16x1024xf32, #tpu.memory_space<vmem>>
          %get3A_1335 = arith.index_cast %add3A_396 : i32 to index
          %get3A_1336 = arith.constant 576 : index
          %get3A_1337 = tpu.vector_load %get3A_1334[%get3A_1335, %get3A_1336] {strides = array<i32>} : memref<16x1024xf32, #tpu.memory_space<vmem>>, vector<1x16xf32>,
          %get3A_1338 = vector.shape_cast %get3A_1337 : vector<1x16xf32> to vector<16xf32>
          %get3A_1339 = arith.constant 0 : i32
          %get3A_1340 = arith.constant 0 : i32
          %get3A_1341 = tpu.memref_slice %run_scoped3A_8[%rem3A_268, %get3A_1339, %get3A_1340] : memref<2x16x1024xf32, #tpu.memory_space<vmem>> -> memref<1x16x1024xf32, #tpu.memory_space<vmem>>
          %get3A_1342 = tpu.memref_squeeze %get3A_1341 : memref<1x16x1024xf32, #tpu.memory_space<vmem>> -> memref<16x1024xf32, #tpu.memory_space<vmem>>
          %get3A_1343 = arith.index_cast %add3A_396 : i32 to index
          %get3A_1344 = arith.constant 576 : index
          %get3A_1345 = tpu.vector_load %get3A_1342[%get3A_1343, %get3A_1344] {strides = array<i32>} : memref<16x1024xf32, #tpu.memory_space<vmem>>, vector<1x16xf32>,
          %get3A_1346 = vector.shape_cast %get3A_1345 : vector<1x16xf32> to vector<16xf32>
          %add3A_1347 = arith.addf %get3A_1338, %get3A_1346 : vector<16xf32>
          %swap3A_1348 = arith.constant 0 : i32
          %swap3A_1349 = arith.constant 0 : i32
          %swap3A_1350 = tpu.memref_slice %run_scoped3A_10[%rem3A_270, %swap3A_1348, %swap3A_1349] : memref<2x16x1024xf32, #tpu.memory_space<vmem>> -> memref<1x16x1024xf32, #tpu.memory_space<vmem>>
          %swap3A_1351 = tpu.memref_squeeze %swap3A_1350 : memref<1x16x1024xf32, #tpu.memory_space<vmem>> -> memref<16x1024xf32, #tpu.memory_space<vmem>>
          %swap3A_1352 = arith.index_cast %add3A_396 : i32 to index
          %swap3A_1353 = arith.constant 576 : index
          %swap3A_1354 = tpu.vector_load %swap3A_1351[%swap3A_1352, %swap3A_1353] {strides = array<i32>} : memref<16x1024xf32, #tpu.memory_space<vmem>>, vector<1x16xf32>,
          %swap3A_1355 = vector.shape_cast %swap3A_1354 : vector<1x16xf32> to vector<16xf32>
          %swap3A_1356 = vector.shape_cast %add3A_1347 : vector<16xf32> to vector<1x16xf32>
          tpu.vector_store %swap3A_1351[%swap3A_1352, %swap3A_1353], %swap3A_1356 {strides = array<i32>} : memref<16x1024xf32, #tpu.memory_space<vmem>>, vector<1x16xf32>,
          %get3A_1357 = arith.constant 0 : i32
          %get3A_1358 = arith.constant 0 : i32
          %get3A_1359 = tpu.memref_slice %run_scoped3A[%rem3A_266, %get3A_1357, %get3A_1358] : memref<2x16x1024xf32, #tpu.memory_space<vmem>> -> memref<1x16x1024xf32, #tpu.memory_space<vmem>>
          %get3A_1360 = tpu.memref_squeeze %get3A_1359 : memref<1x16x1024xf32, #tpu.memory_space<vmem>> -> memref<16x1024xf32, #tpu.memory_space<vmem>>
          %get3A_1361 = arith.index_cast %add3A_396 : i32 to index
          %get3A_1362 = arith.constant 592 : index
          %get3A_1363 = tpu.vector_load %get3A_1360[%get3A_1361, %get3A_1362] {strides = array<i32>} : memref<16x1024xf32, #tpu.memory_space<vmem>>, vector<1x16xf32>,
          %get3A_1364 = vector.shape_cast %get3A_1363 : vector<1x16xf32> to vector<16xf32>
          %get3A_1365 = arith.constant 0 : i32
          %get3A_1366 = arith.constant 0 : i32
          %get3A_1367 = tpu.memref_slice %run_scoped3A_8[%rem3A_268, %get3A_1365, %get3A_1366] : memref<2x16x1024xf32, #tpu.memory_space<vmem>> -> memref<1x16x1024xf32, #tpu.memory_space<vmem>>
          %get3A_1368 = tpu.memref_squeeze %get3A_1367 : memref<1x16x1024xf32, #tpu.memory_space<vmem>> -> memref<16x1024xf32, #tpu.memory_space<vmem>>
          %get3A_1369 = arith.index_cast %add3A_396 : i32 to index
          %get3A_1370 = arith.constant 592 : index
          %get3A_1371 = tpu.vector_load %get3A_1368[%get3A_1369, %get3A_1370] {strides = array<i32>} : memref<16x1024xf32, #tpu.memory_space<vmem>>, vector<1x16xf32>,
          %get3A_1372 = vector.shape_cast %get3A_1371 : vector<1x16xf32> to vector<16xf32>
          %add3A_1373 = arith.addf %get3A_1364, %get3A_1372 : vector<16xf32>
          %swap3A_1374 = arith.constant 0 : i32
          %swap3A_1375 = arith.constant 0 : i32
          %swap3A_1376 = tpu.memref_slice %run_scoped3A_10[%rem3A_270, %swap3A_1374, %swap3A_1375] : memref<2x16x1024xf32, #tpu.memory_space<vmem>> -> memref<1x16x1024xf32, #tpu.memory_space<vmem>>
          %swap3A_1377 = tpu.memref_squeeze %swap3A_1376 : memref<1x16x1024xf32, #tpu.memory_space<vmem>> -> memref<16x1024xf32, #tpu.memory_space<vmem>>
          %swap3A_1378 = arith.index_cast %add3A_396 : i32 to index
          %swap3A_1379 = arith.constant 592 : index
          %swap3A_1380 = tpu.vector_load %swap3A_1377[%swap3A_1378, %swap3A_1379] {strides = array<i32>} : memref<16x1024xf32, #tpu.memory_space<vmem>>, vector<1x16xf32>,
          %swap3A_1381 = vector.shape_cast %swap3A_1380 : vector<1x16xf32> to vector<16xf32>
          %swap3A_1382 = vector.shape_cast %add3A_1373 : vector<16xf32> to vector<1x16xf32>
          tpu.vector_store %swap3A_1377[%swap3A_1378, %swap3A_1379], %swap3A_1382 {strides = array<i32>} : memref<16x1024xf32, #tpu.memory_space<vmem>>, vector<1x16xf32>,
          %get3A_1383 = arith.constant 0 : i32
          %get3A_1384 = arith.constant 0 : i32
          %get3A_1385 = tpu.memref_slice %run_scoped3A[%rem3A_266, %get3A_1383, %get3A_1384] : memref<2x16x1024xf32, #tpu.memory_space<vmem>> -> memref<1x16x1024xf32, #tpu.memory_space<vmem>>
          %get3A_1386 = tpu.memref_squeeze %get3A_1385 : memref<1x16x1024xf32, #tpu.memory_space<vmem>> -> memref<16x1024xf32, #tpu.memory_space<vmem>>
          %get3A_1387 = arith.index_cast %add3A_396 : i32 to index
          %get3A_1388 = arith.constant 608 : index
          %get3A_1389 = tpu.vector_load %get3A_1386[%get3A_1387, %get3A_1388] {strides = array<i32>} : memref<16x1024xf32, #tpu.memory_space<vmem>>, vector<1x16xf32>,
          %get3A_1390 = vector.shape_cast %get3A_1389 : vector<1x16xf32> to vector<16xf32>
          %get3A_1391 = arith.constant 0 : i32
          %get3A_1392 = arith.constant 0 : i32
          %get3A_1393 = tpu.memref_slice %run_scoped3A_8[%rem3A_268, %get3A_1391, %get3A_1392] : memref<2x16x1024xf32, #tpu.memory_space<vmem>> -> memref<1x16x1024xf32, #tpu.memory_space<vmem>>
          %get3A_1394 = tpu.memref_squeeze %get3A_1393 : memref<1x16x1024xf32, #tpu.memory_space<vmem>> -> memref<16x1024xf32, #tpu.memory_space<vmem>>
          %get3A_1395 = arith.index_cast %add3A_396 : i32 to index
          %get3A_1396 = arith.constant 608 : index
          %get3A_1397 = tpu.vector_load %get3A_1394[%get3A_1395, %get3A_1396] {strides = array<i32>} : memref<16x1024xf32, #tpu.memory_space<vmem>>, vector<1x16xf32>,
          %get3A_1398 = vector.shape_cast %get3A_1397 : vector<1x16xf32> to vector<16xf32>
          %add3A_1399 = arith.addf %get3A_1390, %get3A_1398 : vector<16xf32>
          %swap3A_1400 = arith.constant 0 : i32
          %swap3A_1401 = arith.constant 0 : i32
          %swap3A_1402 = tpu.memref_slice %run_scoped3A_10[%rem3A_270, %swap3A_1400, %swap3A_1401] : memref<2x16x1024xf32, #tpu.memory_space<vmem>> -> memref<1x16x1024xf32, #tpu.memory_space<vmem>>
          %swap3A_1403 = tpu.memref_squeeze %swap3A_1402 : memref<1x16x1024xf32, #tpu.memory_space<vmem>> -> memref<16x1024xf32, #tpu.memory_space<vmem>>
          %swap3A_1404 = arith.index_cast %add3A_396 : i32 to index
          %swap3A_1405 = arith.constant 608 : index
          %swap3A_1406 = tpu.vector_load %swap3A_1403[%swap3A_1404, %swap3A_1405] {strides = array<i32>} : memref<16x1024xf32, #tpu.memory_space<vmem>>, vector<1x16xf32>,
          %swap3A_1407 = vector.shape_cast %swap3A_1406 : vector<1x16xf32> to vector<16xf32>
          %swap3A_1408 = vector.shape_cast %add3A_1399 : vector<16xf32> to vector<1x16xf32>
          tpu.vector_store %swap3A_1403[%swap3A_1404, %swap3A_1405], %swap3A_1408 {strides = array<i32>} : memref<16x1024xf32, #tpu.memory_space<vmem>>, vector<1x16xf32>,
          %get3A_1409 = arith.constant 0 : i32
          %get3A_1410 = arith.constant 0 : i32
          %get3A_1411 = tpu.memref_slice %run_scoped3A[%rem3A_266, %get3A_1409, %get3A_1410] : memref<2x16x1024xf32, #tpu.memory_space<vmem>> -> memref<1x16x1024xf32, #tpu.memory_space<vmem>>
          %get3A_1412 = tpu.memref_squeeze %get3A_1411 : memref<1x16x1024xf32, #tpu.memory_space<vmem>> -> memref<16x1024xf32, #tpu.memory_space<vmem>>
          %get3A_1413 = arith.index_cast %add3A_396 : i32 to index
          %get3A_1414 = arith.constant 624 : index
          %get3A_1415 = tpu.vector_load %get3A_1412[%get3A_1413, %get3A_1414] {strides = array<i32>} : memref<16x1024xf32, #tpu.memory_space<vmem>>, vector<1x16xf32>,
          %get3A_1416 = vector.shape_cast %get3A_1415 : vector<1x16xf32> to vector<16xf32>
          %get3A_1417 = arith.constant 0 : i32
          %get3A_1418 = arith.constant 0 : i32
          %get3A_1419 = tpu.memref_slice %run_scoped3A_8[%rem3A_268, %get3A_1417, %get3A_1418] : memref<2x16x1024xf32, #tpu.memory_space<vmem>> -> memref<1x16x1024xf32, #tpu.memory_space<vmem>>
          %get3A_1420 = tpu.memref_squeeze %get3A_1419 : memref<1x16x1024xf32, #tpu.memory_space<vmem>> -> memref<16x1024xf32, #tpu.memory_space<vmem>>
          %get3A_1421 = arith.index_cast %add3A_396 : i32 to index
          %get3A_1422 = arith.constant 624 : index
          %get3A_1423 = tpu.vector_load %get3A_1420[%get3A_1421, %get3A_1422] {strides = array<i32>} : memref<16x1024xf32, #tpu.memory_space<vmem>>, vector<1x16xf32>,
          %get3A_1424 = vector.shape_cast %get3A_1423 : vector<1x16xf32> to vector<16xf32>
          %add3A_1425 = arith.addf %get3A_1416, %get3A_1424 : vector<16xf32>
          %swap3A_1426 = arith.constant 0 : i32
          %swap3A_1427 = arith.constant 0 : i32
          %swap3A_1428 = tpu.memref_slice %run_scoped3A_10[%rem3A_270, %swap3A_1426, %swap3A_1427] : memref<2x16x1024xf32, #tpu.memory_space<vmem>> -> memref<1x16x1024xf32, #tpu.memory_space<vmem>>
          %swap3A_1429 = tpu.memref_squeeze %swap3A_1428 : memref<1x16x1024xf32, #tpu.memory_space<vmem>> -> memref<16x1024xf32, #tpu.memory_space<vmem>>
          %swap3A_1430 = arith.index_cast %add3A_396 : i32 to index
          %swap3A_1431 = arith.constant 624 : index
          %swap3A_1432 = tpu.vector_load %swap3A_1429[%swap3A_1430, %swap3A_1431] {strides = array<i32>} : memref<16x1024xf32, #tpu.memory_space<vmem>>, vector<1x16xf32>,
          %swap3A_1433 = vector.shape_cast %swap3A_1432 : vector<1x16xf32> to vector<16xf32>
          %swap3A_1434 = vector.shape_cast %add3A_1425 : vector<16xf32> to vector<1x16xf32>
          tpu.vector_store %swap3A_1429[%swap3A_1430, %swap3A_1431], %swap3A_1434 {strides = array<i32>} : memref<16x1024xf32, #tpu.memory_space<vmem>>, vector<1x16xf32>,
          %get3A_1435 = arith.constant 0 : i32
          %get3A_1436 = arith.constant 0 : i32
          %get3A_1437 = tpu.memref_slice %run_scoped3A[%rem3A_266, %get3A_1435, %get3A_1436] : memref<2x16x1024xf32, #tpu.memory_space<vmem>> -> memref<1x16x1024xf32, #tpu.memory_space<vmem>>
          %get3A_1438 = tpu.memref_squeeze %get3A_1437 : memref<1x16x1024xf32, #tpu.memory_space<vmem>> -> memref<16x1024xf32, #tpu.memory_space<vmem>>
          %get3A_1439 = arith.index_cast %add3A_396 : i32 to index
          %get3A_1440 = arith.constant 640 : index
          %get3A_1441 = tpu.vector_load %get3A_1438[%get3A_1439, %get3A_1440] {strides = array<i32>} : memref<16x1024xf32, #tpu.memory_space<vmem>>, vector<1x16xf32>,
          %get3A_1442 = vector.shape_cast %get3A_1441 : vector<1x16xf32> to vector<16xf32>
          %get3A_1443 = arith.constant 0 : i32
          %get3A_1444 = arith.constant 0 : i32
          %get3A_1445 = tpu.memref_slice %run_scoped3A_8[%rem3A_268, %get3A_1443, %get3A_1444] : memref<2x16x1024xf32, #tpu.memory_space<vmem>> -> memref<1x16x1024xf32, #tpu.memory_space<vmem>>
          %get3A_1446 = tpu.memref_squeeze %get3A_1445 : memref<1x16x1024xf32, #tpu.memory_space<vmem>> -> memref<16x1024xf32, #tpu.memory_space<vmem>>
          %get3A_1447 = arith.index_cast %add3A_396 : i32 to index
          %get3A_1448 = arith.constant 640 : index
          %get3A_1449 = tpu.vector_load %get3A_1446[%get3A_1447, %get3A_1448] {strides = array<i32>} : memref<16x1024xf32, #tpu.memory_space<vmem>>, vector<1x16xf32>,
          %get3A_1450 = vector.shape_cast %get3A_1449 : vector<1x16xf32> to vector<16xf32>
          %add3A_1451 = arith.addf %get3A_1442, %get3A_1450 : vector<16xf32>
          %swap3A_1452 = arith.constant 0 : i32
          %swap3A_1453 = arith.constant 0 : i32
          %swap3A_1454 = tpu.memref_slice %run_scoped3A_10[%rem3A_270, %swap3A_1452, %swap3A_1453] : memref<2x16x1024xf32, #tpu.memory_space<vmem>> -> memref<1x16x1024xf32, #tpu.memory_space<vmem>>
          %swap3A_1455 = tpu.memref_squeeze %swap3A_1454 : memref<1x16x1024xf32, #tpu.memory_space<vmem>> -> memref<16x1024xf32, #tpu.memory_space<vmem>>
          %swap3A_1456 = arith.index_cast %add3A_396 : i32 to index
          %swap3A_1457 = arith.constant 640 : index
          %swap3A_1458 = tpu.vector_load %swap3A_1455[%swap3A_1456, %swap3A_1457] {strides = array<i32>} : memref<16x1024xf32, #tpu.memory_space<vmem>>, vector<1x16xf32>,
          %swap3A_1459 = vector.shape_cast %swap3A_1458 : vector<1x16xf32> to vector<16xf32>
          %swap3A_1460 = vector.shape_cast %add3A_1451 : vector<16xf32> to vector<1x16xf32>
          tpu.vector_store %swap3A_1455[%swap3A_1456, %swap3A_1457], %swap3A_1460 {strides = array<i32>} : memref<16x1024xf32, #tpu.memory_space<vmem>>, vector<1x16xf32>,
          %get3A_1461 = arith.constant 0 : i32
          %get3A_1462 = arith.constant 0 : i32
          %get3A_1463 = tpu.memref_slice %run_scoped3A[%rem3A_266, %get3A_1461, %get3A_1462] : memref<2x16x1024xf32, #tpu.memory_space<vmem>> -> memref<1x16x1024xf32, #tpu.memory_space<vmem>>
          %get3A_1464 = tpu.memref_squeeze %get3A_1463 : memref<1x16x1024xf32, #tpu.memory_space<vmem>> -> memref<16x1024xf32, #tpu.memory_space<vmem>>
          %get3A_1465 = arith.index_cast %add3A_396 : i32 to index
          %get3A_1466 = arith.constant 656 : index
          %get3A_1467 = tpu.vector_load %get3A_1464[%get3A_1465, %get3A_1466] {strides = array<i32>} : memref<16x1024xf32, #tpu.memory_space<vmem>>, vector<1x16xf32>,
          %get3A_1468 = vector.shape_cast %get3A_1467 : vector<1x16xf32> to vector<16xf32>
          %get3A_1469 = arith.constant 0 : i32
          %get3A_1470 = arith.constant 0 : i32
          %get3A_1471 = tpu.memref_slice %run_scoped3A_8[%rem3A_268, %get3A_1469, %get3A_1470] : memref<2x16x1024xf32, #tpu.memory_space<vmem>> -> memref<1x16x1024xf32, #tpu.memory_space<vmem>>
          %get3A_1472 = tpu.memref_squeeze %get3A_1471 : memref<1x16x1024xf32, #tpu.memory_space<vmem>> -> memref<16x1024xf32, #tpu.memory_space<vmem>>
          %get3A_1473 = arith.index_cast %add3A_396 : i32 to index
          %get3A_1474 = arith.constant 656 : index
          %get3A_1475 = tpu.vector_load %get3A_1472[%get3A_1473, %get3A_1474] {strides = array<i32>} : memref<16x1024xf32, #tpu.memory_space<vmem>>, vector<1x16xf32>,
          %get3A_1476 = vector.shape_cast %get3A_1475 : vector<1x16xf32> to vector<16xf32>
          %add3A_1477 = arith.addf %get3A_1468, %get3A_1476 : vector<16xf32>
          %swap3A_1478 = arith.constant 0 : i32
          %swap3A_1479 = arith.constant 0 : i32
          %swap3A_1480 = tpu.memref_slice %run_scoped3A_10[%rem3A_270, %swap3A_1478, %swap3A_1479] : memref<2x16x1024xf32, #tpu.memory_space<vmem>> -> memref<1x16x1024xf32, #tpu.memory_space<vmem>>
          %swap3A_1481 = tpu.memref_squeeze %swap3A_1480 : memref<1x16x1024xf32, #tpu.memory_space<vmem>> -> memref<16x1024xf32, #tpu.memory_space<vmem>>
          %swap3A_1482 = arith.index_cast %add3A_396 : i32 to index
          %swap3A_1483 = arith.constant 656 : index
          %swap3A_1484 = tpu.vector_load %swap3A_1481[%swap3A_1482, %swap3A_1483] {strides = array<i32>} : memref<16x1024xf32, #tpu.memory_space<vmem>>, vector<1x16xf32>,
          %swap3A_1485 = vector.shape_cast %swap3A_1484 : vector<1x16xf32> to vector<16xf32>
          %swap3A_1486 = vector.shape_cast %add3A_1477 : vector<16xf32> to vector<1x16xf32>
          tpu.vector_store %swap3A_1481[%swap3A_1482, %swap3A_1483], %swap3A_1486 {strides = array<i32>} : memref<16x1024xf32, #tpu.memory_space<vmem>>, vector<1x16xf32>,
          %get3A_1487 = arith.constant 0 : i32
          %get3A_1488 = arith.constant 0 : i32
          %get3A_1489 = tpu.memref_slice %run_scoped3A[%rem3A_266, %get3A_1487, %get3A_1488] : memref<2x16x1024xf32, #tpu.memory_space<vmem>> -> memref<1x16x1024xf32, #tpu.memory_space<vmem>>
          %get3A_1490 = tpu.memref_squeeze %get3A_1489 : memref<1x16x1024xf32, #tpu.memory_space<vmem>> -> memref<16x1024xf32, #tpu.memory_space<vmem>>
          %get3A_1491 = arith.index_cast %add3A_396 : i32 to index
          %get3A_1492 = arith.constant 672 : index
          %get3A_1493 = tpu.vector_load %get3A_1490[%get3A_1491, %get3A_1492] {strides = array<i32>} : memref<16x1024xf32, #tpu.memory_space<vmem>>, vector<1x16xf32>,
          %get3A_1494 = vector.shape_cast %get3A_1493 : vector<1x16xf32> to vector<16xf32>
          %get3A_1495 = arith.constant 0 : i32
          %get3A_1496 = arith.constant 0 : i32
          %get3A_1497 = tpu.memref_slice %run_scoped3A_8[%rem3A_268, %get3A_1495, %get3A_1496] : memref<2x16x1024xf32, #tpu.memory_space<vmem>> -> memref<1x16x1024xf32, #tpu.memory_space<vmem>>
          %get3A_1498 = tpu.memref_squeeze %get3A_1497 : memref<1x16x1024xf32, #tpu.memory_space<vmem>> -> memref<16x1024xf32, #tpu.memory_space<vmem>>
          %get3A_1499 = arith.index_cast %add3A_396 : i32 to index
          %get3A_1500 = arith.constant 672 : index
          %get3A_1501 = tpu.vector_load %get3A_1498[%get3A_1499, %get3A_1500] {strides = array<i32>} : memref<16x1024xf32, #tpu.memory_space<vmem>>, vector<1x16xf32>,
          %get3A_1502 = vector.shape_cast %get3A_1501 : vector<1x16xf32> to vector<16xf32>
          %add3A_1503 = arith.addf %get3A_1494, %get3A_1502 : vector<16xf32>
          %swap3A_1504 = arith.constant 0 : i32
          %swap3A_1505 = arith.constant 0 : i32
          %swap3A_1506 = tpu.memref_slice %run_scoped3A_10[%rem3A_270, %swap3A_1504, %swap3A_1505] : memref<2x16x1024xf32, #tpu.memory_space<vmem>> -> memref<1x16x1024xf32, #tpu.memory_space<vmem>>
          %swap3A_1507 = tpu.memref_squeeze %swap3A_1506 : memref<1x16x1024xf32, #tpu.memory_space<vmem>> -> memref<16x1024xf32, #tpu.memory_space<vmem>>
          %swap3A_1508 = arith.index_cast %add3A_396 : i32 to index
          %swap3A_1509 = arith.constant 672 : index
          %swap3A_1510 = tpu.vector_load %swap3A_1507[%swap3A_1508, %swap3A_1509] {strides = array<i32>} : memref<16x1024xf32, #tpu.memory_space<vmem>>, vector<1x16xf32>,
          %swap3A_1511 = vector.shape_cast %swap3A_1510 : vector<1x16xf32> to vector<16xf32>
          %swap3A_1512 = vector.shape_cast %add3A_1503 : vector<16xf32> to vector<1x16xf32>
          tpu.vector_store %swap3A_1507[%swap3A_1508, %swap3A_1509], %swap3A_1512 {strides = array<i32>} : memref<16x1024xf32, #tpu.memory_space<vmem>>, vector<1x16xf32>,
          %get3A_1513 = arith.constant 0 : i32
          %get3A_1514 = arith.constant 0 : i32
          %get3A_1515 = tpu.memref_slice %run_scoped3A[%rem3A_266, %get3A_1513, %get3A_1514] : memref<2x16x1024xf32, #tpu.memory_space<vmem>> -> memref<1x16x1024xf32, #tpu.memory_space<vmem>>
          %get3A_1516 = tpu.memref_squeeze %get3A_1515 : memref<1x16x1024xf32, #tpu.memory_space<vmem>> -> memref<16x1024xf32, #tpu.memory_space<vmem>>
          %get3A_1517 = arith.index_cast %add3A_396 : i32 to index
          %get3A_1518 = arith.constant 688 : index
          %get3A_1519 = tpu.vector_load %get3A_1516[%get3A_1517, %get3A_1518] {strides = array<i32>} : memref<16x1024xf32, #tpu.memory_space<vmem>>, vector<1x16xf32>,
          %get3A_1520 = vector.shape_cast %get3A_1519 : vector<1x16xf32> to vector<16xf32>
          %get3A_1521 = arith.constant 0 : i32
          %get3A_1522 = arith.constant 0 : i32
          %get3A_1523 = tpu.memref_slice %run_scoped3A_8[%rem3A_268, %get3A_1521, %get3A_1522] : memref<2x16x1024xf32, #tpu.memory_space<vmem>> -> memref<1x16x1024xf32, #tpu.memory_space<vmem>>
          %get3A_1524 = tpu.memref_squeeze %get3A_1523 : memref<1x16x1024xf32, #tpu.memory_space<vmem>> -> memref<16x1024xf32, #tpu.memory_space<vmem>>
          %get3A_1525 = arith.index_cast %add3A_396 : i32 to index
          %get3A_1526 = arith.constant 688 : index
          %get3A_1527 = tpu.vector_load %get3A_1524[%get3A_1525, %get3A_1526] {strides = array<i32>} : memref<16x1024xf32, #tpu.memory_space<vmem>>, vector<1x16xf32>,
          %get3A_1528 = vector.shape_cast %get3A_1527 : vector<1x16xf32> to vector<16xf32>
          %add3A_1529 = arith.addf %get3A_1520, %get3A_1528 : vector<16xf32>
          %swap3A_1530 = arith.constant 0 : i32
          %swap3A_1531 = arith.constant 0 : i32
          %swap3A_1532 = tpu.memref_slice %run_scoped3A_10[%rem3A_270, %swap3A_1530, %swap3A_1531] : memref<2x16x1024xf32, #tpu.memory_space<vmem>> -> memref<1x16x1024xf32, #tpu.memory_space<vmem>>
          %swap3A_1533 = tpu.memref_squeeze %swap3A_1532 : memref<1x16x1024xf32, #tpu.memory_space<vmem>> -> memref<16x1024xf32, #tpu.memory_space<vmem>>
          %swap3A_1534 = arith.index_cast %add3A_396 : i32 to index
          %swap3A_1535 = arith.constant 688 : index
          %swap3A_1536 = tpu.vector_load %swap3A_1533[%swap3A_1534, %swap3A_1535] {strides = array<i32>} : memref<16x1024xf32, #tpu.memory_space<vmem>>, vector<1x16xf32>,
          %swap3A_1537 = vector.shape_cast %swap3A_1536 : vector<1x16xf32> to vector<16xf32>
          %swap3A_1538 = vector.shape_cast %add3A_1529 : vector<16xf32> to vector<1x16xf32>
          tpu.vector_store %swap3A_1533[%swap3A_1534, %swap3A_1535], %swap3A_1538 {strides = array<i32>} : memref<16x1024xf32, #tpu.memory_space<vmem>>, vector<1x16xf32>,
          %get3A_1539 = arith.constant 0 : i32
          %get3A_1540 = arith.constant 0 : i32
          %get3A_1541 = tpu.memref_slice %run_scoped3A[%rem3A_266, %get3A_1539, %get3A_1540] : memref<2x16x1024xf32, #tpu.memory_space<vmem>> -> memref<1x16x1024xf32, #tpu.memory_space<vmem>>
          %get3A_1542 = tpu.memref_squeeze %get3A_1541 : memref<1x16x1024xf32, #tpu.memory_space<vmem>> -> memref<16x1024xf32, #tpu.memory_space<vmem>>
          %get3A_1543 = arith.index_cast %add3A_396 : i32 to index
          %get3A_1544 = arith.constant 704 : index
          %get3A_1545 = tpu.vector_load %get3A_1542[%get3A_1543, %get3A_1544] {strides = array<i32>} : memref<16x1024xf32, #tpu.memory_space<vmem>>, vector<1x16xf32>,
          %get3A_1546 = vector.shape_cast %get3A_1545 : vector<1x16xf32> to vector<16xf32>
          %get3A_1547 = arith.constant 0 : i32
          %get3A_1548 = arith.constant 0 : i32
          %get3A_1549 = tpu.memref_slice %run_scoped3A_8[%rem3A_268, %get3A_1547, %get3A_1548] : memref<2x16x1024xf32, #tpu.memory_space<vmem>> -> memref<1x16x1024xf32, #tpu.memory_space<vmem>>
          %get3A_1550 = tpu.memref_squeeze %get3A_1549 : memref<1x16x1024xf32, #tpu.memory_space<vmem>> -> memref<16x1024xf32, #tpu.memory_space<vmem>>
          %get3A_1551 = arith.index_cast %add3A_396 : i32 to index
          %get3A_1552 = arith.constant 704 : index
          %get3A_1553 = tpu.vector_load %get3A_1550[%get3A_1551, %get3A_1552] {strides = array<i32>} : memref<16x1024xf32, #tpu.memory_space<vmem>>, vector<1x16xf32>,
          %get3A_1554 = vector.shape_cast %get3A_1553 : vector<1x16xf32> to vector<16xf32>
          %add3A_1555 = arith.addf %get3A_1546, %get3A_1554 : vector<16xf32>
          %swap3A_1556 = arith.constant 0 : i32
          %swap3A_1557 = arith.constant 0 : i32
          %swap3A_1558 = tpu.memref_slice %run_scoped3A_10[%rem3A_270, %swap3A_1556, %swap3A_1557] : memref<2x16x1024xf32, #tpu.memory_space<vmem>> -> memref<1x16x1024xf32, #tpu.memory_space<vmem>>
          %swap3A_1559 = tpu.memref_squeeze %swap3A_1558 : memref<1x16x1024xf32, #tpu.memory_space<vmem>> -> memref<16x1024xf32, #tpu.memory_space<vmem>>
          %swap3A_1560 = arith.index_cast %add3A_396 : i32 to index
          %swap3A_1561 = arith.constant 704 : index
          %swap3A_1562 = tpu.vector_load %swap3A_1559[%swap3A_1560, %swap3A_1561] {strides = array<i32>} : memref<16x1024xf32, #tpu.memory_space<vmem>>, vector<1x16xf32>,
          %swap3A_1563 = vector.shape_cast %swap3A_1562 : vector<1x16xf32> to vector<16xf32>
          %swap3A_1564 = vector.shape_cast %add3A_1555 : vector<16xf32> to vector<1x16xf32>
          tpu.vector_store %swap3A_1559[%swap3A_1560, %swap3A_1561], %swap3A_1564 {strides = array<i32>} : memref<16x1024xf32, #tpu.memory_space<vmem>>, vector<1x16xf32>,
          %get3A_1565 = arith.constant 0 : i32
          %get3A_1566 = arith.constant 0 : i32
          %get3A_1567 = tpu.memref_slice %run_scoped3A[%rem3A_266, %get3A_1565, %get3A_1566] : memref<2x16x1024xf32, #tpu.memory_space<vmem>> -> memref<1x16x1024xf32, #tpu.memory_space<vmem>>
          %get3A_1568 = tpu.memref_squeeze %get3A_1567 : memref<1x16x1024xf32, #tpu.memory_space<vmem>> -> memref<16x1024xf32, #tpu.memory_space<vmem>>
          %get3A_1569 = arith.index_cast %add3A_396 : i32 to index
          %get3A_1570 = arith.constant 720 : index
          %get3A_1571 = tpu.vector_load %get3A_1568[%get3A_1569, %get3A_1570] {strides = array<i32>} : memref<16x1024xf32, #tpu.memory_space<vmem>>, vector<1x16xf32>,
          %get3A_1572 = vector.shape_cast %get3A_1571 : vector<1x16xf32> to vector<16xf32>
          %get3A_1573 = arith.constant 0 : i32
          %get3A_1574 = arith.constant 0 : i32
          %get3A_1575 = tpu.memref_slice %run_scoped3A_8[%rem3A_268, %get3A_1573, %get3A_1574] : memref<2x16x1024xf32, #tpu.memory_space<vmem>> -> memref<1x16x1024xf32, #tpu.memory_space<vmem>>
          %get3A_1576 = tpu.memref_squeeze %get3A_1575 : memref<1x16x1024xf32, #tpu.memory_space<vmem>> -> memref<16x1024xf32, #tpu.memory_space<vmem>>
          %get3A_1577 = arith.index_cast %add3A_396 : i32 to index
          %get3A_1578 = arith.constant 720 : index
          %get3A_1579 = tpu.vector_load %get3A_1576[%get3A_1577, %get3A_1578] {strides = array<i32>} : memref<16x1024xf32, #tpu.memory_space<vmem>>, vector<1x16xf32>,
          %get3A_1580 = vector.shape_cast %get3A_1579 : vector<1x16xf32> to vector<16xf32>
          %add3A_1581 = arith.addf %get3A_1572, %get3A_1580 : vector<16xf32>
          %swap3A_1582 = arith.constant 0 : i32
          %swap3A_1583 = arith.constant 0 : i32
          %swap3A_1584 = tpu.memref_slice %run_scoped3A_10[%rem3A_270, %swap3A_1582, %swap3A_1583] : memref<2x16x1024xf32, #tpu.memory_space<vmem>> -> memref<1x16x1024xf32, #tpu.memory_space<vmem>>
          %swap3A_1585 = tpu.memref_squeeze %swap3A_1584 : memref<1x16x1024xf32, #tpu.memory_space<vmem>> -> memref<16x1024xf32, #tpu.memory_space<vmem>>
          %swap3A_1586 = arith.index_cast %add3A_396 : i32 to index
          %swap3A_1587 = arith.constant 720 : index
          %swap3A_1588 = tpu.vector_load %swap3A_1585[%swap3A_1586, %swap3A_1587] {strides = array<i32>} : memref<16x1024xf32, #tpu.memory_space<vmem>>, vector<1x16xf32>,
          %swap3A_1589 = vector.shape_cast %swap3A_1588 : vector<1x16xf32> to vector<16xf32>
          %swap3A_1590 = vector.shape_cast %add3A_1581 : vector<16xf32> to vector<1x16xf32>
          tpu.vector_store %swap3A_1585[%swap3A_1586, %swap3A_1587], %swap3A_1590 {strides = array<i32>} : memref<16x1024xf32, #tpu.memory_space<vmem>>, vector<1x16xf32>,
          %get3A_1591 = arith.constant 0 : i32
          %get3A_1592 = arith.constant 0 : i32
          %get3A_1593 = tpu.memref_slice %run_scoped3A[%rem3A_266, %get3A_1591, %get3A_1592] : memref<2x16x1024xf32, #tpu.memory_space<vmem>> -> memref<1x16x1024xf32, #tpu.memory_space<vmem>>
          %get3A_1594 = tpu.memref_squeeze %get3A_1593 : memref<1x16x1024xf32, #tpu.memory_space<vmem>> -> memref<16x1024xf32, #tpu.memory_space<vmem>>
          %get3A_1595 = arith.index_cast %add3A_396 : i32 to index
          %get3A_1596 = arith.constant 736 : index
          %get3A_1597 = tpu.vector_load %get3A_1594[%get3A_1595, %get3A_1596] {strides = array<i32>} : memref<16x1024xf32, #tpu.memory_space<vmem>>, vector<1x16xf32>,
          %get3A_1598 = vector.shape_cast %get3A_1597 : vector<1x16xf32> to vector<16xf32>
          %get3A_1599 = arith.constant 0 : i32
          %get3A_1600 = arith.constant 0 : i32
          %get3A_1601 = tpu.memref_slice %run_scoped3A_8[%rem3A_268, %get3A_1599, %get3A_1600] : memref<2x16x1024xf32, #tpu.memory_space<vmem>> -> memref<1x16x1024xf32, #tpu.memory_space<vmem>>
          %get3A_1602 = tpu.memref_squeeze %get3A_1601 : memref<1x16x1024xf32, #tpu.memory_space<vmem>> -> memref<16x1024xf32, #tpu.memory_space<vmem>>
          %get3A_1603 = arith.index_cast %add3A_396 : i32 to index
          %get3A_1604 = arith.constant 736 : index
          %get3A_1605 = tpu.vector_load %get3A_1602[%get3A_1603, %get3A_1604] {strides = array<i32>} : memref<16x1024xf32, #tpu.memory_space<vmem>>, vector<1x16xf32>,
          %get3A_1606 = vector.shape_cast %get3A_1605 : vector<1x16xf32> to vector<16xf32>
          %add3A_1607 = arith.addf %get3A_1598, %get3A_1606 : vector<16xf32>
          %swap3A_1608 = arith.constant 0 : i32
          %swap3A_1609 = arith.constant 0 : i32
          %swap3A_1610 = tpu.memref_slice %run_scoped3A_10[%rem3A_270, %swap3A_1608, %swap3A_1609] : memref<2x16x1024xf32, #tpu.memory_space<vmem>> -> memref<1x16x1024xf32, #tpu.memory_space<vmem>>
          %swap3A_1611 = tpu.memref_squeeze %swap3A_1610 : memref<1x16x1024xf32, #tpu.memory_space<vmem>> -> memref<16x1024xf32, #tpu.memory_space<vmem>>
          %swap3A_1612 = arith.index_cast %add3A_396 : i32 to index
          %swap3A_1613 = arith.constant 736 : index
          %swap3A_1614 = tpu.vector_load %swap3A_1611[%swap3A_1612, %swap3A_1613] {strides = array<i32>} : memref<16x1024xf32, #tpu.memory_space<vmem>>, vector<1x16xf32>,
          %swap3A_1615 = vector.shape_cast %swap3A_1614 : vector<1x16xf32> to vector<16xf32>
          %swap3A_1616 = vector.shape_cast %add3A_1607 : vector<16xf32> to vector<1x16xf32>
          tpu.vector_store %swap3A_1611[%swap3A_1612, %swap3A_1613], %swap3A_1616 {strides = array<i32>} : memref<16x1024xf32, #tpu.memory_space<vmem>>, vector<1x16xf32>,
          %get3A_1617 = arith.constant 0 : i32
          %get3A_1618 = arith.constant 0 : i32
          %get3A_1619 = tpu.memref_slice %run_scoped3A[%rem3A_266, %get3A_1617, %get3A_1618] : memref<2x16x1024xf32, #tpu.memory_space<vmem>> -> memref<1x16x1024xf32, #tpu.memory_space<vmem>>
          %get3A_1620 = tpu.memref_squeeze %get3A_1619 : memref<1x16x1024xf32, #tpu.memory_space<vmem>> -> memref<16x1024xf32, #tpu.memory_space<vmem>>
          %get3A_1621 = arith.index_cast %add3A_396 : i32 to index
          %get3A_1622 = arith.constant 752 : index
          %get3A_1623 = tpu.vector_load %get3A_1620[%get3A_1621, %get3A_1622] {strides = array<i32>} : memref<16x1024xf32, #tpu.memory_space<vmem>>, vector<1x16xf32>,
          %get3A_1624 = vector.shape_cast %get3A_1623 : vector<1x16xf32> to vector<16xf32>
          %get3A_1625 = arith.constant 0 : i32
          %get3A_1626 = arith.constant 0 : i32
          %get3A_1627 = tpu.memref_slice %run_scoped3A_8[%rem3A_268, %get3A_1625, %get3A_1626] : memref<2x16x1024xf32, #tpu.memory_space<vmem>> -> memref<1x16x1024xf32, #tpu.memory_space<vmem>>
          %get3A_1628 = tpu.memref_squeeze %get3A_1627 : memref<1x16x1024xf32, #tpu.memory_space<vmem>> -> memref<16x1024xf32, #tpu.memory_space<vmem>>
          %get3A_1629 = arith.index_cast %add3A_396 : i32 to index
          %get3A_1630 = arith.constant 752 : index
          %get3A_1631 = tpu.vector_load %get3A_1628[%get3A_1629, %get3A_1630] {strides = array<i32>} : memref<16x1024xf32, #tpu.memory_space<vmem>>, vector<1x16xf32>,
          %get3A_1632 = vector.shape_cast %get3A_1631 : vector<1x16xf32> to vector<16xf32>
          %add3A_1633 = arith.addf %get3A_1624, %get3A_1632 : vector<16xf32>
          %swap3A_1634 = arith.constant 0 : i32
          %swap3A_1635 = arith.constant 0 : i32
          %swap3A_1636 = tpu.memref_slice %run_scoped3A_10[%rem3A_270, %swap3A_1634, %swap3A_1635] : memref<2x16x1024xf32, #tpu.memory_space<vmem>> -> memref<1x16x1024xf32, #tpu.memory_space<vmem>>
          %swap3A_1637 = tpu.memref_squeeze %swap3A_1636 : memref<1x16x1024xf32, #tpu.memory_space<vmem>> -> memref<16x1024xf32, #tpu.memory_space<vmem>>
          %swap3A_1638 = arith.index_cast %add3A_396 : i32 to index
          %swap3A_1639 = arith.constant 752 : index
          %swap3A_1640 = tpu.vector_load %swap3A_1637[%swap3A_1638, %swap3A_1639] {strides = array<i32>} : memref<16x1024xf32, #tpu.memory_space<vmem>>, vector<1x16xf32>,
          %swap3A_1641 = vector.shape_cast %swap3A_1640 : vector<1x16xf32> to vector<16xf32>
          %swap3A_1642 = vector.shape_cast %add3A_1633 : vector<16xf32> to vector<1x16xf32>
          tpu.vector_store %swap3A_1637[%swap3A_1638, %swap3A_1639], %swap3A_1642 {strides = array<i32>} : memref<16x1024xf32, #tpu.memory_space<vmem>>, vector<1x16xf32>,
          %get3A_1643 = arith.constant 0 : i32
          %get3A_1644 = arith.constant 0 : i32
          %get3A_1645 = tpu.memref_slice %run_scoped3A[%rem3A_266, %get3A_1643, %get3A_1644] : memref<2x16x1024xf32, #tpu.memory_space<vmem>> -> memref<1x16x1024xf32, #tpu.memory_space<vmem>>
          %get3A_1646 = tpu.memref_squeeze %get3A_1645 : memref<1x16x1024xf32, #tpu.memory_space<vmem>> -> memref<16x1024xf32, #tpu.memory_space<vmem>>
          %get3A_1647 = arith.index_cast %add3A_396 : i32 to index
          %get3A_1648 = arith.constant 768 : index
          %get3A_1649 = tpu.vector_load %get3A_1646[%get3A_1647, %get3A_1648] {strides = array<i32>} : memref<16x1024xf32, #tpu.memory_space<vmem>>, vector<1x16xf32>,
          %get3A_1650 = vector.shape_cast %get3A_1649 : vector<1x16xf32> to vector<16xf32>
          %get3A_1651 = arith.constant 0 : i32
          %get3A_1652 = arith.constant 0 : i32
          %get3A_1653 = tpu.memref_slice %run_scoped3A_8[%rem3A_268, %get3A_1651, %get3A_1652] : memref<2x16x1024xf32, #tpu.memory_space<vmem>> -> memref<1x16x1024xf32, #tpu.memory_space<vmem>>
          %get3A_1654 = tpu.memref_squeeze %get3A_1653 : memref<1x16x1024xf32, #tpu.memory_space<vmem>> -> memref<16x1024xf32, #tpu.memory_space<vmem>>
          %get3A_1655 = arith.index_cast %add3A_396 : i32 to index
          %get3A_1656 = arith.constant 768 : index
          %get3A_1657 = tpu.vector_load %get3A_1654[%get3A_1655, %get3A_1656] {strides = array<i32>} : memref<16x1024xf32, #tpu.memory_space<vmem>>, vector<1x16xf32>,
          %get3A_1658 = vector.shape_cast %get3A_1657 : vector<1x16xf32> to vector<16xf32>
          %add3A_1659 = arith.addf %get3A_1650, %get3A_1658 : vector<16xf32>
          %swap3A_1660 = arith.constant 0 : i32
          %swap3A_1661 = arith.constant 0 : i32
          %swap3A_1662 = tpu.memref_slice %run_scoped3A_10[%rem3A_270, %swap3A_1660, %swap3A_1661] : memref<2x16x1024xf32, #tpu.memory_space<vmem>> -> memref<1x16x1024xf32, #tpu.memory_space<vmem>>
          %swap3A_1663 = tpu.memref_squeeze %swap3A_1662 : memref<1x16x1024xf32, #tpu.memory_space<vmem>> -> memref<16x1024xf32, #tpu.memory_space<vmem>>
          %swap3A_1664 = arith.index_cast %add3A_396 : i32 to index
          %swap3A_1665 = arith.constant 768 : index
          %swap3A_1666 = tpu.vector_load %swap3A_1663[%swap3A_1664, %swap3A_1665] {strides = array<i32>} : memref<16x1024xf32, #tpu.memory_space<vmem>>, vector<1x16xf32>,
          %swap3A_1667 = vector.shape_cast %swap3A_1666 : vector<1x16xf32> to vector<16xf32>
          %swap3A_1668 = vector.shape_cast %add3A_1659 : vector<16xf32> to vector<1x16xf32>
          tpu.vector_store %swap3A_1663[%swap3A_1664, %swap3A_1665], %swap3A_1668 {strides = array<i32>} : memref<16x1024xf32, #tpu.memory_space<vmem>>, vector<1x16xf32>,
          %get3A_1669 = arith.constant 0 : i32
          %get3A_1670 = arith.constant 0 : i32
          %get3A_1671 = tpu.memref_slice %run_scoped3A[%rem3A_266, %get3A_1669, %get3A_1670] : memref<2x16x1024xf32, #tpu.memory_space<vmem>> -> memref<1x16x1024xf32, #tpu.memory_space<vmem>>
          %get3A_1672 = tpu.memref_squeeze %get3A_1671 : memref<1x16x1024xf32, #tpu.memory_space<vmem>> -> memref<16x1024xf32, #tpu.memory_space<vmem>>
          %get3A_1673 = arith.index_cast %add3A_396 : i32 to index
          %get3A_1674 = arith.constant 784 : index
          %get3A_1675 = tpu.vector_load %get3A_1672[%get3A_1673, %get3A_1674] {strides = array<i32>} : memref<16x1024xf32, #tpu.memory_space<vmem>>, vector<1x16xf32>,
          %get3A_1676 = vector.shape_cast %get3A_1675 : vector<1x16xf32> to vector<16xf32>
          %get3A_1677 = arith.constant 0 : i32
          %get3A_1678 = arith.constant 0 : i32
          %get3A_1679 = tpu.memref_slice %run_scoped3A_8[%rem3A_268, %get3A_1677, %get3A_1678] : memref<2x16x1024xf32, #tpu.memory_space<vmem>> -> memref<1x16x1024xf32, #tpu.memory_space<vmem>>
          %get3A_1680 = tpu.memref_squeeze %get3A_1679 : memref<1x16x1024xf32, #tpu.memory_space<vmem>> -> memref<16x1024xf32, #tpu.memory_space<vmem>>
          %get3A_1681 = arith.index_cast %add3A_396 : i32 to index
          %get3A_1682 = arith.constant 784 : index
          %get3A_1683 = tpu.vector_load %get3A_1680[%get3A_1681, %get3A_1682] {strides = array<i32>} : memref<16x1024xf32, #tpu.memory_space<vmem>>, vector<1x16xf32>,
          %get3A_1684 = vector.shape_cast %get3A_1683 : vector<1x16xf32> to vector<16xf32>
          %add3A_1685 = arith.addf %get3A_1676, %get3A_1684 : vector<16xf32>
          %swap3A_1686 = arith.constant 0 : i32
          %swap3A_1687 = arith.constant 0 : i32
          %swap3A_1688 = tpu.memref_slice %run_scoped3A_10[%rem3A_270, %swap3A_1686, %swap3A_1687] : memref<2x16x1024xf32, #tpu.memory_space<vmem>> -> memref<1x16x1024xf32, #tpu.memory_space<vmem>>
          %swap3A_1689 = tpu.memref_squeeze %swap3A_1688 : memref<1x16x1024xf32, #tpu.memory_space<vmem>> -> memref<16x1024xf32, #tpu.memory_space<vmem>>
          %swap3A_1690 = arith.index_cast %add3A_396 : i32 to index
          %swap3A_1691 = arith.constant 784 : index
          %swap3A_1692 = tpu.vector_load %swap3A_1689[%swap3A_1690, %swap3A_1691] {strides = array<i32>} : memref<16x1024xf32, #tpu.memory_space<vmem>>, vector<1x16xf32>,
          %swap3A_1693 = vector.shape_cast %swap3A_1692 : vector<1x16xf32> to vector<16xf32>
          %swap3A_1694 = vector.shape_cast %add3A_1685 : vector<16xf32> to vector<1x16xf32>
          tpu.vector_store %swap3A_1689[%swap3A_1690, %swap3A_1691], %swap3A_1694 {strides = array<i32>} : memref<16x1024xf32, #tpu.memory_space<vmem>>, vector<1x16xf32>,
          %get3A_1695 = arith.constant 0 : i32
          %get3A_1696 = arith.constant 0 : i32
          %get3A_1697 = tpu.memref_slice %run_scoped3A[%rem3A_266, %get3A_1695, %get3A_1696] : memref<2x16x1024xf32, #tpu.memory_space<vmem>> -> memref<1x16x1024xf32, #tpu.memory_space<vmem>>
          %get3A_1698 = tpu.memref_squeeze %get3A_1697 : memref<1x16x1024xf32, #tpu.memory_space<vmem>> -> memref<16x1024xf32, #tpu.memory_space<vmem>>
          %get3A_1699 = arith.index_cast %add3A_396 : i32 to index
          %get3A_1700 = arith.constant 800 : index
          %get3A_1701 = tpu.vector_load %get3A_1698[%get3A_1699, %get3A_1700] {strides = array<i32>} : memref<16x1024xf32, #tpu.memory_space<vmem>>, vector<1x16xf32>,
          %get3A_1702 = vector.shape_cast %get3A_1701 : vector<1x16xf32> to vector<16xf32>
          %get3A_1703 = arith.constant 0 : i32
          %get3A_1704 = arith.constant 0 : i32
          %get3A_1705 = tpu.memref_slice %run_scoped3A_8[%rem3A_268, %get3A_1703, %get3A_1704] : memref<2x16x1024xf32, #tpu.memory_space<vmem>> -> memref<1x16x1024xf32, #tpu.memory_space<vmem>>
          %get3A_1706 = tpu.memref_squeeze %get3A_1705 : memref<1x16x1024xf32, #tpu.memory_space<vmem>> -> memref<16x1024xf32, #tpu.memory_space<vmem>>
          %get3A_1707 = arith.index_cast %add3A_396 : i32 to index
          %get3A_1708 = arith.constant 800 : index
          %get3A_1709 = tpu.vector_load %get3A_1706[%get3A_1707, %get3A_1708] {strides = array<i32>} : memref<16x1024xf32, #tpu.memory_space<vmem>>, vector<1x16xf32>,
          %get3A_1710 = vector.shape_cast %get3A_1709 : vector<1x16xf32> to vector<16xf32>
          %add3A_1711 = arith.addf %get3A_1702, %get3A_1710 : vector<16xf32>
          %swap3A_1712 = arith.constant 0 : i32
          %swap3A_1713 = arith.constant 0 : i32
          %swap3A_1714 = tpu.memref_slice %run_scoped3A_10[%rem3A_270, %swap3A_1712, %swap3A_1713] : memref<2x16x1024xf32, #tpu.memory_space<vmem>> -> memref<1x16x1024xf32, #tpu.memory_space<vmem>>
          %swap3A_1715 = tpu.memref_squeeze %swap3A_1714 : memref<1x16x1024xf32, #tpu.memory_space<vmem>> -> memref<16x1024xf32, #tpu.memory_space<vmem>>
          %swap3A_1716 = arith.index_cast %add3A_396 : i32 to index
          %swap3A_1717 = arith.constant 800 : index
          %swap3A_1718 = tpu.vector_load %swap3A_1715[%swap3A_1716, %swap3A_1717] {strides = array<i32>} : memref<16x1024xf32, #tpu.memory_space<vmem>>, vector<1x16xf32>,
          %swap3A_1719 = vector.shape_cast %swap3A_1718 : vector<1x16xf32> to vector<16xf32>
          %swap3A_1720 = vector.shape_cast %add3A_1711 : vector<16xf32> to vector<1x16xf32>
          tpu.vector_store %swap3A_1715[%swap3A_1716, %swap3A_1717], %swap3A_1720 {strides = array<i32>} : memref<16x1024xf32, #tpu.memory_space<vmem>>, vector<1x16xf32>,
          %get3A_1721 = arith.constant 0 : i32
          %get3A_1722 = arith.constant 0 : i32
          %get3A_1723 = tpu.memref_slice %run_scoped3A[%rem3A_266, %get3A_1721, %get3A_1722] : memref<2x16x1024xf32, #tpu.memory_space<vmem>> -> memref<1x16x1024xf32, #tpu.memory_space<vmem>>
          %get3A_1724 = tpu.memref_squeeze %get3A_1723 : memref<1x16x1024xf32, #tpu.memory_space<vmem>> -> memref<16x1024xf32, #tpu.memory_space<vmem>>
          %get3A_1725 = arith.index_cast %add3A_396 : i32 to index
          %get3A_1726 = arith.constant 816 : index
          %get3A_1727 = tpu.vector_load %get3A_1724[%get3A_1725, %get3A_1726] {strides = array<i32>} : memref<16x1024xf32, #tpu.memory_space<vmem>>, vector<1x16xf32>,
          %get3A_1728 = vector.shape_cast %get3A_1727 : vector<1x16xf32> to vector<16xf32>
          %get3A_1729 = arith.constant 0 : i32
          %get3A_1730 = arith.constant 0 : i32
          %get3A_1731 = tpu.memref_slice %run_scoped3A_8[%rem3A_268, %get3A_1729, %get3A_1730] : memref<2x16x1024xf32, #tpu.memory_space<vmem>> -> memref<1x16x1024xf32, #tpu.memory_space<vmem>>
          %get3A_1732 = tpu.memref_squeeze %get3A_1731 : memref<1x16x1024xf32, #tpu.memory_space<vmem>> -> memref<16x1024xf32, #tpu.memory_space<vmem>>
          %get3A_1733 = arith.index_cast %add3A_396 : i32 to index
          %get3A_1734 = arith.constant 816 : index
          %get3A_1735 = tpu.vector_load %get3A_1732[%get3A_1733, %get3A_1734] {strides = array<i32>} : memref<16x1024xf32, #tpu.memory_space<vmem>>, vector<1x16xf32>,
          %get3A_1736 = vector.shape_cast %get3A_1735 : vector<1x16xf32> to vector<16xf32>
          %add3A_1737 = arith.addf %get3A_1728, %get3A_1736 : vector<16xf32>
          %swap3A_1738 = arith.constant 0 : i32
          %swap3A_1739 = arith.constant 0 : i32
          %swap3A_1740 = tpu.memref_slice %run_scoped3A_10[%rem3A_270, %swap3A_1738, %swap3A_1739] : memref<2x16x1024xf32, #tpu.memory_space<vmem>> -> memref<1x16x1024xf32, #tpu.memory_space<vmem>>
          %swap3A_1741 = tpu.memref_squeeze %swap3A_1740 : memref<1x16x1024xf32, #tpu.memory_space<vmem>> -> memref<16x1024xf32, #tpu.memory_space<vmem>>
          %swap3A_1742 = arith.index_cast %add3A_396 : i32 to index
          %swap3A_1743 = arith.constant 816 : index
          %swap3A_1744 = tpu.vector_load %swap3A_1741[%swap3A_1742, %swap3A_1743] {strides = array<i32>} : memref<16x1024xf32, #tpu.memory_space<vmem>>, vector<1x16xf32>,
          %swap3A_1745 = vector.shape_cast %swap3A_1744 : vector<1x16xf32> to vector<16xf32>
          %swap3A_1746 = vector.shape_cast %add3A_1737 : vector<16xf32> to vector<1x16xf32>
          tpu.vector_store %swap3A_1741[%swap3A_1742, %swap3A_1743], %swap3A_1746 {strides = array<i32>} : memref<16x1024xf32, #tpu.memory_space<vmem>>, vector<1x16xf32>,
          %get3A_1747 = arith.constant 0 : i32
          %get3A_1748 = arith.constant 0 : i32
          %get3A_1749 = tpu.memref_slice %run_scoped3A[%rem3A_266, %get3A_1747, %get3A_1748] : memref<2x16x1024xf32, #tpu.memory_space<vmem>> -> memref<1x16x1024xf32, #tpu.memory_space<vmem>>
          %get3A_1750 = tpu.memref_squeeze %get3A_1749 : memref<1x16x1024xf32, #tpu.memory_space<vmem>> -> memref<16x1024xf32, #tpu.memory_space<vmem>>
          %get3A_1751 = arith.index_cast %add3A_396 : i32 to index
          %get3A_1752 = arith.constant 832 : index
          %get3A_1753 = tpu.vector_load %get3A_1750[%get3A_1751, %get3A_1752] {strides = array<i32>} : memref<16x1024xf32, #tpu.memory_space<vmem>>, vector<1x16xf32>,
          %get3A_1754 = vector.shape_cast %get3A_1753 : vector<1x16xf32> to vector<16xf32>
          %get3A_1755 = arith.constant 0 : i32
          %get3A_1756 = arith.constant 0 : i32
          %get3A_1757 = tpu.memref_slice %run_scoped3A_8[%rem3A_268, %get3A_1755, %get3A_1756] : memref<2x16x1024xf32, #tpu.memory_space<vmem>> -> memref<1x16x1024xf32, #tpu.memory_space<vmem>>
          %get3A_1758 = tpu.memref_squeeze %get3A_1757 : memref<1x16x1024xf32, #tpu.memory_space<vmem>> -> memref<16x1024xf32, #tpu.memory_space<vmem>>
          %get3A_1759 = arith.index_cast %add3A_396 : i32 to index
          %get3A_1760 = arith.constant 832 : index
          %get3A_1761 = tpu.vector_load %get3A_1758[%get3A_1759, %get3A_1760] {strides = array<i32>} : memref<16x1024xf32, #tpu.memory_space<vmem>>, vector<1x16xf32>,
          %get3A_1762 = vector.shape_cast %get3A_1761 : vector<1x16xf32> to vector<16xf32>
          %add3A_1763 = arith.addf %get3A_1754, %get3A_1762 : vector<16xf32>
          %swap3A_1764 = arith.constant 0 : i32
          %swap3A_1765 = arith.constant 0 : i32
          %swap3A_1766 = tpu.memref_slice %run_scoped3A_10[%rem3A_270, %swap3A_1764, %swap3A_1765] : memref<2x16x1024xf32, #tpu.memory_space<vmem>> -> memref<1x16x1024xf32, #tpu.memory_space<vmem>>
          %swap3A_1767 = tpu.memref_squeeze %swap3A_1766 : memref<1x16x1024xf32, #tpu.memory_space<vmem>> -> memref<16x1024xf32, #tpu.memory_space<vmem>>
          %swap3A_1768 = arith.index_cast %add3A_396 : i32 to index
          %swap3A_1769 = arith.constant 832 : index
          %swap3A_1770 = tpu.vector_load %swap3A_1767[%swap3A_1768, %swap3A_1769] {strides = array<i32>} : memref<16x1024xf32, #tpu.memory_space<vmem>>, vector<1x16xf32>,
          %swap3A_1771 = vector.shape_cast %swap3A_1770 : vector<1x16xf32> to vector<16xf32>
          %swap3A_1772 = vector.shape_cast %add3A_1763 : vector<16xf32> to vector<1x16xf32>
          tpu.vector_store %swap3A_1767[%swap3A_1768, %swap3A_1769], %swap3A_1772 {strides = array<i32>} : memref<16x1024xf32, #tpu.memory_space<vmem>>, vector<1x16xf32>,
          %get3A_1773 = arith.constant 0 : i32
          %get3A_1774 = arith.constant 0 : i32
          %get3A_1775 = tpu.memref_slice %run_scoped3A[%rem3A_266, %get3A_1773, %get3A_1774] : memref<2x16x1024xf32, #tpu.memory_space<vmem>> -> memref<1x16x1024xf32, #tpu.memory_space<vmem>>
          %get3A_1776 = tpu.memref_squeeze %get3A_1775 : memref<1x16x1024xf32, #tpu.memory_space<vmem>> -> memref<16x1024xf32, #tpu.memory_space<vmem>>
          %get3A_1777 = arith.index_cast %add3A_396 : i32 to index
          %get3A_1778 = arith.constant 848 : index
          %get3A_1779 = tpu.vector_load %get3A_1776[%get3A_1777, %get3A_1778] {strides = array<i32>} : memref<16x1024xf32, #tpu.memory_space<vmem>>, vector<1x16xf32>,
          %get3A_1780 = vector.shape_cast %get3A_1779 : vector<1x16xf32> to vector<16xf32>
          %get3A_1781 = arith.constant 0 : i32
          %get3A_1782 = arith.constant 0 : i32
          %get3A_1783 = tpu.memref_slice %run_scoped3A_8[%rem3A_268, %get3A_1781, %get3A_1782] : memref<2x16x1024xf32, #tpu.memory_space<vmem>> -> memref<1x16x1024xf32, #tpu.memory_space<vmem>>
          %get3A_1784 = tpu.memref_squeeze %get3A_1783 : memref<1x16x1024xf32, #tpu.memory_space<vmem>> -> memref<16x1024xf32, #tpu.memory_space<vmem>>
          %get3A_1785 = arith.index_cast %add3A_396 : i32 to index
          %get3A_1786 = arith.constant 848 : index
          %get3A_1787 = tpu.vector_load %get3A_1784[%get3A_1785, %get3A_1786] {strides = array<i32>} : memref<16x1024xf32, #tpu.memory_space<vmem>>, vector<1x16xf32>,
          %get3A_1788 = vector.shape_cast %get3A_1787 : vector<1x16xf32> to vector<16xf32>
          %add3A_1789 = arith.addf %get3A_1780, %get3A_1788 : vector<16xf32>
          %swap3A_1790 = arith.constant 0 : i32
          %swap3A_1791 = arith.constant 0 : i32
          %swap3A_1792 = tpu.memref_slice %run_scoped3A_10[%rem3A_270, %swap3A_1790, %swap3A_1791] : memref<2x16x1024xf32, #tpu.memory_space<vmem>> -> memref<1x16x1024xf32, #tpu.memory_space<vmem>>
          %swap3A_1793 = tpu.memref_squeeze %swap3A_1792 : memref<1x16x1024xf32, #tpu.memory_space<vmem>> -> memref<16x1024xf32, #tpu.memory_space<vmem>>
          %swap3A_1794 = arith.index_cast %add3A_396 : i32 to index
          %swap3A_1795 = arith.constant 848 : index
          %swap3A_1796 = tpu.vector_load %swap3A_1793[%swap3A_1794, %swap3A_1795] {strides = array<i32>} : memref<16x1024xf32, #tpu.memory_space<vmem>>, vector<1x16xf32>,
          %swap3A_1797 = vector.shape_cast %swap3A_1796 : vector<1x16xf32> to vector<16xf32>
          %swap3A_1798 = vector.shape_cast %add3A_1789 : vector<16xf32> to vector<1x16xf32>
          tpu.vector_store %swap3A_1793[%swap3A_1794, %swap3A_1795], %swap3A_1798 {strides = array<i32>} : memref<16x1024xf32, #tpu.memory_space<vmem>>, vector<1x16xf32>,
          %get3A_1799 = arith.constant 0 : i32
          %get3A_1800 = arith.constant 0 : i32
          %get3A_1801 = tpu.memref_slice %run_scoped3A[%rem3A_266, %get3A_1799, %get3A_1800] : memref<2x16x1024xf32, #tpu.memory_space<vmem>> -> memref<1x16x1024xf32, #tpu.memory_space<vmem>>
          %get3A_1802 = tpu.memref_squeeze %get3A_1801 : memref<1x16x1024xf32, #tpu.memory_space<vmem>> -> memref<16x1024xf32, #tpu.memory_space<vmem>>
          %get3A_1803 = arith.index_cast %add3A_396 : i32 to index
          %get3A_1804 = arith.constant 864 : index
          %get3A_1805 = tpu.vector_load %get3A_1802[%get3A_1803, %get3A_1804] {strides = array<i32>} : memref<16x1024xf32, #tpu.memory_space<vmem>>, vector<1x16xf32>,
          %get3A_1806 = vector.shape_cast %get3A_1805 : vector<1x16xf32> to vector<16xf32>
          %get3A_1807 = arith.constant 0 : i32
          %get3A_1808 = arith.constant 0 : i32
          %get3A_1809 = tpu.memref_slice %run_scoped3A_8[%rem3A_268, %get3A_1807, %get3A_1808] : memref<2x16x1024xf32, #tpu.memory_space<vmem>> -> memref<1x16x1024xf32, #tpu.memory_space<vmem>>
          %get3A_1810 = tpu.memref_squeeze %get3A_1809 : memref<1x16x1024xf32, #tpu.memory_space<vmem>> -> memref<16x1024xf32, #tpu.memory_space<vmem>>
          %get3A_1811 = arith.index_cast %add3A_396 : i32 to index
          %get3A_1812 = arith.constant 864 : index
          %get3A_1813 = tpu.vector_load %get3A_1810[%get3A_1811, %get3A_1812] {strides = array<i32>} : memref<16x1024xf32, #tpu.memory_space<vmem>>, vector<1x16xf32>,
          %get3A_1814 = vector.shape_cast %get3A_1813 : vector<1x16xf32> to vector<16xf32>
          %add3A_1815 = arith.addf %get3A_1806, %get3A_1814 : vector<16xf32>
          %swap3A_1816 = arith.constant 0 : i32
          %swap3A_1817 = arith.constant 0 : i32
          %swap3A_1818 = tpu.memref_slice %run_scoped3A_10[%rem3A_270, %swap3A_1816, %swap3A_1817] : memref<2x16x1024xf32, #tpu.memory_space<vmem>> -> memref<1x16x1024xf32, #tpu.memory_space<vmem>>
          %swap3A_1819 = tpu.memref_squeeze %swap3A_1818 : memref<1x16x1024xf32, #tpu.memory_space<vmem>> -> memref<16x1024xf32, #tpu.memory_space<vmem>>
          %swap3A_1820 = arith.index_cast %add3A_396 : i32 to index
          %swap3A_1821 = arith.constant 864 : index
          %swap3A_1822 = tpu.vector_load %swap3A_1819[%swap3A_1820, %swap3A_1821] {strides = array<i32>} : memref<16x1024xf32, #tpu.memory_space<vmem>>, vector<1x16xf32>,
          %swap3A_1823 = vector.shape_cast %swap3A_1822 : vector<1x16xf32> to vector<16xf32>
          %swap3A_1824 = vector.shape_cast %add3A_1815 : vector<16xf32> to vector<1x16xf32>
          tpu.vector_store %swap3A_1819[%swap3A_1820, %swap3A_1821], %swap3A_1824 {strides = array<i32>} : memref<16x1024xf32, #tpu.memory_space<vmem>>, vector<1x16xf32>,
          %get3A_1825 = arith.constant 0 : i32
          %get3A_1826 = arith.constant 0 : i32
          %get3A_1827 = tpu.memref_slice %run_scoped3A[%rem3A_266, %get3A_1825, %get3A_1826] : memref<2x16x1024xf32, #tpu.memory_space<vmem>> -> memref<1x16x1024xf32, #tpu.memory_space<vmem>>
          %get3A_1828 = tpu.memref_squeeze %get3A_1827 : memref<1x16x1024xf32, #tpu.memory_space<vmem>> -> memref<16x1024xf32, #tpu.memory_space<vmem>>
          %get3A_1829 = arith.index_cast %add3A_396 : i32 to index
          %get3A_1830 = arith.constant 880 : index
          %get3A_1831 = tpu.vector_load %get3A_1828[%get3A_1829, %get3A_1830] {strides = array<i32>} : memref<16x1024xf32, #tpu.memory_space<vmem>>, vector<1x16xf32>,
          %get3A_1832 = vector.shape_cast %get3A_1831 : vector<1x16xf32> to vector<16xf32>
          %get3A_1833 = arith.constant 0 : i32
          %get3A_1834 = arith.constant 0 : i32
          %get3A_1835 = tpu.memref_slice %run_scoped3A_8[%rem3A_268, %get3A_1833, %get3A_1834] : memref<2x16x1024xf32, #tpu.memory_space<vmem>> -> memref<1x16x1024xf32, #tpu.memory_space<vmem>>
          %get3A_1836 = tpu.memref_squeeze %get3A_1835 : memref<1x16x1024xf32, #tpu.memory_space<vmem>> -> memref<16x1024xf32, #tpu.memory_space<vmem>>
          %get3A_1837 = arith.index_cast %add3A_396 : i32 to index
          %get3A_1838 = arith.constant 880 : index
          %get3A_1839 = tpu.vector_load %get3A_1836[%get3A_1837, %get3A_1838] {strides = array<i32>} : memref<16x1024xf32, #tpu.memory_space<vmem>>, vector<1x16xf32>,
          %get3A_1840 = vector.shape_cast %get3A_1839 : vector<1x16xf32> to vector<16xf32>
          %add3A_1841 = arith.addf %get3A_1832, %get3A_1840 : vector<16xf32>
          %swap3A_1842 = arith.constant 0 : i32
          %swap3A_1843 = arith.constant 0 : i32
          %swap3A_1844 = tpu.memref_slice %run_scoped3A_10[%rem3A_270, %swap3A_1842, %swap3A_1843] : memref<2x16x1024xf32, #tpu.memory_space<vmem>> -> memref<1x16x1024xf32, #tpu.memory_space<vmem>>
          %swap3A_1845 = tpu.memref_squeeze %swap3A_1844 : memref<1x16x1024xf32, #tpu.memory_space<vmem>> -> memref<16x1024xf32, #tpu.memory_space<vmem>>
          %swap3A_1846 = arith.index_cast %add3A_396 : i32 to index
          %swap3A_1847 = arith.constant 880 : index
          %swap3A_1848 = tpu.vector_load %swap3A_1845[%swap3A_1846, %swap3A_1847] {strides = array<i32>} : memref<16x1024xf32, #tpu.memory_space<vmem>>, vector<1x16xf32>,
          %swap3A_1849 = vector.shape_cast %swap3A_1848 : vector<1x16xf32> to vector<16xf32>
          %swap3A_1850 = vector.shape_cast %add3A_1841 : vector<16xf32> to vector<1x16xf32>
          tpu.vector_store %swap3A_1845[%swap3A_1846, %swap3A_1847], %swap3A_1850 {strides = array<i32>} : memref<16x1024xf32, #tpu.memory_space<vmem>>, vector<1x16xf32>,
          %get3A_1851 = arith.constant 0 : i32
          %get3A_1852 = arith.constant 0 : i32
          %get3A_1853 = tpu.memref_slice %run_scoped3A[%rem3A_266, %get3A_1851, %get3A_1852] : memref<2x16x1024xf32, #tpu.memory_space<vmem>> -> memref<1x16x1024xf32, #tpu.memory_space<vmem>>
          %get3A_1854 = tpu.memref_squeeze %get3A_1853 : memref<1x16x1024xf32, #tpu.memory_space<vmem>> -> memref<16x1024xf32, #tpu.memory_space<vmem>>
          %get3A_1855 = arith.index_cast %add3A_396 : i32 to index
          %get3A_1856 = arith.constant 896 : index
          %get3A_1857 = tpu.vector_load %get3A_1854[%get3A_1855, %get3A_1856] {strides = array<i32>} : memref<16x1024xf32, #tpu.memory_space<vmem>>, vector<1x16xf32>,
          %get3A_1858 = vector.shape_cast %get3A_1857 : vector<1x16xf32> to vector<16xf32>
          %get3A_1859 = arith.constant 0 : i32
          %get3A_1860 = arith.constant 0 : i32
          %get3A_1861 = tpu.memref_slice %run_scoped3A_8[%rem3A_268, %get3A_1859, %get3A_1860] : memref<2x16x1024xf32, #tpu.memory_space<vmem>> -> memref<1x16x1024xf32, #tpu.memory_space<vmem>>
          %get3A_1862 = tpu.memref_squeeze %get3A_1861 : memref<1x16x1024xf32, #tpu.memory_space<vmem>> -> memref<16x1024xf32, #tpu.memory_space<vmem>>
          %get3A_1863 = arith.index_cast %add3A_396 : i32 to index
          %get3A_1864 = arith.constant 896 : index
          %get3A_1865 = tpu.vector_load %get3A_1862[%get3A_1863, %get3A_1864] {strides = array<i32>} : memref<16x1024xf32, #tpu.memory_space<vmem>>, vector<1x16xf32>,
          %get3A_1866 = vector.shape_cast %get3A_1865 : vector<1x16xf32> to vector<16xf32>
          %add3A_1867 = arith.addf %get3A_1858, %get3A_1866 : vector<16xf32>
          %swap3A_1868 = arith.constant 0 : i32
          %swap3A_1869 = arith.constant 0 : i32
          %swap3A_1870 = tpu.memref_slice %run_scoped3A_10[%rem3A_270, %swap3A_1868, %swap3A_1869] : memref<2x16x1024xf32, #tpu.memory_space<vmem>> -> memref<1x16x1024xf32, #tpu.memory_space<vmem>>
          %swap3A_1871 = tpu.memref_squeeze %swap3A_1870 : memref<1x16x1024xf32, #tpu.memory_space<vmem>> -> memref<16x1024xf32, #tpu.memory_space<vmem>>
          %swap3A_1872 = arith.index_cast %add3A_396 : i32 to index
          %swap3A_1873 = arith.constant 896 : index
          %swap3A_1874 = tpu.vector_load %swap3A_1871[%swap3A_1872, %swap3A_1873] {strides = array<i32>} : memref<16x1024xf32, #tpu.memory_space<vmem>>, vector<1x16xf32>,
          %swap3A_1875 = vector.shape_cast %swap3A_1874 : vector<1x16xf32> to vector<16xf32>
          %swap3A_1876 = vector.shape_cast %add3A_1867 : vector<16xf32> to vector<1x16xf32>
          tpu.vector_store %swap3A_1871[%swap3A_1872, %swap3A_1873], %swap3A_1876 {strides = array<i32>} : memref<16x1024xf32, #tpu.memory_space<vmem>>, vector<1x16xf32>,
          %get3A_1877 = arith.constant 0 : i32
          %get3A_1878 = arith.constant 0 : i32
          %get3A_1879 = tpu.memref_slice %run_scoped3A[%rem3A_266, %get3A_1877, %get3A_1878] : memref<2x16x1024xf32, #tpu.memory_space<vmem>> -> memref<1x16x1024xf32, #tpu.memory_space<vmem>>
          %get3A_1880 = tpu.memref_squeeze %get3A_1879 : memref<1x16x1024xf32, #tpu.memory_space<vmem>> -> memref<16x1024xf32, #tpu.memory_space<vmem>>
          %get3A_1881 = arith.index_cast %add3A_396 : i32 to index
          %get3A_1882 = arith.constant 912 : index
          %get3A_1883 = tpu.vector_load %get3A_1880[%get3A_1881, %get3A_1882] {strides = array<i32>} : memref<16x1024xf32, #tpu.memory_space<vmem>>, vector<1x16xf32>,
          %get3A_1884 = vector.shape_cast %get3A_1883 : vector<1x16xf32> to vector<16xf32>
          %get3A_1885 = arith.constant 0 : i32
          %get3A_1886 = arith.constant 0 : i32
          %get3A_1887 = tpu.memref_slice %run_scoped3A_8[%rem3A_268, %get3A_1885, %get3A_1886] : memref<2x16x1024xf32, #tpu.memory_space<vmem>> -> memref<1x16x1024xf32, #tpu.memory_space<vmem>>
          %get3A_1888 = tpu.memref_squeeze %get3A_1887 : memref<1x16x1024xf32, #tpu.memory_space<vmem>> -> memref<16x1024xf32, #tpu.memory_space<vmem>>
          %get3A_1889 = arith.index_cast %add3A_396 : i32 to index
          %get3A_1890 = arith.constant 912 : index
          %get3A_1891 = tpu.vector_load %get3A_1888[%get3A_1889, %get3A_1890] {strides = array<i32>} : memref<16x1024xf32, #tpu.memory_space<vmem>>, vector<1x16xf32>,
          %get3A_1892 = vector.shape_cast %get3A_1891 : vector<1x16xf32> to vector<16xf32>
          %add3A_1893 = arith.addf %get3A_1884, %get3A_1892 : vector<16xf32>
          %swap3A_1894 = arith.constant 0 : i32
          %swap3A_1895 = arith.constant 0 : i32
          %swap3A_1896 = tpu.memref_slice %run_scoped3A_10[%rem3A_270, %swap3A_1894, %swap3A_1895] : memref<2x16x1024xf32, #tpu.memory_space<vmem>> -> memref<1x16x1024xf32, #tpu.memory_space<vmem>>
          %swap3A_1897 = tpu.memref_squeeze %swap3A_1896 : memref<1x16x1024xf32, #tpu.memory_space<vmem>> -> memref<16x1024xf32, #tpu.memory_space<vmem>>
          %swap3A_1898 = arith.index_cast %add3A_396 : i32 to index
          %swap3A_1899 = arith.constant 912 : index
          %swap3A_1900 = tpu.vector_load %swap3A_1897[%swap3A_1898, %swap3A_1899] {strides = array<i32>} : memref<16x1024xf32, #tpu.memory_space<vmem>>, vector<1x16xf32>,
          %swap3A_1901 = vector.shape_cast %swap3A_1900 : vector<1x16xf32> to vector<16xf32>
          %swap3A_1902 = vector.shape_cast %add3A_1893 : vector<16xf32> to vector<1x16xf32>
          tpu.vector_store %swap3A_1897[%swap3A_1898, %swap3A_1899], %swap3A_1902 {strides = array<i32>} : memref<16x1024xf32, #tpu.memory_space<vmem>>, vector<1x16xf32>,
          %get3A_1903 = arith.constant 0 : i32
          %get3A_1904 = arith.constant 0 : i32
          %get3A_1905 = tpu.memref_slice %run_scoped3A[%rem3A_266, %get3A_1903, %get3A_1904] : memref<2x16x1024xf32, #tpu.memory_space<vmem>> -> memref<1x16x1024xf32, #tpu.memory_space<vmem>>
          %get3A_1906 = tpu.memref_squeeze %get3A_1905 : memref<1x16x1024xf32, #tpu.memory_space<vmem>> -> memref<16x1024xf32, #tpu.memory_space<vmem>>
          %get3A_1907 = arith.index_cast %add3A_396 : i32 to index
          %get3A_1908 = arith.constant 928 : index
          %get3A_1909 = tpu.vector_load %get3A_1906[%get3A_1907, %get3A_1908] {strides = array<i32>} : memref<16x1024xf32, #tpu.memory_space<vmem>>, vector<1x16xf32>,
          %get3A_1910 = vector.shape_cast %get3A_1909 : vector<1x16xf32> to vector<16xf32>
          %get3A_1911 = arith.constant 0 : i32
          %get3A_1912 = arith.constant 0 : i32
          %get3A_1913 = tpu.memref_slice %run_scoped3A_8[%rem3A_268, %get3A_1911, %get3A_1912] : memref<2x16x1024xf32, #tpu.memory_space<vmem>> -> memref<1x16x1024xf32, #tpu.memory_space<vmem>>
          %get3A_1914 = tpu.memref_squeeze %get3A_1913 : memref<1x16x1024xf32, #tpu.memory_space<vmem>> -> memref<16x1024xf32, #tpu.memory_space<vmem>>
          %get3A_1915 = arith.index_cast %add3A_396 : i32 to index
          %get3A_1916 = arith.constant 928 : index
          %get3A_1917 = tpu.vector_load %get3A_1914[%get3A_1915, %get3A_1916] {strides = array<i32>} : memref<16x1024xf32, #tpu.memory_space<vmem>>, vector<1x16xf32>,
          %get3A_1918 = vector.shape_cast %get3A_1917 : vector<1x16xf32> to vector<16xf32>
          %add3A_1919 = arith.addf %get3A_1910, %get3A_1918 : vector<16xf32>
          %swap3A_1920 = arith.constant 0 : i32
          %swap3A_1921 = arith.constant 0 : i32
          %swap3A_1922 = tpu.memref_slice %run_scoped3A_10[%rem3A_270, %swap3A_1920, %swap3A_1921] : memref<2x16x1024xf32, #tpu.memory_space<vmem>> -> memref<1x16x1024xf32, #tpu.memory_space<vmem>>
          %swap3A_1923 = tpu.memref_squeeze %swap3A_1922 : memref<1x16x1024xf32, #tpu.memory_space<vmem>> -> memref<16x1024xf32, #tpu.memory_space<vmem>>
          %swap3A_1924 = arith.index_cast %add3A_396 : i32 to index
          %swap3A_1925 = arith.constant 928 : index
          %swap3A_1926 = tpu.vector_load %swap3A_1923[%swap3A_1924, %swap3A_1925] {strides = array<i32>} : memref<16x1024xf32, #tpu.memory_space<vmem>>, vector<1x16xf32>,
          %swap3A_1927 = vector.shape_cast %swap3A_1926 : vector<1x16xf32> to vector<16xf32>
          %swap3A_1928 = vector.shape_cast %add3A_1919 : vector<16xf32> to vector<1x16xf32>
          tpu.vector_store %swap3A_1923[%swap3A_1924, %swap3A_1925], %swap3A_1928 {strides = array<i32>} : memref<16x1024xf32, #tpu.memory_space<vmem>>, vector<1x16xf32>,
          %get3A_1929 = arith.constant 0 : i32
          %get3A_1930 = arith.constant 0 : i32
          %get3A_1931 = tpu.memref_slice %run_scoped3A[%rem3A_266, %get3A_1929, %get3A_1930] : memref<2x16x1024xf32, #tpu.memory_space<vmem>> -> memref<1x16x1024xf32, #tpu.memory_space<vmem>>
          %get3A_1932 = tpu.memref_squeeze %get3A_1931 : memref<1x16x1024xf32, #tpu.memory_space<vmem>> -> memref<16x1024xf32, #tpu.memory_space<vmem>>
          %get3A_1933 = arith.index_cast %add3A_396 : i32 to index
          %get3A_1934 = arith.constant 944 : index
          %get3A_1935 = tpu.vector_load %get3A_1932[%get3A_1933, %get3A_1934] {strides = array<i32>} : memref<16x1024xf32, #tpu.memory_space<vmem>>, vector<1x16xf32>,
          %get3A_1936 = vector.shape_cast %get3A_1935 : vector<1x16xf32> to vector<16xf32>
          %get3A_1937 = arith.constant 0 : i32
          %get3A_1938 = arith.constant 0 : i32
          %get3A_1939 = tpu.memref_slice %run_scoped3A_8[%rem3A_268, %get3A_1937, %get3A_1938] : memref<2x16x1024xf32, #tpu.memory_space<vmem>> -> memref<1x16x1024xf32, #tpu.memory_space<vmem>>
          %get3A_1940 = tpu.memref_squeeze %get3A_1939 : memref<1x16x1024xf32, #tpu.memory_space<vmem>> -> memref<16x1024xf32, #tpu.memory_space<vmem>>
          %get3A_1941 = arith.index_cast %add3A_396 : i32 to index
          %get3A_1942 = arith.constant 944 : index
          %get3A_1943 = tpu.vector_load %get3A_1940[%get3A_1941, %get3A_1942] {strides = array<i32>} : memref<16x1024xf32, #tpu.memory_space<vmem>>, vector<1x16xf32>,
          %get3A_1944 = vector.shape_cast %get3A_1943 : vector<1x16xf32> to vector<16xf32>
          %add3A_1945 = arith.addf %get3A_1936, %get3A_1944 : vector<16xf32>
          %swap3A_1946 = arith.constant 0 : i32
          %swap3A_1947 = arith.constant 0 : i32
          %swap3A_1948 = tpu.memref_slice %run_scoped3A_10[%rem3A_270, %swap3A_1946, %swap3A_1947] : memref<2x16x1024xf32, #tpu.memory_space<vmem>> -> memref<1x16x1024xf32, #tpu.memory_space<vmem>>
          %swap3A_1949 = tpu.memref_squeeze %swap3A_1948 : memref<1x16x1024xf32, #tpu.memory_space<vmem>> -> memref<16x1024xf32, #tpu.memory_space<vmem>>
          %swap3A_1950 = arith.index_cast %add3A_396 : i32 to index
          %swap3A_1951 = arith.constant 944 : index
          %swap3A_1952 = tpu.vector_load %swap3A_1949[%swap3A_1950, %swap3A_1951] {strides = array<i32>} : memref<16x1024xf32, #tpu.memory_space<vmem>>, vector<1x16xf32>,
          %swap3A_1953 = vector.shape_cast %swap3A_1952 : vector<1x16xf32> to vector<16xf32>
          %swap3A_1954 = vector.shape_cast %add3A_1945 : vector<16xf32> to vector<1x16xf32>
          tpu.vector_store %swap3A_1949[%swap3A_1950, %swap3A_1951], %swap3A_1954 {strides = array<i32>} : memref<16x1024xf32, #tpu.memory_space<vmem>>, vector<1x16xf32>,
          %get3A_1955 = arith.constant 0 : i32
          %get3A_1956 = arith.constant 0 : i32
          %get3A_1957 = tpu.memref_slice %run_scoped3A[%rem3A_266, %get3A_1955, %get3A_1956] : memref<2x16x1024xf32, #tpu.memory_space<vmem>> -> memref<1x16x1024xf32, #tpu.memory_space<vmem>>
          %get3A_1958 = tpu.memref_squeeze %get3A_1957 : memref<1x16x1024xf32, #tpu.memory_space<vmem>> -> memref<16x1024xf32, #tpu.memory_space<vmem>>
          %get3A_1959 = arith.index_cast %add3A_396 : i32 to index
          %get3A_1960 = arith.constant 960 : index
          %get3A_1961 = tpu.vector_load %get3A_1958[%get3A_1959, %get3A_1960] {strides = array<i32>} : memref<16x1024xf32, #tpu.memory_space<vmem>>, vector<1x16xf32>,
          %get3A_1962 = vector.shape_cast %get3A_1961 : vector<1x16xf32> to vector<16xf32>
          %get3A_1963 = arith.constant 0 : i32
          %get3A_1964 = arith.constant 0 : i32
          %get3A_1965 = tpu.memref_slice %run_scoped3A_8[%rem3A_268, %get3A_1963, %get3A_1964] : memref<2x16x1024xf32, #tpu.memory_space<vmem>> -> memref<1x16x1024xf32, #tpu.memory_space<vmem>>
          %get3A_1966 = tpu.memref_squeeze %get3A_1965 : memref<1x16x1024xf32, #tpu.memory_space<vmem>> -> memref<16x1024xf32, #tpu.memory_space<vmem>>
          %get3A_1967 = arith.index_cast %add3A_396 : i32 to index
          %get3A_1968 = arith.constant 960 : index
          %get3A_1969 = tpu.vector_load %get3A_1966[%get3A_1967, %get3A_1968] {strides = array<i32>} : memref<16x1024xf32, #tpu.memory_space<vmem>>, vector<1x16xf32>,
          %get3A_1970 = vector.shape_cast %get3A_1969 : vector<1x16xf32> to vector<16xf32>
          %add3A_1971 = arith.addf %get3A_1962, %get3A_1970 : vector<16xf32>
          %swap3A_1972 = arith.constant 0 : i32
          %swap3A_1973 = arith.constant 0 : i32
          %swap3A_1974 = tpu.memref_slice %run_scoped3A_10[%rem3A_270, %swap3A_1972, %swap3A_1973] : memref<2x16x1024xf32, #tpu.memory_space<vmem>> -> memref<1x16x1024xf32, #tpu.memory_space<vmem>>
          %swap3A_1975 = tpu.memref_squeeze %swap3A_1974 : memref<1x16x1024xf32, #tpu.memory_space<vmem>> -> memref<16x1024xf32, #tpu.memory_space<vmem>>
          %swap3A_1976 = arith.index_cast %add3A_396 : i32 to index
          %swap3A_1977 = arith.constant 960 : index
          %swap3A_1978 = tpu.vector_load %swap3A_1975[%swap3A_1976, %swap3A_1977] {strides = array<i32>} : memref<16x1024xf32, #tpu.memory_space<vmem>>, vector<1x16xf32>,
          %swap3A_1979 = vector.shape_cast %swap3A_1978 : vector<1x16xf32> to vector<16xf32>
          %swap3A_1980 = vector.shape_cast %add3A_1971 : vector<16xf32> to vector<1x16xf32>
          tpu.vector_store %swap3A_1975[%swap3A_1976, %swap3A_1977], %swap3A_1980 {strides = array<i32>} : memref<16x1024xf32, #tpu.memory_space<vmem>>, vector<1x16xf32>,
          %get3A_1981 = arith.constant 0 : i32
          %get3A_1982 = arith.constant 0 : i32
          %get3A_1983 = tpu.memref_slice %run_scoped3A[%rem3A_266, %get3A_1981, %get3A_1982] : memref<2x16x1024xf32, #tpu.memory_space<vmem>> -> memref<1x16x1024xf32, #tpu.memory_space<vmem>>
          %get3A_1984 = tpu.memref_squeeze %get3A_1983 : memref<1x16x1024xf32, #tpu.memory_space<vmem>> -> memref<16x1024xf32, #tpu.memory_space<vmem>>
          %get3A_1985 = arith.index_cast %add3A_396 : i32 to index
          %get3A_1986 = arith.constant 976 : index
          %get3A_1987 = tpu.vector_load %get3A_1984[%get3A_1985, %get3A_1986] {strides = array<i32>} : memref<16x1024xf32, #tpu.memory_space<vmem>>, vector<1x16xf32>,
          %get3A_1988 = vector.shape_cast %get3A_1987 : vector<1x16xf32> to vector<16xf32>
          %get3A_1989 = arith.constant 0 : i32
          %get3A_1990 = arith.constant 0 : i32
          %get3A_1991 = tpu.memref_slice %run_scoped3A_8[%rem3A_268, %get3A_1989, %get3A_1990] : memref<2x16x1024xf32, #tpu.memory_space<vmem>> -> memref<1x16x1024xf32, #tpu.memory_space<vmem>>
          %get3A_1992 = tpu.memref_squeeze %get3A_1991 : memref<1x16x1024xf32, #tpu.memory_space<vmem>> -> memref<16x1024xf32, #tpu.memory_space<vmem>>
          %get3A_1993 = arith.index_cast %add3A_396 : i32 to index
          %get3A_1994 = arith.constant 976 : index
          %get3A_1995 = tpu.vector_load %get3A_1992[%get3A_1993, %get3A_1994] {strides = array<i32>} : memref<16x1024xf32, #tpu.memory_space<vmem>>, vector<1x16xf32>,
          %get3A_1996 = vector.shape_cast %get3A_1995 : vector<1x16xf32> to vector<16xf32>
          %add3A_1997 = arith.addf %get3A_1988, %get3A_1996 : vector<16xf32>
          %swap3A_1998 = arith.constant 0 : i32
          %swap3A_1999 = arith.constant 0 : i32
          %swap3A_2000 = tpu.memref_slice %run_scoped3A_10[%rem3A_270, %swap3A_1998, %swap3A_1999] : memref<2x16x1024xf32, #tpu.memory_space<vmem>> -> memref<1x16x1024xf32, #tpu.memory_space<vmem>>
          %swap3A_2001 = tpu.memref_squeeze %swap3A_2000 : memref<1x16x1024xf32, #tpu.memory_space<vmem>> -> memref<16x1024xf32, #tpu.memory_space<vmem>>
          %swap3A_2002 = arith.index_cast %add3A_396 : i32 to index
          %swap3A_2003 = arith.constant 976 : index
          %swap3A_2004 = tpu.vector_load %swap3A_2001[%swap3A_2002, %swap3A_2003] {strides = array<i32>} : memref<16x1024xf32, #tpu.memory_space<vmem>>, vector<1x16xf32>,
          %swap3A_2005 = vector.shape_cast %swap3A_2004 : vector<1x16xf32> to vector<16xf32>
          %swap3A_2006 = vector.shape_cast %add3A_1997 : vector<16xf32> to vector<1x16xf32>
          tpu.vector_store %swap3A_2001[%swap3A_2002, %swap3A_2003], %swap3A_2006 {strides = array<i32>} : memref<16x1024xf32, #tpu.memory_space<vmem>>, vector<1x16xf32>,
          %get3A_2007 = arith.constant 0 : i32
          %get3A_2008 = arith.constant 0 : i32
          %get3A_2009 = tpu.memref_slice %run_scoped3A[%rem3A_266, %get3A_2007, %get3A_2008] : memref<2x16x1024xf32, #tpu.memory_space<vmem>> -> memref<1x16x1024xf32, #tpu.memory_space<vmem>>
          %get3A_2010 = tpu.memref_squeeze %get3A_2009 : memref<1x16x1024xf32, #tpu.memory_space<vmem>> -> memref<16x1024xf32, #tpu.memory_space<vmem>>
          %get3A_2011 = arith.index_cast %add3A_396 : i32 to index
          %get3A_2012 = arith.constant 992 : index
          %get3A_2013 = tpu.vector_load %get3A_2010[%get3A_2011, %get3A_2012] {strides = array<i32>} : memref<16x1024xf32, #tpu.memory_space<vmem>>, vector<1x16xf32>,
          %get3A_2014 = vector.shape_cast %get3A_2013 : vector<1x16xf32> to vector<16xf32>
          %get3A_2015 = arith.constant 0 : i32
          %get3A_2016 = arith.constant 0 : i32
          %get3A_2017 = tpu.memref_slice %run_scoped3A_8[%rem3A_268, %get3A_2015, %get3A_2016] : memref<2x16x1024xf32, #tpu.memory_space<vmem>> -> memref<1x16x1024xf32, #tpu.memory_space<vmem>>
          %get3A_2018 = tpu.memref_squeeze %get3A_2017 : memref<1x16x1024xf32, #tpu.memory_space<vmem>> -> memref<16x1024xf32, #tpu.memory_space<vmem>>
          %get3A_2019 = arith.index_cast %add3A_396 : i32 to index
          %get3A_2020 = arith.constant 992 : index
          %get3A_2021 = tpu.vector_load %get3A_2018[%get3A_2019, %get3A_2020] {strides = array<i32>} : memref<16x1024xf32, #tpu.memory_space<vmem>>, vector<1x16xf32>,
          %get3A_2022 = vector.shape_cast %get3A_2021 : vector<1x16xf32> to vector<16xf32>
          %add3A_2023 = arith.addf %get3A_2014, %get3A_2022 : vector<16xf32>
          %swap3A_2024 = arith.constant 0 : i32
          %swap3A_2025 = arith.constant 0 : i32
          %swap3A_2026 = tpu.memref_slice %run_scoped3A_10[%rem3A_270, %swap3A_2024, %swap3A_2025] : memref<2x16x1024xf32, #tpu.memory_space<vmem>> -> memref<1x16x1024xf32, #tpu.memory_space<vmem>>
          %swap3A_2027 = tpu.memref_squeeze %swap3A_2026 : memref<1x16x1024xf32, #tpu.memory_space<vmem>> -> memref<16x1024xf32, #tpu.memory_space<vmem>>
          %swap3A_2028 = arith.index_cast %add3A_396 : i32 to index
          %swap3A_2029 = arith.constant 992 : index
          %swap3A_2030 = tpu.vector_load %swap3A_2027[%swap3A_2028, %swap3A_2029] {strides = array<i32>} : memref<16x1024xf32, #tpu.memory_space<vmem>>, vector<1x16xf32>,
          %swap3A_2031 = vector.shape_cast %swap3A_2030 : vector<1x16xf32> to vector<16xf32>
          %swap3A_2032 = vector.shape_cast %add3A_2023 : vector<16xf32> to vector<1x16xf32>
          tpu.vector_store %swap3A_2027[%swap3A_2028, %swap3A_2029], %swap3A_2032 {strides = array<i32>} : memref<16x1024xf32, #tpu.memory_space<vmem>>, vector<1x16xf32>,
          %get3A_2033 = arith.constant 0 : i32
          %get3A_2034 = arith.constant 0 : i32
          %get3A_2035 = tpu.memref_slice %run_scoped3A[%rem3A_266, %get3A_2033, %get3A_2034] : memref<2x16x1024xf32, #tpu.memory_space<vmem>> -> memref<1x16x1024xf32, #tpu.memory_space<vmem>>
          %get3A_2036 = tpu.memref_squeeze %get3A_2035 : memref<1x16x1024xf32, #tpu.memory_space<vmem>> -> memref<16x1024xf32, #tpu.memory_space<vmem>>
          %get3A_2037 = arith.index_cast %add3A_396 : i32 to index
          %get3A_2038 = arith.constant 1008 : index
          %get3A_2039 = tpu.vector_load %get3A_2036[%get3A_2037, %get3A_2038] {strides = array<i32>} : memref<16x1024xf32, #tpu.memory_space<vmem>>, vector<1x16xf32>,
          %get3A_2040 = vector.shape_cast %get3A_2039 : vector<1x16xf32> to vector<16xf32>
          %get3A_2041 = arith.constant 0 : i32
          %get3A_2042 = arith.constant 0 : i32
          %get3A_2043 = tpu.memref_slice %run_scoped3A_8[%rem3A_268, %get3A_2041, %get3A_2042] : memref<2x16x1024xf32, #tpu.memory_space<vmem>> -> memref<1x16x1024xf32, #tpu.memory_space<vmem>>
          %get3A_2044 = tpu.memref_squeeze %get3A_2043 : memref<1x16x1024xf32, #tpu.memory_space<vmem>> -> memref<16x1024xf32, #tpu.memory_space<vmem>>
          %get3A_2045 = arith.index_cast %add3A_396 : i32 to index
          %get3A_2046 = arith.constant 1008 : index
          %get3A_2047 = tpu.vector_load %get3A_2044[%get3A_2045, %get3A_2046] {strides = array<i32>} : memref<16x1024xf32, #tpu.memory_space<vmem>>, vector<1x16xf32>,
          %get3A_2048 = vector.shape_cast %get3A_2047 : vector<1x16xf32> to vector<16xf32>
          %add3A_2049 = arith.addf %get3A_2040, %get3A_2048 : vector<16xf32>
          %swap3A_2050 = arith.constant 0 : i32
          %swap3A_2051 = arith.constant 0 : i32
          %swap3A_2052 = tpu.memref_slice %run_scoped3A_10[%rem3A_270, %swap3A_2050, %swap3A_2051] : memref<2x16x1024xf32, #tpu.memory_space<vmem>> -> memref<1x16x1024xf32, #tpu.memory_space<vmem>>
          %swap3A_2053 = tpu.memref_squeeze %swap3A_2052 : memref<1x16x1024xf32, #tpu.memory_space<vmem>> -> memref<16x1024xf32, #tpu.memory_space<vmem>>
          %swap3A_2054 = arith.index_cast %add3A_396 : i32 to index
          %swap3A_2055 = arith.constant 1008 : index
          %swap3A_2056 = tpu.vector_load %swap3A_2053[%swap3A_2054, %swap3A_2055] {strides = array<i32>} : memref<16x1024xf32, #tpu.memory_space<vmem>>, vector<1x16xf32>,
          %swap3A_2057 = vector.shape_cast %swap3A_2056 : vector<1x16xf32> to vector<16xf32>
          %swap3A_2058 = vector.shape_cast %add3A_2049 : vector<16xf32> to vector<1x16xf32>
          tpu.vector_store %swap3A_2053[%swap3A_2054, %swap3A_2055], %swap3A_2058 {strides = array<i32>} : memref<16x1024xf32, #tpu.memory_space<vmem>>, vector<1x16xf32>,
        }
        %scan3A_275 = arith.constant 16 : i32
        "tpu.trace_stop"() : () -> ()
        %ne3A_276 = arith.cmpi ne, %add3A_163, %add3A_181 : i32
        %or3A_277 = arith.constant false
        %or3A_278 = arith.ori %or3A_277, %ne3A_276 : i1
        %or3A_279 = arith.constant false
        %or3A_280 = arith.ori %or3A_278, %or3A_279 : i1
        %or3A_281 = arith.ori %or3A_280, %eq3A_162 : i1
        %convert_element_type3A_282 = arith.extui %or3A_281 : i1 to i32
        %cond3A_283 = arith.constant 0 : i32
        %cond3A_284 = arith.cmpi ne, %convert_element_type3A_282, %cond3A_283 : i32
        scf.if %cond3A_284 {
        } else {
        }
        %and3A_285 = arith.constant false
        %and3A_286 = arith.andi %or3A_281, %and3A_285 : i1
        %rem3A_287 = arith.constant 512 : i32
        %rem3A_288 = arith.remsi %add3A_163, %rem3A_287 : i32
        %rem3A_289 = arith.constant 512 : i32
        %rem3A_290 = arith.remsi %add3A_181, %rem3A_289 : i32
        %ne3A_291 = arith.cmpi ne, %rem3A_288, %rem3A_290 : i32
        %or3A_292 = arith.constant false
        %or3A_293 = arith.ori %or3A_292, %ne3A_291 : i1
        %or3A_294 = arith.constant false
        %or3A_295 = arith.ori %or3A_293, %or3A_294 : i1
        %or3A_296 = arith.ori %or3A_295, %eq3A_162 : i1
        %convert_element_type3A_297 = arith.extui %or3A_296 : i1 to i32
        %cond3A_298 = arith.constant 0 : i32
        %cond3A_299 = arith.cmpi ne, %convert_element_type3A_297, %cond3A_298 : i32
        scf.if %cond3A_299 {
        } else {
        }
        %and3A_300 = arith.constant false
        %and3A_301 = arith.andi %or3A_296, %and3A_300 : i1
        %ne3A_302 = arith.cmpi ne, %add3A_163, %add3A_181 : i32
        %or3A_303 = arith.constant false
        %or3A_304 = arith.ori %or3A_303, %ne3A_302 : i1
        %or3A_305 = arith.constant false
        %or3A_306 = arith.ori %or3A_304, %or3A_305 : i1
        %or3A_307 = arith.ori %or3A_306, %eq3A_162 : i1
        %convert_element_type3A_308 = arith.extui %or3A_307 : i1 to i32
        %cond3A_309 = arith.constant 0 : i32
        %cond3A_310 = arith.cmpi ne, %convert_element_type3A_308, %cond3A_309 : i32
        scf.if %cond3A_310 {
          "tpu.trace_start"() <{level = 10 : i32, message = "ep_copy_out"}> : () -> ()
          %rem3A_392 = arith.constant 2 : i32
          %rem3A_393 = arith.remui %scan3A_156, %rem3A_392 : i32
          %mul3A_394 = arith.constant 16 : i32
          %mul3A_395 = arith.muli %mul3A_394, %add3A_163 : i32
          %dma_start3A_396 = arith.constant 0 : i32
          %dma_start3A_397 = arith.constant 0 : i32
          %dma_start3A_398 = tpu.memref_slice %run_scoped3A_10[%rem3A_393, %dma_start3A_396, %dma_start3A_397] : memref<2x16x1024xf32, #tpu.memory_space<vmem>> -> memref<1x16x1024xf32, #tpu.memory_space<vmem>>
          %dma_start3A_399 = tpu.memref_squeeze %dma_start3A_398 : memref<1x16x1024xf32, #tpu.memory_space<vmem>> -> memref<16x1024xf32, #tpu.memory_space<vmem>>
          %dma_start3A_400 = arith.constant 0 : i32
          %dma_start3A_401 = tpu.memref_slice %arg4[%mul3A_395, %dma_start3A_400] : memref<32768x1024xf32, #tpu.memory_space<hbm>> -> memref<16x1024xf32, #tpu.memory_space<hbm>>
          %dma_start3A_402 = tpu.memref_slice %run_scoped3A_11[%rem3A_393] : memref<2x!tpu.dma_semaphore, #tpu.memory_space<semaphore_mem>> -> memref<1x!tpu.dma_semaphore, #tpu.memory_space<semaphore_mem>>
          %dma_start3A_403 = tpu.memref_squeeze %dma_start3A_402 : memref<1x!tpu.dma_semaphore, #tpu.memory_space<semaphore_mem>> -> memref<!tpu.dma_semaphore, #tpu.memory_space<semaphore_mem>>
          %dma_start3A_404 = arith.constant 0 : i32
          %dma_start3A_405 = tpu.memref_slice %arg4[%mul3A_395, %dma_start3A_404] : memref<32768x1024xf32, #tpu.memory_space<hbm>> -> memref<16x1024xf32, #tpu.memory_space<hbm>>
          %dma_start3A_406 = arith.constant 0 : i32
          %dma_start3A_407 = arith.constant 0 : i32
          %dma_start3A_408 = tpu.memref_slice %run_scoped3A_10[%rem3A_393, %dma_start3A_406, %dma_start3A_407] : memref<2x16x1024xf32, #tpu.memory_space<vmem>> -> memref<1x16x1024xf32, #tpu.memory_space<vmem>>
          %dma_start3A_409 = tpu.memref_squeeze %dma_start3A_408 : memref<1x16x1024xf32, #tpu.memory_space<vmem>> -> memref<16x1024xf32, #tpu.memory_space<vmem>>
          tpu.enqueue_dma source(%dma_start3A_409 : memref<16x1024xf32, #tpu.memory_space<vmem>>) target(%dma_start3A_405 : memref<16x1024xf32, #tpu.memory_space<hbm>>) target_semaphore(%dma_start3A_403 : memref<!tpu.dma_semaphore, #tpu.memory_space<semaphore_mem>>)
          "tpu.trace_stop"() : () -> ()
        } else {
        }
        %and3A_311 = arith.constant true
        %and3A_312 = arith.andi %or3A_307, %and3A_311 : i1
        %add3A_313 = arith.constant 1 : i32
        %add3A_314 = arith.addi %scan3A_156, %add3A_313 : i32
        %select_n3A_315 = arith.select %and3A_312, %add3A_314, %scan3A_156 : i32
        %ne3A_316 = arith.cmpi ne, %add3A_163, %add3A_172 : i32
        %or3A_317 = arith.constant false
        %or3A_318 = arith.ori %or3A_317, %ne3A_316 : i1
        %or3A_319 = arith.constant false
        %or3A_320 = arith.ori %or3A_318, %or3A_319 : i1
        %not3A_321 = arith.constant true
        %not3A_322 = arith.xori %eq3A_160, %not3A_321 : i1
        %and3A_323 = arith.andi %or3A_320, %not3A_322 : i1
        %convert_element_type3A_324 = arith.extui %and3A_323 : i1 to i32
        %cond3A_325 = arith.constant 0 : i32
        %cond3A_326 = arith.cmpi ne, %convert_element_type3A_324, %cond3A_325 : i32
        scf.if %cond3A_326 {
        } else {
        }
        %and3A_327 = arith.constant false
        %and3A_328 = arith.andi %and3A_323, %and3A_327 : i1
        %rem3A_329 = arith.constant 512 : i32
        %rem3A_330 = arith.remsi %add3A_163, %rem3A_329 : i32
        %rem3A_331 = arith.constant 512 : i32
        %rem3A_332 = arith.remsi %add3A_172, %rem3A_331 : i32
        %ne3A_333 = arith.cmpi ne, %rem3A_330, %rem3A_332 : i32
        %or3A_334 = arith.constant false
        %or3A_335 = arith.ori %or3A_334, %ne3A_333 : i1
        %or3A_336 = arith.constant false
        %or3A_337 = arith.ori %or3A_335, %or3A_336 : i1
        %not3A_338 = arith.constant true
        %not3A_339 = arith.xori %eq3A_160, %not3A_338 : i1
        %and3A_340 = arith.andi %or3A_337, %not3A_339 : i1
        %convert_element_type3A_341 = arith.extui %and3A_340 : i1 to i32
        %cond3A_342 = arith.constant 0 : i32
        %cond3A_343 = arith.cmpi ne, %convert_element_type3A_341, %cond3A_342 : i32
        scf.if %cond3A_343 {
        } else {
        }
        %and3A_344 = arith.constant false
        %and3A_345 = arith.andi %and3A_340, %and3A_344 : i1
        %ne3A_346 = arith.cmpi ne, %add3A_163, %add3A_172 : i32
        %or3A_347 = arith.constant false
        %or3A_348 = arith.ori %or3A_347, %ne3A_346 : i1
        %or3A_349 = arith.constant false
        %or3A_350 = arith.ori %or3A_348, %or3A_349 : i1
        %not3A_351 = arith.constant true
        %not3A_352 = arith.xori %eq3A_160, %not3A_351 : i1
        %and3A_353 = arith.andi %or3A_350, %not3A_352 : i1
        %convert_element_type3A_354 = arith.extui %and3A_353 : i1 to i32
        %cond3A_355 = arith.constant 0 : i32
        %cond3A_356 = arith.cmpi ne, %convert_element_type3A_354, %cond3A_355 : i32
        scf.if %cond3A_356 {
          "tpu.trace_start"() <{level = 10 : i32, message = "ep_wait_out"}> : () -> ()
          %rem3A_392 = arith.constant 2 : i32
          %rem3A_393 = arith.remui %scan3A_157, %rem3A_392 : i32
          %mul3A_394 = arith.constant 16 : i32
          %mul3A_395 = arith.muli %mul3A_394, %add3A_172 : i32
          %dma_wait3A_396 = arith.constant 0 : i32
          %dma_wait3A_397 = arith.constant 0 : i32
          %dma_wait3A_398 = tpu.memref_slice %run_scoped3A_10[%rem3A_393, %dma_wait3A_396, %dma_wait3A_397] : memref<2x16x1024xf32, #tpu.memory_space<vmem>> -> memref<1x16x1024xf32, #tpu.memory_space<vmem>>
          %dma_wait3A_399 = tpu.memref_squeeze %dma_wait3A_398 : memref<1x16x1024xf32, #tpu.memory_space<vmem>> -> memref<16x1024xf32, #tpu.memory_space<vmem>>
          %dma_wait3A_400 = arith.constant 0 : i32
          %dma_wait3A_401 = tpu.memref_slice %arg4[%mul3A_395, %dma_wait3A_400] : memref<32768x1024xf32, #tpu.memory_space<hbm>> -> memref<16x1024xf32, #tpu.memory_space<hbm>>
          %dma_wait3A_402 = tpu.memref_slice %run_scoped3A_11[%rem3A_393] : memref<2x!tpu.dma_semaphore, #tpu.memory_space<semaphore_mem>> -> memref<1x!tpu.dma_semaphore, #tpu.memory_space<semaphore_mem>>
          %dma_wait3A_403 = tpu.memref_squeeze %dma_wait3A_402 : memref<1x!tpu.dma_semaphore, #tpu.memory_space<semaphore_mem>> -> memref<!tpu.dma_semaphore, #tpu.memory_space<semaphore_mem>>
          %dma_wait3A_404 = arith.constant 0 : i32
          %dma_wait3A_405 = tpu.memref_slice %arg4[%mul3A_395, %dma_wait3A_404] : memref<32768x1024xf32, #tpu.memory_space<hbm>> -> memref<16x1024xf32, #tpu.memory_space<hbm>>
          %dma_wait3A_406 = arith.constant 0 : i32
          %dma_wait3A_407 = arith.constant 0 : i32
          %dma_wait3A_408 = tpu.memref_slice %run_scoped3A_10[%rem3A_393, %dma_wait3A_406, %dma_wait3A_407] : memref<2x16x1024xf32, #tpu.memory_space<vmem>> -> memref<1x16x1024xf32, #tpu.memory_space<vmem>>
          %dma_wait3A_409 = tpu.memref_squeeze %dma_wait3A_408 : memref<1x16x1024xf32, #tpu.memory_space<vmem>> -> memref<16x1024xf32, #tpu.memory_space<vmem>>
          tpu.wait_dma2 semaphore(%dma_wait3A_403 : memref<!tpu.dma_semaphore, #tpu.memory_space<semaphore_mem>>) src(%dma_wait3A_409 : memref<16x1024xf32, #tpu.memory_space<vmem>>) dst(%dma_wait3A_405 : memref<16x1024xf32, #tpu.memory_space<hbm>>)
          "tpu.trace_stop"() : () -> ()
        } else {
        }
        %and3A_357 = arith.constant true
        %and3A_358 = arith.andi %and3A_353, %and3A_357 : i1
        %add3A_359 = arith.constant 1 : i32
        %add3A_360 = arith.addi %scan3A_157, %add3A_359 : i32
        %select_n3A_361 = arith.select %and3A_358, %add3A_360, %scan3A_157 : i32
        %ne3A_362 = arith.cmpi ne, %add3A_163, %add3A_181 : i32
        %or3A_363 = arith.constant false
        %or3A_364 = arith.ori %or3A_363, %ne3A_362 : i1
        %or3A_365 = arith.constant false
        %or3A_366 = arith.ori %or3A_364, %or3A_365 : i1
        %or3A_367 = arith.ori %or3A_366, %eq3A_162 : i1
        %add3A_368 = arith.constant 1 : i32
        %add3A_369 = arith.addi %scan3A_153, %add3A_368 : i32
        %select_n3A_370 = arith.select %or3A_367, %add3A_369, %scan3A_153 : i32
        %rem3A_371 = arith.constant 512 : i32
        %rem3A_372 = arith.remsi %add3A_163, %rem3A_371 : i32
        %rem3A_373 = arith.constant 512 : i32
        %rem3A_374 = arith.remsi %add3A_181, %rem3A_373 : i32
        %ne3A_375 = arith.cmpi ne, %rem3A_372, %rem3A_374 : i32
        %or3A_376 = arith.constant false
        %or3A_377 = arith.ori %or3A_376, %ne3A_375 : i1
        %or3A_378 = arith.constant false
        %or3A_379 = arith.ori %or3A_377, %or3A_378 : i1
        %or3A_380 = arith.ori %or3A_379, %eq3A_162 : i1
        %add3A_381 = arith.constant 1 : i32
        %add3A_382 = arith.addi %scan3A_155, %add3A_381 : i32
        %select_n3A_383 = arith.select %or3A_380, %add3A_382, %scan3A_155 : i32
        %add3A_384 = arith.constant 1 : i32
        %add3A_385 = arith.addi %scan3A_158, %add3A_384 : i32
        %select_n3A_386 = arith.constant true
        %select_n3A_387 = arith.select %select_n3A_386, %add3A_385, %scan3A_158 : i32
        %eq3A_388 = arith.constant 64 : i32
        %eq3A_389 = arith.cmpi eq, %select_n3A_387, %eq3A_388 : i32
        %select_n3A_390 = arith.constant 0 : i32
        %select_n3A_391 = arith.select %eq3A_389, %select_n3A_390, %select_n3A_387 : i32
        scf.yield %select_n3A_201, %select_n3A_370, %select_n3A_223, %select_n3A_383, %select_n3A_315, %select_n3A_361, %select_n3A_391 : i32, i32, i32, i32, i32, i32, i32
      }
      %scan3A_98 = arith.constant 64 : i32
      %sub3A = arith.constant 1 : i32
      %sub3A_99 = arith.subi %scan3A_97#6, %sub3A : i32
      %select_n3A_100 = arith.constant true
      %select_n3A_101 = arith.select %select_n3A_100, %sub3A_99, %scan3A_97#6 : i32
      %eq3A_102 = arith.constant -1 : i32
      %eq3A_103 = arith.cmpi eq, %select_n3A_101, %eq3A_102 : i32
      %select_n3A_104 = arith.constant 63 : i32
      %select_n3A_105 = arith.select %eq3A_103, %select_n3A_104, %select_n3A_101 : i32
      %add3A_106 = arith.addi %select_n3A_105, %mul3A_6 : i32
      %sub3A_107 = arith.constant 1 : i32
      %sub3A_108 = arith.subi %select_n3A_105, %sub3A_107 : i32
      %select_n3A_109 = arith.constant true
      %select_n3A_110 = arith.select %select_n3A_109, %sub3A_108, %select_n3A_105 : i32
      %eq3A_111 = arith.constant -1 : i32
      %eq3A_112 = arith.cmpi eq, %select_n3A_110, %eq3A_111 : i32
      %select_n3A_113 = arith.constant 63 : i32
      %select_n3A_114 = arith.select %eq3A_112, %select_n3A_113, %select_n3A_110 : i32
      %add3A_115 = arith.addi %select_n3A_114, %mul3A_6 : i32
      %add3A_116 = arith.constant 1 : i32
      %add3A_117 = arith.addi %select_n3A_105, %add3A_116 : i32
      %select_n3A_118 = arith.constant true
      %select_n3A_119 = arith.select %select_n3A_118, %add3A_117, %select_n3A_105 : i32
      %eq3A_120 = arith.constant 64 : i32
      %eq3A_121 = arith.cmpi eq, %select_n3A_119, %eq3A_120 : i32
      %select_n3A_122 = arith.constant 0 : i32
      %select_n3A_123 = arith.select %eq3A_121, %select_n3A_122, %select_n3A_119 : i32
      %add3A_124 = arith.addi %select_n3A_123, %mul3A_6 : i32
      %add3A_125 = arith.constant 1 : i32
      %add3A_126 = arith.addi %select_n3A_123, %add3A_125 : i32
      %select_n3A_127 = arith.constant true
      %select_n3A_128 = arith.select %select_n3A_127, %add3A_126, %select_n3A_123 : i32
      %eq3A_129 = arith.constant 64 : i32
      %eq3A_130 = arith.cmpi eq, %select_n3A_128, %eq3A_129 : i32
      %select_n3A_131 = arith.constant 0 : i32
      %select_n3A_132 = arith.select %eq3A_130, %select_n3A_131, %select_n3A_128 : i32
      %add3A_133 = arith.addi %select_n3A_132, %mul3A_6 : i32
      "tpu.trace_start"() <{level = 10 : i32, message = "ep_finalize"}> : () -> ()
      %rem3A_134 = arith.constant 2 : i32
      %rem3A_135 = arith.remui %scan3A_97#5, %rem3A_134 : i32
      %mul3A_136 = arith.constant 16 : i32
      %mul3A_137 = arith.muli %mul3A_136, %add3A_106 : i32
      %dma_wait3A = arith.constant 0 : i32
      %dma_wait3A_138 = arith.constant 0 : i32
      %dma_wait3A_139 = tpu.memref_slice %run_scoped3A_10[%rem3A_135, %dma_wait3A, %dma_wait3A_138] : memref<2x16x1024xf32, #tpu.memory_space<vmem>> -> memref<1x16x1024xf32, #tpu.memory_space<vmem>>
      %dma_wait3A_140 = tpu.memref_squeeze %dma_wait3A_139 : memref<1x16x1024xf32, #tpu.memory_space<vmem>> -> memref<16x1024xf32, #tpu.memory_space<vmem>>
      %dma_wait3A_141 = arith.constant 0 : i32
      %dma_wait3A_142 = tpu.memref_slice %arg4[%mul3A_137, %dma_wait3A_141] : memref<32768x1024xf32, #tpu.memory_space<hbm>> -> memref<16x1024xf32, #tpu.memory_space<hbm>>
      %dma_wait3A_143 = tpu.memref_slice %run_scoped3A_11[%rem3A_135] : memref<2x!tpu.dma_semaphore, #tpu.memory_space<semaphore_mem>> -> memref<1x!tpu.dma_semaphore, #tpu.memory_space<semaphore_mem>>
      %dma_wait3A_144 = tpu.memref_squeeze %dma_wait3A_143 : memref<1x!tpu.dma_semaphore, #tpu.memory_space<semaphore_mem>> -> memref<!tpu.dma_semaphore, #tpu.memory_space<semaphore_mem>>
      %dma_wait3A_145 = arith.constant 0 : i32
      %dma_wait3A_146 = tpu.memref_slice %arg4[%mul3A_137, %dma_wait3A_145] : memref<32768x1024xf32, #tpu.memory_space<hbm>> -> memref<16x1024xf32, #tpu.memory_space<hbm>>
      %dma_wait3A_147 = arith.constant 0 : i32
      %dma_wait3A_148 = arith.constant 0 : i32
      %dma_wait3A_149 = tpu.memref_slice %run_scoped3A_10[%rem3A_135, %dma_wait3A_147, %dma_wait3A_148] : memref<2x16x1024xf32, #tpu.memory_space<vmem>> -> memref<1x16x1024xf32, #tpu.memory_space<vmem>>
      %dma_wait3A_150 = tpu.memref_squeeze %dma_wait3A_149 : memref<1x16x1024xf32, #tpu.memory_space<vmem>> -> memref<16x1024xf32, #tpu.memory_space<vmem>>
      tpu.wait_dma2 semaphore(%dma_wait3A_144 : memref<!tpu.dma_semaphore, #tpu.memory_space<semaphore_mem>>) src(%dma_wait3A_150 : memref<16x1024xf32, #tpu.memory_space<vmem>>) dst(%dma_wait3A_146 : memref<16x1024xf32, #tpu.memory_space<hbm>>)
      "tpu.trace_stop"() : () -> ()
      tpu.yield
    }) : () -> ()
    return
  }
}

</mosaic_0001>

<sc_bundles>
// kernel: kernel.3.cloned.1.call-start
scs
__scs_entry_jumppad:
0x0: {  	(pc) =	sbr.rel $0x88, $3  }
0x1: {  	(tag) =	ssettag $0x0;
	lr =	simm.s32 $0x1  }
0x2: {  	[smem:$0x3F9F] =	sst lr;
	_ =	strace $0xD0000000  }
0x3: {  	_ = 	snop  }
0x4: {  	_ = 	snop  }
0x5: {  	_ = 	snop  }
0x6: {  	_ = 	snop  }
0x7: {  	_ = 	snop  }
__scs_overlays_trampoline_lowered:
0x8: {  	[smem:$0x3FAE] =	sst s0  }
0x9: {  	[smem:$0x3FAF] =	sst s1  }
0xa: {  	[smem:$0x3FB0] =	sst s2  }
0xb: {  	[smem:$0x3FB1] =	sst s3  }
0xc: {  	[smem:$0x3FB2] =	sst s4  }
0xd: {  	[smem:$0x3FB3] =	sst s5  }
0xe: {  	[smem:$0x3FB4] =	sst s6  }
0xf: {  	[smem:$0x3FB5] =	sst s7  }
0x10: {  	[smem:$0x3FB6] =	sst s8  }
0x11: {  	[smem:$0x3FB7] =	sst s9;
	s0 =	simm.s32 @!p0 $0x0  }
0x12: {  	s1 =	sld [smem:$0x3F9D];
	s0 =	simm.s32 @p0 $0x1  }
0x13: {  	[smem:$0x3FB8] =	sst s0;
	s0 =	simm.s32 @!p1 $0x0  }
0x14: {  	s2 =	sld [smem:$0x3F9C];
	s0 =	simm.s32 @p1 $0x1  }
0x15: {  	[smem:$0x3FB9] =	sst s0;
	s0 =	simm.s32 @!p2 $0x0  }
0x16: {  	s3 =	sld [smem:$0x3FDB];
	s0 =	simm.s32 @p2 $0x1  }
0x17: {  	s4 =	simm.s32 $0x1BF5;
	[smem:$0x3FBB] =	sst s0  }
0x18: {  	s0 =	sld [smem:$0x3F9E];
	_ =	swait.ge [sflag:s4], $0x0  }
0x19: {  	s7 =	sld [smem:$0x3F9F]  }
0x1a: {  	s8 =	sadd.s32 $0xFFFFE003, lr  }
0x1b: {  	s9 =	sadd.s32 $0xFFFFFEF7, lr;
	s5 =	simm.s32 $0xFFFFFFFF;
	p2 =	slt.u32 s8, $0xFFFFF086  }
0x1c: {  	p1 =	slt.u32 s9, $0xF7A;
	s5 =	simm.s32 @!p2 $0x0  }
0x1d: {  	s5 =	simm.s32 @p1 $0x1;
	p0 =	seq.s32 s7, s2  }
0x1e: {  	s7 =	smul.u32 @!p0 $0xF7A, s2;
	p2 =	seq.s32 @!p0 s5, $0x0  }
0x1f: {  	s9 =	smul.u32 $0xF7A, s1;
	s8 =	simm.s32 @!p0 $0x1BF5;
	p2 =	por !p2, p0  }
0x20: {  	[sflag:s8] =	ssyncset.s32 @!p0 $0xFFFFF086;
	s6 =	sadd.s32 @!p0 s3, s7;
	s7 =	simm.s32 @!p0 $0x108  }
0x21: {  	s3 =	sadd.s32 s3, s9;
	s6 =	sadd.s32 @!p0 $0x88, s6;
	s7 =	simm.s32 @p2 $0x1082  }
0x22: {  	[simem:s7], [sflag:s8] =	dma.local @!p0 [hbm:s6], $0xF7A  }
0x23: {  	s9 =	sor.u32 $0xD0000000, s2;
	s6 =	simm.s32 $0x108;
	_ =	swait.ge @!p0 [sflag:s8], $0x0  }
0x24: {  	s3 =	sadd.s32 $0x88, s3;
	s6 =	simm.s32 @!p1 $0x1082;
	[sflag:s4] =	ssyncset.s32 $0xFFFFF086  }
0x25: {  	[simem:s6], [sflag:s4] =	dma.local [hbm:s3], $0xF7A  }
0x26: {  	[smem:$0x3F9F] =	sst s1;
	(tag) =	ssettag s2;
	_ =	strace s9  }
0x27: {  	s1 =	sld [smem:$0x3FAF]  }
0x28: {  	s2 =	sld [smem:$0x3FB0]  }
0x29: {  	s4 =	sld [smem:$0x3FB2]  }
0x2a: {  	p0 =	seq.s32 s5, $0x0;
	s5 =	sld [smem:$0x3FB3]  }
0x2b: {  	s6 =	sld [smem:$0x3FB4]  }
0x2c: {  	s7 =	sld [smem:$0x3FB5]  }
0x2d: {  	s3 =	simm.s32 $0x108;
	s8 =	sld [smem:$0x3FB6]  }
0x2e: {  	s3 =	simm.s32 @!p0 $0x1082;
	s9 =	sld [smem:$0x3FB7]  }
0x2f: {  	lr =	sadd.s32 s0, s3;
	s0 =	sld [smem:$0x3FAE]  }
0x30: {  	s3 =	sld [smem:$0x3FB1]  }
0x31: {  	[smem:$0x3FBA] =	sst s10  }
0x32: {  	s10 =	sld [smem:$0x3FB8];
	_ =	sdelay $0x3  }
0x33: {  	p0 =	seq.s32 s10, $0x1;
	s10 =	sld [smem:$0x3FBA];
	_ =	sdelay $0x3  }
0x34: {  	[smem:$0x3FBA] =	sst s10  }
0x35: {  	s10 =	sld [smem:$0x3FB9];
	_ =	sdelay $0x3  }
0x36: {  	p1 =	seq.s32 s10, $0x1;
	s10 =	sld [smem:$0x3FBA];
	_ =	sdelay $0x3  }
0x37: {  	[smem:$0x3FBA] =	sst s10  }
0x38: {  	s10 =	sld [smem:$0x3FBB]  }
0x39: {  	_ = 	snop;
	(pc) =	sbr.ind lr, $3  }
0x3a: {  	_ = 	snop  }
0x3b: {  	_ = 	snop  }
0x3c: {  	p2 =	seq.s32 s10, $0x1;
	s10 =	sld [smem:$0x3FBA]  }
0x3d: {  	_ =	shalt  }
0x3e: {  	_ =	shalt  }
0x3f: {  	_ =	shalt  }
0x40: {  	_ =	shalt  }
0x41: {  	_ =	shalt  }
0x42: {  	_ =	shalt  }
0x43: {  	_ =	shalt  }
0x44: {  	_ =	shalt  }
0x45: {  	_ =	shalt  }
0x46: {  	_ =	shalt  }
0x47: {  	_ =	shalt  }
0x48: {  	_ =	shalt  }
0x49: {  	_ =	shalt  }
0x4a: {  	_ =	shalt  }
0x4b: {  	_ =	shalt  }
0x4c: {  	_ =	shalt  }
0x4d: {  	_ =	shalt  }
0x4e: {  	_ =	shalt  }
0x4f: {  	_ =	shalt  }
0x50: {  	_ =	shalt  }
0x51: {  	_ =	shalt  }
0x52: {  	_ =	shalt  }
0x53: {  	_ =	shalt  }
0x54: {  	_ =	shalt  }
0x55: {  	_ =	shalt  }
0x56: {  	_ =	shalt  }
0x57: {  	_ =	shalt  }
0x58: {  	_ =	shalt  }
0x59: {  	_ =	shalt  }
0x5a: {  	_ =	shalt  }
0x5b: {  	_ =	shalt  }
0x5c: {  	_ =	shalt  }
0x5d: {  	_ =	shalt  }
0x5e: {  	_ =	shalt  }
0x5f: {  	_ =	shalt  }
0x60: {  	_ =	shalt  }
0x61: {  	_ =	shalt  }
0x62: {  	_ =	shalt  }
0x63: {  	_ =	shalt  }
0x64: {  	_ =	shalt  }
0x65: {  	_ =	shalt  }
0x66: {  	_ =	shalt  }
0x67: {  	_ =	shalt  }
0x68: {  	_ =	shalt  }
0x69: {  	_ =	shalt  }
0x6a: {  	_ =	shalt  }
0x6b: {  	_ =	shalt  }
0x6c: {  	_ =	shalt  }
0x6d: {  	_ =	shalt  }
0x6e: {  	_ =	shalt  }
0x6f: {  	_ =	shalt  }
0x70: {  	_ =	shalt  }
0x71: {  	_ =	shalt  }
0x72: {  	_ =	shalt  }
0x73: {  	_ =	shalt  }
0x74: {  	_ =	shalt  }
0x75: {  	_ =	shalt  }
0x76: {  	_ =	shalt  }
0x77: {  	_ =	shalt  }
0x78: {  	_ =	shalt  }
0x79: {  	_ =	shalt  }
0x7a: {  	_ =	shalt  }
0x7b: {  	_ =	shalt  }
0x7c: {  	_ =	shalt  }
0x7d: {  	_ =	shalt  }
0x7e: {  	_ =	shalt  }
0x7f: {  	_ =	shalt  }
0x80: {  	_ =	shalt  }
0x81: {  	_ =	shalt  }
0x82: {  	_ =	shalt  }
0x83: {  	_ =	shalt  }
0x84: {  	_ =	shalt  }
0x85: {  	_ =	shalt  }
0x86: {  	_ =	shalt  }
0x87: {  	_ =	shalt  }
.Lfunc_end0:
.L_simem_size_0:
called_computation_lowered:
.L_overlay_start_0:
0x88: {  	s2 =	sld [smem:$0x3FD9]  }
0x89: {  	s3 =	sld [smem:$0x3FFE];
	_ =	sdelay $0x1  }
0x8a: {  	s1 =	srdreg.scid  }
0x8b: {  	s0 =	sand.u32 $0x1, s1  }
0x8c: {  	s18 =	sshll.u32 s0, $0xA;
	s2 =	sadd.s32 s3, s2  }
0x8d: {  	s2 =	sadd.s32 s2, s18  }
0x8e: {  	[smem:$0x3FC6] =	sst s2  }
0x8f: {  	_ = 	snop  }
0x90: {  	s2 =	sld [smem:$0x3FC9]  }
0x91: {  	s19 =	sld [smem:$0x3FC8]  }
0x92: {  	s4 =	sld [smem:$0x3FD0];
	(tm) =	ssettm $0x1  }
0x93: {  	s5 =	sld [smem:$0x3FFB];
	_ =	sdelay $0x3  }
0x94: {  	_ =	strace s5  }
0x95: {  	s5 =	sld [smem:$0x3FFC];
	_ =	sdelay $0x3  }
0x96: {  	_ =	strace s5  }
0x97: {  	s5 =	sld [smem:$0x3FFD];
	_ =	sdelay $0x3  }
0x98: {  	_ =	strace s5  }
0x99: {  	_ =	strace $0x8FFFFFFF  }
0x9a: {  	s20 =	sld [smem:$0x3FDB];
	_ =	sdelay $0x1  }
0x9b: {  	s6 =	simm.s32 $_scs_section_size  }
0x9c: {  	s7 =	simm.s32 $_size__tile_overlayer_lowered;
	s8 =	simm.s32 $_tile_overlayer_lowered  }
0x9d: {  	s23 =	simm.s32 $0x1BFF;
	s22 =	sshll.u32 s8, $0x1;
	s5 =	sadd.s32 s6, s20  }
0x9e: {  	s9 =	simm.s32 $0x0;
	s21 =	sshll.u32 s7, $0x1;
	s7 =	sadd.s32 s22, s5  }
0x9f: {  	[timem:s9], [sflag:s23] =	dma.local [hbm:s7], s21  }
0xa0: {  	_ =	swait.ge [sflag:s23], s21  }
0xa1: {  	s6 =	ssub.s32 $0x0, s21;
	[sflag:s23] =	ssyncset.done $0x0  }
0xa2: {  	[sflag:s23] =	ssyncadd.s32 s6;
	_ =	sdelay $0x1  }
0xa3: {  	s24 =	simm.s32 $0x1B8B  }
0xa4: {  	_ =	swait.ge [sflag:s24], $0x1  }
0xa5: {  	[sflag:s24] =	ssyncset.done $0x0  }
0xa6: {  	s25 =	simm.s32 $0x1B8E;
	[sflag:s24] =	ssyncadd.s32 $0xFFFFFFFF  }
0xa7: {  	s26 =	simm.s32 $execute0_lowered;
	[smem:$0x3FD2] =	sst s25  }
0xa8: {  	s6 =	sshll.u32 s26, $0x1;
	_ =	strace $0x80000046;
	[dreg:$0x1] =	wrdreg $0xFFFFFFFF  }
0xa9: {  	s28 =	simm.s32 $_size_execute0_lowered;
	s5 =	sadd.s32 s5, s6;
	[dreg:$0x0] =	wrdreg $0x0  }
0xaa: {  	s6 =	sshll.u32 s28, $0x1;
	[dreg:$0x2] =	wrdreg s5  }
0xab: {  	[dreg:$0x3] =	wrdreg s6  }
0xac: {  	[dreg:$0x4] =	wrdreg $0xC0  }
0xad: {  	_ =	task [dreg:s9], $0x5FFFF  }
0xae: {  	[dreg:$0x1] =	wrdreg $0xFFFFFFFF  }
0xaf: {  	[dreg:$0x0] =	wrdreg $0x60  }
0xb0: {  	[dreg:$0x2] =	wrdreg s2  }
0xb1: {  	[dreg:$0x3] =	wrdreg s19  }
0xb2: {  	[dreg:$0x4] =	wrdreg s4  }
0xb3: {  	[dreg:$0x5] =	wrdreg $0x9  }
0xb4: {  	_ =	task.clear_ibuf [dreg:s9], $0x6FFFF;
	_ =	strace $0x90000046  }
0xb5: {  	s29 =	simm.s32 $0x9;
	_ =	strace $0x80000051  }
0xb6: {  	_ =	swait.ge [sflag:s29], $0x1  }
0xb7: {  	[sflag:s29] =	ssyncadd.s32 $0xFFFFFFFF  }
0xb8: {  	_ =	strace $0x90000051  }
0xb9: {  	_ =	sfence  }
0xba: {  	s30 =	sld [smem:$0x0];
	_ =	sdelay $0x2  }
0xbb: {  	s31 =	sshll.u32 s1, $0xD;
	s1 =	sshrl.u32 s1, $0x2  }
0xbc: {  	s3 =	sand.u32 $0x4000, s31;
	s1 =	sadd.s32 s1, s30  }
0xbd: {  	s0 =	sor.u32 s3, s0;
	s1 =	sshll.u32 s1, $0x11  }
0xbe: {  	s0 =	sor.u32 s1, s0  }
0xbf: {  	s0 =	sadd.s32 $0x8F2B, s0  }
0xc0: {  	[sflag:s0] =	ssyncadd.remote.s32 $0x1  }
0xc1: {  	_ =	sfence.sel $0xFFFF  }
0xc2: {  	[dreg:$0x0] =	wrdreg $0xFFFFFFFF;
	(pc) =	sbr.abs _section_cstart, $3  }
0xc3: {  	[dreg:$0x1] =	wrdreg $0xFFFFFFFF  }
0xc4: {  	_ =	task.clear_ibuf [dreg:s9], $0x2FFFF;
	_ =	strace $0x9FFFFFFF  }
0xc5: {  	(tm) =	ssettm $0x7FFFFFFF  }
tec
execute0_lowered:
.L_overlay_start_1:
0x0: {  	(tag) =	ssettag $0x1  }
0x1: {  	s1 =	rddreg [dreg:$0x0]  }
0x2: {  	s2 =	rddreg [dreg:$0x1]  }
0x3: {  	s3 =	rddreg [dreg:$0x2]  }
0x4: {  	s0 =	rddreg [dreg:$0x3]  }
0x5: {  	s4 =	simm.s32 $0x0;
	s5 =	srdreg.scid;
	s10 =	simm.s32 $0x8000  }
0x6: {  	s11 =	simm.s32 $0x6;
	s12 =	simm.s32 $0x0;
	s6 =	sand.u32 $0x1, s5  }
0x7: {  	[smem:$0x7FF] =	sst s4;
	s5 =	stileid.u32;
	s7 =	ssub.s32 $0x2, s6  }
0x8: {  	_ =	strace $0x80000047;
	s6 =	sshll.u32 s6, $0x4;
	s8 =	sshrl.u32 s7, $0x1  }
0x9: {  	s31 =	sshll.u32 s5, $0x11;
	s30 =	sor.u32 s5, s6;
	s9 =	ssub.s32 s7, s8  }
0xa: {  	s6 =	sshll.u32 s30, $0x6;
	s7 =	sshll.u32 s30, $0x11;
	s8 =	sand.u32 $0xE0000, s31  }
0xb: {  	s7 =	sadd.s32 s1, s7;
	s8 =	sadd.s32 s2, s8;
	s9 =	smax.u32 s9, $0x1  }
.LBB2_1:
0xc: {  	_ =	strace $0x80000048  }
0xd: {  	s13 =	simm.s32 $0x0;
	s14 =	simm.s32 $0x0;
	s15 =	simm.s32 $0x0  }
0xe: {  	[tilespmem:s4], [sflag:$0x1] =	stream.linear.gather [hbm4b:s7+s4], $0x4000, $0x200038;
	[tilespmem:$0x18000] =	vst v63  }
0xf: {  	s16 =	simm.s32 $0x0;
	s17 =	simm.s32 $0x1;
	s18 =	simm.s32 $0x0  }
0x10: {  	[tilespmem:s10], [sflag:$0x3] =	stream.linear.gather [hbm4b:s8+s4], $0x4000, $0x200038;
	[tilespmem:$0x18000] =	vst v63  }
0x11: {  	s19 =	simm.s32 $0x1;
	s20 =	simm.s32 $0x0;
	_ =	strace $0x90000048  }
.LBB2_2:
0x12: {  	s22 =	smov.u32 s13;
	s13 =	sadd.s32 $0x1, s13  }
0x13: {  	p0 =	seq.s32 s13, $0x40  }
0x14: {  	s13 =	simm.s32 @p0 $0x0  }
0x15: {  	p2 =	sne.s32 s20, $0x3F;
	p0 =	sne.s32 s22, s13  }
0x16: {  	p1 =	por !p2, !p0  }
0x17: {  	s23 =	sadd.s32 s6, s13;
	p3 =	por !p1, !p1  }
0x18: {  	s21 =	sadd.s32 s6, s22;
	_ =	strace @p3 $0x80000049;
	s25 =	sshll.u32 @p3 s23, $0xB  }
0x19: {  	s24 =	sand.u32 @p3 $0x1, s19;
	s28 =	simm.s32 @p3 $0x0;
	s25 =	sand.u32 @p3 $0x1FFFF800, s25  }
0x1a: {  	s26 =	sshll.u32 @p3 s24, $0xE;
	s24 =	sadd.s32 @p3 $0x1, s24;
	s25 =	sadd.s32 @p3 s1, s25  }
0x1b: {  	[tilespmem:s26], [sflag:s24] =	stream.linear.gather @p3 [hbm4b:s25+s28], $0x4000, $0x200038;
	[tilespmem:$0x18000] =	vst v63  }
0x1c: {  	s29 =	sshra.s32 s23, $0x1F;
	s26 =	sshra.s32 s21, $0x1F  }
0x1d: {  	s25 =	sshrl.u32 s29, $0x17;
	s24 =	sshrl.u32 s26, $0x17  }
0x1e: {  	s25 =	sadd.s32 s25, s23;
	s24 =	sadd.s32 s24, s21  }
0x1f: {  	p5 =	seq.s32 s22, $0x0;
	s25 =	sand.u32 $0xFFFFFE00, s25;
	s24 =	sand.u32 $0xFFFFFE00, s24  }
0x20: {  	s23 =	ssub.s32 s23, s25;
	s25 =	sadd.s32 $0xFFFFFFFF, s22;
	s24 =	ssub.s32 s21, s24  }
0x21: {  	s25 =	simm.s32 @p5 $0x3F;
	p1 =	sne.s32 s24, s23  }
0x22: {  	s25 =	sadd.s32 s6, s25;
	p2 =	por !p2, !p1  }
0x23: {  	_ =	strace @p3 $0x90000049;
	s30 =	sshra.s32 s25, $0x1F;
	p4 =	por !p2, !p2  }
0x24: {  	s22 =	sand.u32 @p4 $0x1, s17;
	_ =	strace @p4 $0x8000004A;
	s23 =	sshll.u32 @p4 s23, $0xB  }
0x25: {  	s28 =	simm.s32 @p4 $0x0;
	s26 =	sshll.u32 @p4 s22, $0xE;
	s23 =	sand.u32 @p4 $0x1FFFF800, s23  }
0x26: {  	s22 =	sadd.s32 @p4 $0x3, s22;
	s26 =	sor.u32 @p4 $0x8000, s26;
	s23 =	sadd.s32 @p4 s2, s23  }
0x27: {  	[tilespmem:s26], [sflag:s22] =	stream.linear.gather @p4 [hbm4b:s23+s28], $0x4000, $0x200038;
	[tilespmem:$0x18000] =	vst v63  }
0x28: {  	s22 =	sshrl.u32 s30, $0x17  }
0x29: {  	s31 =	sand.u32 $0x1, s18;
	_ =	strace @p4 $0x9000004A;
	s22 =	sadd.s32 s22, s25  }
0x2a: {  	s23 =	sadd.s32 $0x1, s31;
	_ =	strace $0x8000004B;
	s22 =	sand.u32 $0xFFFFFE00, s22  }
0x2b: {  	p2 =	seq.s32 s20, $0x0;
	_ =	swait.ge [sflag:s23], $0x4000;
	s22 =	ssub.s32 s25, s22  }
0x2c: {  	[sflag:s23] =	ssyncset.done $0x0;
	p5 =	seq.s32 @!p2 s24, s22  }
0x2d: {  	[sflag:s23] =	ssyncadd.s32 $0xFFFFC000;
	p5 =	por p2, !p5  }
0x2e: {  	_ =	strace $0x9000004B;
	s22 =	sand.u32 @p5 $0x1, s16  }
0x2f: {  	_ =	strace @p5 $0x8000004C;
	s22 =	sadd.s32 @p5 $0x3, s22  }
0x30: {  	s26 =	sshll.u32 s16, $0xE;
	_ =	swait.ge @p5 [sflag:s22], $0x4000  }
0x31: {  	s30 =	sand.u32 $0x4000, s26;
	s26 =	simm.s32 $0x0;
	[sflag:s22] =	ssyncset.done @p5 $0x0  }
0x32: {  	s28 =	sor.u32 $0x8000, s30;
	[sflag:s22] =	ssyncadd.s32 @p5 $0xFFFFC000;
	s22 =	simm.s32 $0x1  }
0x33: {  	s25 =	sshll.u32 s18, $0xE;
	v1 =	vmov s28;
	s28 =	simm.s32 $0x0;
	s22 =	simm.s32 @!p3 $0x0  }
0x34: {  	s23 =	simm.s32 $0x1;
	s19 =	sadd.s32 s22, s19;
	s22 =	sand.u32 $0x1, s15  }
0x35: {  	s29 =	sand.u32 $0x4000, s25;
	s23 =	simm.s32 @!p4 $0x0;
	s31 =	sshll.u32 s22, $0xE  }
0x36: {  	v0 =	vmov s29;
	s17 =	sadd.s32 s23, s17;
	_ =	strace @p5 $0x9000004C;
	s23 =	sor.u32 $0x10000, s31  }
0x37: {  	s24 =	simm.s32 $0x0;
	s25 =	simm.s32 $0xFFFFC000;
	_ =	strace $0x8000004D;
	v2 =	vmov s23  }
.LBB2_3:
0x38: {  	s29 =	sadd.s32 $0x4000, s25  }
0x39: {  	s30 =	sand.u32 $0x380, s28;
	s29 =	sand.u32 $0x2000, s29  }
0x3a: {  	s29 =	sor.u32 s30, s29  }
0x3b: {  	v3 =	vld.idx.msk [tilespmem:v0+s29+$0x0 ss:$0x1], $0xffff  }
0x3c: {  	v4 =	vld.idx.msk [tilespmem:v1+s29+$0x0 ss:$0x1], $0xffff;
	_ =	sdelay $0x4  }
0x3d: {  	v3 =	vadd.f32 v4, v3;
	_ =	sdelay $0x1  }
0x3e: {  	s30 =	sor.u32 $0x10, s29;
	[tilespmem:v2+s29+$0x0 ss:$0x1] =	vst.idx.msk $0xffff, v3  }
0x3f: {  	v3 =	vld.idx.msk [tilespmem:v0+s30+$0x0 ss:$0x1], $0xffff  }
0x40: {  	v57 =	vld.idx.msk [tilespmem:v1+s30+$0x0 ss:$0x1], $0xffff;
	_ =	sdelay $0x4  }
0x41: {  	v3 =	vadd.f32 v57, v3;
	_ =	sdelay $0x1  }
0x42: {  	s31 =	sor.u32 $0x20, s29;
	[tilespmem:v2+s30+$0x0 ss:$0x1] =	vst.idx.msk $0xffff, v3  }
0x43: {  	v3 =	vld.idx.msk [tilespmem:v0+s31+$0x0 ss:$0x1], $0xffff  }
0x44: {  	v58 =	vld.idx.msk [tilespmem:v1+s31+$0x0 ss:$0x1], $0xffff;
	_ =	sdelay $0x4  }
0x45: {  	v3 =	vadd.f32 v58, v3;
	_ =	sdelay $0x1  }
0x46: {  	[tilespmem:v2+s31+$0x0 ss:$0x1] =	vst.idx.msk $0xffff, v3;
	s31 =	sor.u32 $0x30, s29  }
0x47: {  	v3 =	vld.idx.msk [tilespmem:v0+s31+$0x0 ss:$0x1], $0xffff  }
0x48: {  	v59 =	vld.idx.msk [tilespmem:v1+s31+$0x0 ss:$0x1], $0xffff;
	_ =	sdelay $0x4  }
0x49: {  	v3 =	vadd.f32 v59, v3;
	_ =	sdelay $0x1  }
0x4a: {  	[tilespmem:v2+s31+$0x0 ss:$0x1] =	vst.idx.msk $0xffff, v3;
	s31 =	sor.u32 $0x40, s29  }
0x4b: {  	v3 =	vld.idx.msk [tilespmem:v0+s31+$0x0 ss:$0x1], $0xffff  }
0x4c: {  	v60 =	vld.idx.msk [tilespmem:v1+s31+$0x0 ss:$0x1], $0xffff;
	_ =	sdelay $0x4  }
0x4d: {  	v3 =	vadd.f32 v60, v3;
	_ =	sdelay $0x1  }
0x4e: {  	[tilespmem:v2+s31+$0x0 ss:$0x1] =	vst.idx.msk $0xffff, v3;
	s31 =	sor.u32 $0x50, s29  }
0x4f: {  	v3 =	vld.idx.msk [tilespmem:v0+s31+$0x0 ss:$0x1], $0xffff  }
0x50: {  	v61 =	vld.idx.msk [tilespmem:v1+s31+$0x0 ss:$0x1], $0xffff;
	_ =	sdelay $0x4  }
0x51: {  	v3 =	vadd.f32 v61, v3;
	_ =	sdelay $0x1  }
0x52: {  	[tilespmem:v2+s31+$0x0 ss:$0x1] =	vst.idx.msk $0xffff, v3;
	s31 =	sor.u32 $0x60, s29  }
0x53: {  	v3 =	vld.idx.msk [tilespmem:v0+s31+$0x0 ss:$0x1], $0xffff  }
0x54: {  	v62 =	vld.idx.msk [tilespmem:v1+s31+$0x0 ss:$0x1], $0xffff;
	_ =	sdelay $0x4  }
0x55: {  	v3 =	vadd.f32 v62, v3;
	_ =	sdelay $0x1  }
0x56: {  	[tilespmem:v2+s31+$0x0 ss:$0x1] =	vst.idx.msk $0xffff, v3;
	s31 =	sor.u32 $0x70, s29  }
0x57: {  	v3 =	vld.idx.msk [tilespmem:v0+s31+$0x0 ss:$0x1], $0xffff  }
0x58: {  	v63 =	vld.idx.msk [tilespmem:v1+s31+$0x0 ss:$0x1], $0xffff;
	_ =	sdelay $0x4  }
0x59: {  	v3 =	vadd.f32 v63, v3;
	_ =	sdelay $0x1  }
0x5a: {  	[tilespmem:v2+s31+$0x0 ss:$0x1] =	vst.idx.msk $0xffff, v3;
	s31 =	sor.u32 $0x400, s29  }
0x5b: {  	v3 =	vld.idx.msk [tilespmem:v0+s31+$0x0 ss:$0x1], $0xffff  }
0x5c: {  	v8 =	vld.idx.msk [tilespmem:v1+s31+$0x0 ss:$0x1], $0xffff;
	_ =	sdelay $0x4  }
0x5d: {  	v3 =	vadd.f32 v8, v3;
	_ =	sdelay $0x1  }
0x5e: {  	[tilespmem:v2+s31+$0x0 ss:$0x1] =	vst.idx.msk $0xffff, v3;
	s31 =	sor.u32 $0x410, s29  }
0x5f: {  	v3 =	vld.idx.msk [tilespmem:v0+s31+$0x0 ss:$0x1], $0xffff  }
0x60: {  	v9 =	vld.idx.msk [tilespmem:v1+s31+$0x0 ss:$0x1], $0xffff;
	_ =	sdelay $0x4  }
0x61: {  	v3 =	vadd.f32 v9, v3;
	_ =	sdelay $0x1  }
0x62: {  	[tilespmem:v2+s31+$0x0 ss:$0x1] =	vst.idx.msk $0xffff, v3;
	s31 =	sor.u32 $0x420, s29  }
0x63: {  	v3 =	vld.idx.msk [tilespmem:v0+s31+$0x0 ss:$0x1], $0xffff  }
0x64: {  	v10 =	vld.idx.msk [tilespmem:v1+s31+$0x0 ss:$0x1], $0xffff;
	_ =	sdelay $0x4  }
0x65: {  	v3 =	vadd.f32 v10, v3;
	_ =	sdelay $0x1  }
0x66: {  	[tilespmem:v2+s31+$0x0 ss:$0x1] =	vst.idx.msk $0xffff, v3;
	s31 =	sor.u32 $0x430, s29  }
0x67: {  	v3 =	vld.idx.msk [tilespmem:v0+s31+$0x0 ss:$0x1], $0xffff  }
0x68: {  	v11 =	vld.idx.msk [tilespmem:v1+s31+$0x0 ss:$0x1], $0xffff;
	_ =	sdelay $0x4  }
0x69: {  	v3 =	vadd.f32 v11, v3;
	_ =	sdelay $0x1  }
0x6a: {  	[tilespmem:v2+s31+$0x0 ss:$0x1] =	vst.idx.msk $0xffff, v3;
	s31 =	sor.u32 $0x440, s29  }
0x6b: {  	v3 =	vld.idx.msk [tilespmem:v0+s31+$0x0 ss:$0x1], $0xffff  }
0x6c: {  	v12 =	vld.idx.msk [tilespmem:v1+s31+$0x0 ss:$0x1], $0xffff;
	_ =	sdelay $0x4  }
0x6d: {  	v3 =	vadd.f32 v12, v3;
	_ =	sdelay $0x1  }
0x6e: {  	[tilespmem:v2+s31+$0x0 ss:$0x1] =	vst.idx.msk $0xffff, v3;
	s31 =	sor.u32 $0x450, s29  }
0x6f: {  	v3 =	vld.idx.msk [tilespmem:v0+s31+$0x0 ss:$0x1], $0xffff  }
0x70: {  	v13 =	vld.idx.msk [tilespmem:v1+s31+$0x0 ss:$0x1], $0xffff;
	_ =	sdelay $0x4  }
0x71: {  	v3 =	vadd.f32 v13, v3;
	_ =	sdelay $0x1  }
0x72: {  	[tilespmem:v2+s31+$0x0 ss:$0x1] =	vst.idx.msk $0xffff, v3;
	s31 =	sor.u32 $0x460, s29  }
0x73: {  	v3 =	vld.idx.msk [tilespmem:v0+s31+$0x0 ss:$0x1], $0xffff  }
0x74: {  	v14 =	vld.idx.msk [tilespmem:v1+s31+$0x0 ss:$0x1], $0xffff;
	_ =	sdelay $0x4  }
0x75: {  	v3 =	vadd.f32 v14, v3;
	_ =	sdelay $0x1  }
0x76: {  	[tilespmem:v2+s31+$0x0 ss:$0x1] =	vst.idx.msk $0xffff, v3;
	s31 =	sor.u32 $0x470, s29  }
0x77: {  	v3 =	vld.idx.msk [tilespmem:v0+s31+$0x0 ss:$0x1], $0xffff  }
0x78: {  	v15 =	vld.idx.msk [tilespmem:v1+s31+$0x0 ss:$0x1], $0xffff;
	_ =	sdelay $0x4  }
0x79: {  	v3 =	vadd.f32 v15, v3;
	_ =	sdelay $0x1  }
0x7a: {  	[tilespmem:v2+s31+$0x0 ss:$0x1] =	vst.idx.msk $0xffff, v3;
	s31 =	sor.u32 $0x800, s29  }
0x7b: {  	v3 =	vld.idx.msk [tilespmem:v0+s31+$0x0 ss:$0x1], $0xffff  }
0x7c: {  	v16 =	vld.idx.msk [tilespmem:v1+s31+$0x0 ss:$0x1], $0xffff;
	_ =	sdelay $0x4  }
0x7d: {  	v3 =	vadd.f32 v16, v3;
	_ =	sdelay $0x1  }
0x7e: {  	[tilespmem:v2+s31+$0x0 ss:$0x1] =	vst.idx.msk $0xffff, v3;
	s31 =	sor.u32 $0x810, s29  }
0x7f: {  	v3 =	vld.idx.msk [tilespmem:v0+s31+$0x0 ss:$0x1], $0xffff  }
0x80: {  	v17 =	vld.idx.msk [tilespmem:v1+s31+$0x0 ss:$0x1], $0xffff;
	_ =	sdelay $0x4  }
0x81: {  	v3 =	vadd.f32 v17, v3;
	_ =	sdelay $0x1  }
0x82: {  	[tilespmem:v2+s31+$0x0 ss:$0x1] =	vst.idx.msk $0xffff, v3;
	s31 =	sor.u32 $0x820, s29  }
0x83: {  	v3 =	vld.idx.msk [tilespmem:v0+s31+$0x0 ss:$0x1], $0xffff  }
0x84: {  	v18 =	vld.idx.msk [tilespmem:v1+s31+$0x0 ss:$0x1], $0xffff;
	_ =	sdelay $0x4  }
0x85: {  	v3 =	vadd.f32 v18, v3;
	_ =	sdelay $0x1  }
0x86: {  	[tilespmem:v2+s31+$0x0 ss:$0x1] =	vst.idx.msk $0xffff, v3;
	s31 =	sor.u32 $0x830, s29  }
0x87: {  	v3 =	vld.idx.msk [tilespmem:v0+s31+$0x0 ss:$0x1], $0xffff  }
0x88: {  	v19 =	vld.idx.msk [tilespmem:v1+s31+$0x0 ss:$0x1], $0xffff;
	_ =	sdelay $0x4  }
0x89: {  	v3 =	vadd.f32 v19, v3;
	_ =	sdelay $0x1  }
0x8a: {  	[tilespmem:v2+s31+$0x0 ss:$0x1] =	vst.idx.msk $0xffff, v3;
	s31 =	sor.u32 $0x840, s29  }
0x8b: {  	v3 =	vld.idx.msk [tilespmem:v0+s31+$0x0 ss:$0x1], $0xffff  }
0x8c: {  	v20 =	vld.idx.msk [tilespmem:v1+s31+$0x0 ss:$0x1], $0xffff;
	_ =	sdelay $0x4  }
0x8d: {  	v3 =	vadd.f32 v20, v3;
	_ =	sdelay $0x1  }
0x8e: {  	[tilespmem:v2+s31+$0x0 ss:$0x1] =	vst.idx.msk $0xffff, v3;
	s31 =	sor.u32 $0x850, s29  }
0x8f: {  	v3 =	vld.idx.msk [tilespmem:v0+s31+$0x0 ss:$0x1], $0xffff  }
0x90: {  	v21 =	vld.idx.msk [tilespmem:v1+s31+$0x0 ss:$0x1], $0xffff;
	_ =	sdelay $0x4  }
0x91: {  	v3 =	vadd.f32 v21, v3;
	_ =	sdelay $0x1  }
0x92: {  	[tilespmem:v2+s31+$0x0 ss:$0x1] =	vst.idx.msk $0xffff, v3;
	s31 =	sor.u32 $0x860, s29  }
0x93: {  	v3 =	vld.idx.msk [tilespmem:v0+s31+$0x0 ss:$0x1], $0xffff  }
0x94: {  	v22 =	vld.idx.msk [tilespmem:v1+s31+$0x0 ss:$0x1], $0xffff;
	_ =	sdelay $0x4  }
0x95: {  	v3 =	vadd.f32 v22, v3;
	_ =	sdelay $0x1  }
0x96: {  	[tilespmem:v2+s31+$0x0 ss:$0x1] =	vst.idx.msk $0xffff, v3;
	s31 =	sor.u32 $0x870, s29  }
0x97: {  	v3 =	vld.idx.msk [tilespmem:v0+s31+$0x0 ss:$0x1], $0xffff  }
0x98: {  	v23 =	vld.idx.msk [tilespmem:v1+s31+$0x0 ss:$0x1], $0xffff;
	_ =	sdelay $0x4  }
0x99: {  	v3 =	vadd.f32 v23, v3;
	_ =	sdelay $0x1  }
0x9a: {  	[tilespmem:v2+s31+$0x0 ss:$0x1] =	vst.idx.msk $0xffff, v3;
	s31 =	sor.u32 $0xC00, s29  }
0x9b: {  	v3 =	vld.idx.msk [tilespmem:v0+s31+$0x0 ss:$0x1], $0xffff  }
0x9c: {  	v24 =	vld.idx.msk [tilespmem:v1+s31+$0x0 ss:$0x1], $0xffff;
	_ =	sdelay $0x4  }
0x9d: {  	v3 =	vadd.f32 v24, v3;
	_ =	sdelay $0x1  }
0x9e: {  	[tilespmem:v2+s31+$0x0 ss:$0x1] =	vst.idx.msk $0xffff, v3;
	s31 =	sor.u32 $0xC10, s29  }
0x9f: {  	v3 =	vld.idx.msk [tilespmem:v0+s31+$0x0 ss:$0x1], $0xffff  }
0xa0: {  	v25 =	vld.idx.msk [tilespmem:v1+s31+$0x0 ss:$0x1], $0xffff;
	_ =	sdelay $0x4  }
0xa1: {  	v3 =	vadd.f32 v25, v3;
	_ =	sdelay $0x1  }
0xa2: {  	[tilespmem:v2+s31+$0x0 ss:$0x1] =	vst.idx.msk $0xffff, v3;
	s31 =	sor.u32 $0xC20, s29  }
0xa3: {  	v3 =	vld.idx.msk [tilespmem:v0+s31+$0x0 ss:$0x1], $0xffff  }
0xa4: {  	v26 =	vld.idx.msk [tilespmem:v1+s31+$0x0 ss:$0x1], $0xffff;
	_ =	sdelay $0x4  }
0xa5: {  	v3 =	vadd.f32 v26, v3;
	_ =	sdelay $0x1  }
0xa6: {  	[tilespmem:v2+s31+$0x0 ss:$0x1] =	vst.idx.msk $0xffff, v3;
	s31 =	sor.u32 $0xC30, s29  }
0xa7: {  	v3 =	vld.idx.msk [tilespmem:v0+s31+$0x0 ss:$0x1], $0xffff  }
0xa8: {  	v27 =	vld.idx.msk [tilespmem:v1+s31+$0x0 ss:$0x1], $0xffff;
	_ =	sdelay $0x4  }
0xa9: {  	v3 =	vadd.f32 v27, v3;
	_ =	sdelay $0x1  }
0xaa: {  	[tilespmem:v2+s31+$0x0 ss:$0x1] =	vst.idx.msk $0xffff, v3;
	s31 =	sor.u32 $0xC40, s29  }
0xab: {  	v3 =	vld.idx.msk [tilespmem:v0+s31+$0x0 ss:$0x1], $0xffff  }
0xac: {  	v28 =	vld.idx.msk [tilespmem:v1+s31+$0x0 ss:$0x1], $0xffff;
	_ =	sdelay $0x4  }
0xad: {  	v3 =	vadd.f32 v28, v3;
	_ =	sdelay $0x1  }
0xae: {  	[tilespmem:v2+s31+$0x0 ss:$0x1] =	vst.idx.msk $0xffff, v3;
	s31 =	sor.u32 $0xC50, s29  }
0xaf: {  	v3 =	vld.idx.msk [tilespmem:v0+s31+$0x0 ss:$0x1], $0xffff  }
0xb0: {  	v29 =	vld.idx.msk [tilespmem:v1+s31+$0x0 ss:$0x1], $0xffff;
	_ =	sdelay $0x4  }
0xb1: {  	v3 =	vadd.f32 v29, v3;
	_ =	sdelay $0x1  }
0xb2: {  	[tilespmem:v2+s31+$0x0 ss:$0x1] =	vst.idx.msk $0xffff, v3;
	s31 =	sor.u32 $0xC60, s29  }
0xb3: {  	v3 =	vld.idx.msk [tilespmem:v0+s31+$0x0 ss:$0x1], $0xffff  }
0xb4: {  	v30 =	vld.idx.msk [tilespmem:v1+s31+$0x0 ss:$0x1], $0xffff;
	_ =	sdelay $0x4  }
0xb5: {  	v3 =	vadd.f32 v30, v3;
	_ =	sdelay $0x1  }
0xb6: {  	[tilespmem:v2+s31+$0x0 ss:$0x1] =	vst.idx.msk $0xffff, v3;
	s31 =	sor.u32 $0xC70, s29  }
0xb7: {  	v3 =	vld.idx.msk [tilespmem:v0+s31+$0x0 ss:$0x1], $0xffff  }
0xb8: {  	v31 =	vld.idx.msk [tilespmem:v1+s31+$0x0 ss:$0x1], $0xffff;
	_ =	sdelay $0x4  }
0xb9: {  	v3 =	vadd.f32 v31, v3;
	_ =	sdelay $0x1  }
0xba: {  	[tilespmem:v2+s31+$0x0 ss:$0x1] =	vst.idx.msk $0xffff, v3;
	s31 =	sor.u32 $0x1000, s29  }
0xbb: {  	v3 =	vld.idx.msk [tilespmem:v0+s31+$0x0 ss:$0x1], $0xffff  }
0xbc: {  	v32 =	vld.idx.msk [tilespmem:v1+s31+$0x0 ss:$0x1], $0xffff;
	_ =	sdelay $0x4  }
0xbd: {  	v3 =	vadd.f32 v32, v3;
	_ =	sdelay $0x1  }
0xbe: {  	[tilespmem:v2+s31+$0x0 ss:$0x1] =	vst.idx.msk $0xffff, v3;
	s31 =	sor.u32 $0x1010, s29  }
0xbf: {  	v3 =	vld.idx.msk [tilespmem:v0+s31+$0x0 ss:$0x1], $0xffff  }
0xc0: {  	v33 =	vld.idx.msk [tilespmem:v1+s31+$0x0 ss:$0x1], $0xffff;
	_ =	sdelay $0x4  }
0xc1: {  	v3 =	vadd.f32 v33, v3;
	_ =	sdelay $0x1  }
0xc2: {  	[tilespmem:v2+s31+$0x0 ss:$0x1] =	vst.idx.msk $0xffff, v3;
	s31 =	sor.u32 $0x1020, s29  }
0xc3: {  	v3 =	vld.idx.msk [tilespmem:v0+s31+$0x0 ss:$0x1], $0xffff  }
0xc4: {  	v34 =	vld.idx.msk [tilespmem:v1+s31+$0x0 ss:$0x1], $0xffff;
	_ =	sdelay $0x4  }
0xc5: {  	v3 =	vadd.f32 v34, v3;
	_ =	sdelay $0x1  }
0xc6: {  	[tilespmem:v2+s31+$0x0 ss:$0x1] =	vst.idx.msk $0xffff, v3;
	s31 =	sor.u32 $0x1030, s29  }
0xc7: {  	v3 =	vld.idx.msk [tilespmem:v0+s31+$0x0 ss:$0x1], $0xffff  }
0xc8: {  	v35 =	vld.idx.msk [tilespmem:v1+s31+$0x0 ss:$0x1], $0xffff;
	_ =	sdelay $0x4  }
0xc9: {  	v3 =	vadd.f32 v35, v3;
	_ =	sdelay $0x1  }
0xca: {  	[tilespmem:v2+s31+$0x0 ss:$0x1] =	vst.idx.msk $0xffff, v3;
	s31 =	sor.u32 $0x1040, s29  }
0xcb: {  	v3 =	vld.idx.msk [tilespmem:v0+s31+$0x0 ss:$0x1], $0xffff  }
0xcc: {  	v36 =	vld.idx.msk [tilespmem:v1+s31+$0x0 ss:$0x1], $0xffff;
	_ =	sdelay $0x4  }
0xcd: {  	v3 =	vadd.f32 v36, v3;
	_ =	sdelay $0x1  }
0xce: {  	[tilespmem:v2+s31+$0x0 ss:$0x1] =	vst.idx.msk $0xffff, v3;
	s31 =	sor.u32 $0x1050, s29  }
0xcf: {  	v3 =	vld.idx.msk [tilespmem:v0+s31+$0x0 ss:$0x1], $0xffff  }
0xd0: {  	v37 =	vld.idx.msk [tilespmem:v1+s31+$0x0 ss:$0x1], $0xffff;
	_ =	sdelay $0x4  }
0xd1: {  	v3 =	vadd.f32 v37, v3;
	_ =	sdelay $0x1  }
0xd2: {  	[tilespmem:v2+s31+$0x0 ss:$0x1] =	vst.idx.msk $0xffff, v3;
	s31 =	sor.u32 $0x1060, s29  }
0xd3: {  	v3 =	vld.idx.msk [tilespmem:v0+s31+$0x0 ss:$0x1], $0xffff  }
0xd4: {  	v38 =	vld.idx.msk [tilespmem:v1+s31+$0x0 ss:$0x1], $0xffff;
	_ =	sdelay $0x4  }
0xd5: {  	v3 =	vadd.f32 v38, v3;
	_ =	sdelay $0x1  }
0xd6: {  	[tilespmem:v2+s31+$0x0 ss:$0x1] =	vst.idx.msk $0xffff, v3;
	s31 =	sor.u32 $0x1070, s29  }
0xd7: {  	v3 =	vld.idx.msk [tilespmem:v0+s31+$0x0 ss:$0x1], $0xffff  }
0xd8: {  	v39 =	vld.idx.msk [tilespmem:v1+s31+$0x0 ss:$0x1], $0xffff;
	_ =	sdelay $0x4  }
0xd9: {  	v3 =	vadd.f32 v39, v3;
	_ =	sdelay $0x1  }
0xda: {  	[tilespmem:v2+s31+$0x0 ss:$0x1] =	vst.idx.msk $0xffff, v3;
	s31 =	sor.u32 $0x1400, s29  }
0xdb: {  	v3 =	vld.idx.msk [tilespmem:v0+s31+$0x0 ss:$0x1], $0xffff  }
0xdc: {  	v40 =	vld.idx.msk [tilespmem:v1+s31+$0x0 ss:$0x1], $0xffff;
	_ =	sdelay $0x4  }
0xdd: {  	v3 =	vadd.f32 v40, v3;
	_ =	sdelay $0x1  }
0xde: {  	[tilespmem:v2+s31+$0x0 ss:$0x1] =	vst.idx.msk $0xffff, v3;
	s31 =	sor.u32 $0x1410, s29  }
0xdf: {  	v3 =	vld.idx.msk [tilespmem:v0+s31+$0x0 ss:$0x1], $0xffff  }
0xe0: {  	v41 =	vld.idx.msk [tilespmem:v1+s31+$0x0 ss:$0x1], $0xffff;
	_ =	sdelay $0x4  }
0xe1: {  	v3 =	vadd.f32 v41, v3;
	_ =	sdelay $0x1  }
0xe2: {  	[tilespmem:v2+s31+$0x0 ss:$0x1] =	vst.idx.msk $0xffff, v3;
	s31 =	sor.u32 $0x1420, s29  }
0xe3: {  	v3 =	vld.idx.msk [tilespmem:v0+s31+$0x0 ss:$0x1], $0xffff  }
0xe4: {  	v42 =	vld.idx.msk [tilespmem:v1+s31+$0x0 ss:$0x1], $0xffff;
	_ =	sdelay $0x4  }
0xe5: {  	v3 =	vadd.f32 v42, v3;
	_ =	sdelay $0x1  }
0xe6: {  	[tilespmem:v2+s31+$0x0 ss:$0x1] =	vst.idx.msk $0xffff, v3;
	s31 =	sor.u32 $0x1430, s29  }
0xe7: {  	v3 =	vld.idx.msk [tilespmem:v0+s31+$0x0 ss:$0x1], $0xffff  }
0xe8: {  	v43 =	vld.idx.msk [tilespmem:v1+s31+$0x0 ss:$0x1], $0xffff;
	_ =	sdelay $0x4  }
0xe9: {  	v3 =	vadd.f32 v43, v3;
	_ =	sdelay $0x1  }
0xea: {  	[tilespmem:v2+s31+$0x0 ss:$0x1] =	vst.idx.msk $0xffff, v3;
	s31 =	sor.u32 $0x1440, s29  }
0xeb: {  	v3 =	vld.idx.msk [tilespmem:v0+s31+$0x0 ss:$0x1], $0xffff  }
0xec: {  	v44 =	vld.idx.msk [tilespmem:v1+s31+$0x0 ss:$0x1], $0xffff;
	_ =	sdelay $0x4  }
0xed: {  	v3 =	vadd.f32 v44, v3;
	_ =	sdelay $0x1  }
0xee: {  	[tilespmem:v2+s31+$0x0 ss:$0x1] =	vst.idx.msk $0xffff, v3;
	s31 =	sor.u32 $0x1450, s29  }
0xef: {  	v3 =	vld.idx.msk [tilespmem:v0+s31+$0x0 ss:$0x1], $0xffff  }
0xf0: {  	v45 =	vld.idx.msk [tilespmem:v1+s31+$0x0 ss:$0x1], $0xffff;
	_ =	sdelay $0x4  }
0xf1: {  	v3 =	vadd.f32 v45, v3;
	_ =	sdelay $0x1  }
0xf2: {  	[tilespmem:v2+s31+$0x0 ss:$0x1] =	vst.idx.msk $0xffff, v3;
	s31 =	sor.u32 $0x1460, s29  }
0xf3: {  	v3 =	vld.idx.msk [tilespmem:v0+s31+$0x0 ss:$0x1], $0xffff  }
0xf4: {  	v46 =	vld.idx.msk [tilespmem:v1+s31+$0x0 ss:$0x1], $0xffff;
	_ =	sdelay $0x4  }
0xf5: {  	v3 =	vadd.f32 v46, v3;
	_ =	sdelay $0x1  }
0xf6: {  	[tilespmem:v2+s31+$0x0 ss:$0x1] =	vst.idx.msk $0xffff, v3;
	s31 =	sor.u32 $0x1470, s29  }
0xf7: {  	v3 =	vld.idx.msk [tilespmem:v0+s31+$0x0 ss:$0x1], $0xffff  }
0xf8: {  	v47 =	vld.idx.msk [tilespmem:v1+s31+$0x0 ss:$0x1], $0xffff;
	_ =	sdelay $0x4  }
0xf9: {  	v3 =	vadd.f32 v47, v3;
	_ =	sdelay $0x1  }
0xfa: {  	[tilespmem:v2+s31+$0x0 ss:$0x1] =	vst.idx.msk $0xffff, v3;
	s31 =	sor.u32 $0x1800, s29  }
0xfb: {  	v3 =	vld.idx.msk [tilespmem:v0+s31+$0x0 ss:$0x1], $0xffff  }
0xfc: {  	v48 =	vld.idx.msk [tilespmem:v1+s31+$0x0 ss:$0x1], $0xffff;
	_ =	sdelay $0x4  }
0xfd: {  	v3 =	vadd.f32 v48, v3;
	_ =	sdelay $0x1  }
0xfe: {  	[tilespmem:v2+s31+$0x0 ss:$0x1] =	vst.idx.msk $0xffff, v3;
	s31 =	sor.u32 $0x1810, s29  }
0xff: {  	v3 =	vld.idx.msk [tilespmem:v0+s31+$0x0 ss:$0x1], $0xffff  }
0x100: {  	v49 =	vld.idx.msk [tilespmem:v1+s31+$0x0 ss:$0x1], $0xffff;
	_ =	sdelay $0x4  }
0x101: {  	v3 =	vadd.f32 v49, v3;
	_ =	sdelay $0x1  }
0x102: {  	[tilespmem:v2+s31+$0x0 ss:$0x1] =	vst.idx.msk $0xffff, v3;
	s31 =	sor.u32 $0x1820, s29  }
0x103: {  	v3 =	vld.idx.msk [tilespmem:v0+s31+$0x0 ss:$0x1], $0xffff  }
0x104: {  	v50 =	vld.idx.msk [tilespmem:v1+s31+$0x0 ss:$0x1], $0xffff;
	_ =	sdelay $0x4  }
0x105: {  	v3 =	vadd.f32 v50, v3;
	_ =	sdelay $0x1  }
0x106: {  	[tilespmem:v2+s31+$0x0 ss:$0x1] =	vst.idx.msk $0xffff, v3;
	s31 =	sor.u32 $0x1830, s29  }
0x107: {  	v3 =	vld.idx.msk [tilespmem:v0+s31+$0x0 ss:$0x1], $0xffff  }
0x108: {  	v51 =	vld.idx.msk [tilespmem:v1+s31+$0x0 ss:$0x1], $0xffff;
	_ =	sdelay $0x4  }
0x109: {  	v3 =	vadd.f32 v51, v3;
	_ =	sdelay $0x1  }
0x10a: {  	[tilespmem:v2+s31+$0x0 ss:$0x1] =	vst.idx.msk $0xffff, v3;
	s31 =	sor.u32 $0x1840, s29  }
0x10b: {  	v3 =	vld.idx.msk [tilespmem:v0+s31+$0x0 ss:$0x1], $0xffff  }
0x10c: {  	v52 =	vld.idx.msk [tilespmem:v1+s31+$0x0 ss:$0x1], $0xffff;
	_ =	sdelay $0x4  }
0x10d: {  	v3 =	vadd.f32 v52, v3;
	_ =	sdelay $0x1  }
0x10e: {  	[tilespmem:v2+s31+$0x0 ss:$0x1] =	vst.idx.msk $0xffff, v3;
	s31 =	sor.u32 $0x1850, s29  }
0x10f: {  	v3 =	vld.idx.msk [tilespmem:v0+s31+$0x0 ss:$0x1], $0xffff  }
0x110: {  	v53 =	vld.idx.msk [tilespmem:v1+s31+$0x0 ss:$0x1], $0xffff;
	_ =	sdelay $0x4  }
0x111: {  	v3 =	vadd.f32 v53, v3;
	_ =	sdelay $0x1  }
0x112: {  	[tilespmem:v2+s31+$0x0 ss:$0x1] =	vst.idx.msk $0xffff, v3;
	s31 =	sor.u32 $0x1860, s29  }
0x113: {  	v3 =	vld.idx.msk [tilespmem:v0+s31+$0x0 ss:$0x1], $0xffff  }
0x114: {  	v54 =	vld.idx.msk [tilespmem:v1+s31+$0x0 ss:$0x1], $0xffff;
	_ =	sdelay $0x4  }
0x115: {  	v3 =	vadd.f32 v54, v3;
	_ =	sdelay $0x1  }
0x116: {  	s29 =	sor.u32 $0x1870, s29;
	[tilespmem:v2+s31+$0x0 ss:$0x1] =	vst.idx.msk $0xffff, v3  }
0x117: {  	v3 =	vld.idx.msk [tilespmem:v0+s29+$0x0 ss:$0x1], $0xffff  }
0x118: {  	v55 =	vld.idx.msk [tilespmem:v1+s29+$0x0 ss:$0x1], $0xffff;
	_ =	sdelay $0x3  }
0x119: {  	s31 =	sand.u32 $0x7, s24  }
0x11a: {  	s30 =	sshll.u32 s31, $0x7;
	v3 =	vadd.f32 v55, v3  }
0x11b: {  	s30 =	sadd.s32 s30, s26  }
0x11c: {  	s31 =	sor.u32 $0x1C00, s30;
	[tilespmem:v2+s29+$0x0 ss:$0x1] =	vst.idx.msk $0xffff, v3  }
0x11d: {  	v3 =	vld.idx.msk [tilespmem:v0+s31+$0x0 ss:$0x1], $0xffff  }
0x11e: {  	v56 =	vld.idx.msk [tilespmem:v1+s31+$0x0 ss:$0x1], $0xffff;
	_ =	sdelay $0x4  }
0x11f: {  	v3 =	vadd.f32 v56, v3;
	_ =	sdelay $0x1  }
0x120: {  	[tilespmem:v2+s31+$0x0 ss:$0x1] =	vst.idx.msk $0xffff, v3;
	s31 =	sor.u32 $0x1C10, s30  }
0x121: {  	v3 =	vld.idx.msk [tilespmem:v0+s31+$0x0 ss:$0x1], $0xffff  }
0x122: {  	v57 =	vld.idx.msk [tilespmem:v1+s31+$0x0 ss:$0x1], $0xffff;
	_ =	sdelay $0x4  }
0x123: {  	v3 =	vadd.f32 v57, v3;
	_ =	sdelay $0x1  }
0x124: {  	[tilespmem:v2+s31+$0x0 ss:$0x1] =	vst.idx.msk $0xffff, v3;
	s31 =	sor.u32 $0x1C20, s30  }
0x125: {  	v3 =	vld.idx.msk [tilespmem:v0+s31+$0x0 ss:$0x1], $0xffff  }
0x126: {  	v58 =	vld.idx.msk [tilespmem:v1+s31+$0x0 ss:$0x1], $0xffff;
	_ =	sdelay $0x4  }
0x127: {  	v3 =	vadd.f32 v58, v3;
	_ =	sdelay $0x1  }
0x128: {  	[tilespmem:v2+s31+$0x0 ss:$0x1] =	vst.idx.msk $0xffff, v3;
	s31 =	sor.u32 $0x1C30, s30  }
0x129: {  	v3 =	vld.idx.msk [tilespmem:v0+s31+$0x0 ss:$0x1], $0xffff  }
0x12a: {  	v59 =	vld.idx.msk [tilespmem:v1+s31+$0x0 ss:$0x1], $0xffff;
	_ =	sdelay $0x4  }
0x12b: {  	v3 =	vadd.f32 v59, v3;
	_ =	sdelay $0x1  }
0x12c: {  	[tilespmem:v2+s31+$0x0 ss:$0x1] =	vst.idx.msk $0xffff, v3;
	s31 =	sor.u32 $0x1C40, s30  }
0x12d: {  	v3 =	vld.idx.msk [tilespmem:v0+s31+$0x0 ss:$0x1], $0xffff  }
0x12e: {  	v60 =	vld.idx.msk [tilespmem:v1+s31+$0x0 ss:$0x1], $0xffff;
	_ =	sdelay $0x4  }
0x12f: {  	v3 =	vadd.f32 v60, v3;
	_ =	sdelay $0x1  }
0x130: {  	[tilespmem:v2+s31+$0x0 ss:$0x1] =	vst.idx.msk $0xffff, v3;
	s31 =	sor.u32 $0x1C50, s30  }
0x131: {  	v3 =	vld.idx.msk [tilespmem:v0+s31+$0x0 ss:$0x1], $0xffff  }
0x132: {  	v61 =	vld.idx.msk [tilespmem:v1+s31+$0x0 ss:$0x1], $0xffff;
	_ =	sdelay $0x4  }
0x133: {  	v3 =	vadd.f32 v61, v3;
	_ =	sdelay $0x1  }
0x134: {  	[tilespmem:v2+s31+$0x0 ss:$0x1] =	vst.idx.msk $0xffff, v3;
	s31 =	sor.u32 $0x1C60, s30  }
0x135: {  	v3 =	vld.idx.msk [tilespmem:v0+s31+$0x0 ss:$0x1], $0xffff  }
0x136: {  	v62 =	vld.idx.msk [tilespmem:v1+s31+$0x0 ss:$0x1], $0xffff;
	_ =	sdelay $0x4  }
0x137: {  	v3 =	vadd.f32 v62, v3;
	_ =	sdelay $0x1  }
0x138: {  	[tilespmem:v2+s31+$0x0 ss:$0x1] =	vst.idx.msk $0xffff, v3;
	s31 =	sor.u32 $0x1C70, s30  }
0x139: {  	v3 =	vld.idx.msk [tilespmem:v0+s31+$0x0 ss:$0x1], $0xffff  }
0x13a: {  	v63 =	vld.idx.msk [tilespmem:v1+s31+$0x0 ss:$0x1], $0xffff;
	_ =	sdelay $0x1  }
0x13b: {  	p3 =	sne.s32 s28, $0x780  }
.Ltmp0:
0x13c: {  	_ = 	snop;
	(pc) =	sbr.rel @p3 .LBB2_3-.Ltmp0, $4  }
0x13d: {  	_ = 	snop  }
0x13e: {  	v3 =	vadd.f32 v63, v3  }
0x13f: {  	s25 =	sadd.s32 $0x400, s25  }
0x140: {  	s28 =	sadd.s32 $0x80, s28;
	s24 =	sadd.s32 $0x1, s24;
	s26 =	sadd.s32 $0x400, s26;
	[tilespmem:v2+s31+$0x0 ss:$0x1] =	vst.idx.msk $0xffff, v3  }
0x141: {  	p3 =	seq.s32 s20, $0x3F  }
0x142: {  	p0 =	por p3, p0  }
0x143: {  	_ =	strace $0x9000004D;
	s21 =	sshll.u32 @p0 s21, $0xB  }
0x144: {  	_ =	strace @p0 $0x8000004E;
	s21 =	sand.u32 @p0 $0x1FFFF800, s21  }
0x145: {  	s22 =	sadd.s32 @p0 $0x5, s22;
	s24 =	simm.s32 @p0 $0x0;
	s21 =	sadd.s32 @p0 s3, s21  }
0x146: {  	[hbm4b:s21+s24] =	stream.linear.scatter @p0 [tilespmem:s23], [sflag:s22], $0x4000, $0x200038;
	[tilespmem:$0x18000] =	vst v63  }
0x147: {  	s21 =	sand.u32 @!p2 $0x1, s14;
	_ =	strace @p0 $0x9000004E  }
0x148: {  	s21 =	sadd.s32 @!p2 $0x5, s21;
	_ =	strace @!p2 $0x8000004F  }
0x149: {  	s22 =	simm.s32 $0x1;
	_ =	swait.ge @!p2 [sflag:s21], $0x4000  }
0x14a: {  	s22 =	simm.s32 @!p0 $0x0;
	p0 =	sne.s32 s20, $0x0;
	[sflag:s21] =	ssyncset.done @!p2 $0x0  }
0x14b: {  	s20 =	sadd.s32 $0x1, s20;
	[sflag:s21] =	ssyncadd.s32 @!p2 $0xFFFFC000;
	s21 =	simm.s32 $0x1  }
0x14c: {  	s21 =	simm.s32 @!p0 $0x0;
	p0 =	sne.s32 s20, $0x40  }
.Ltmp1:
0x14d: {  	_ = 	snop;
	(pc) =	sbr.rel @p0 .LBB2_2-.Ltmp1, $4  }
0x14e: {  	_ = 	snop  }
0x14f: {  	p1 =	por p3, p1;
	s23 =	simm.s32 $0x1  }
0x150: {  	s23 =	simm.s32 @!p1 $0x0;
	s15 =	sadd.s32 s22, s15;
	s18 =	sadd.s32 s22, s18  }
0x151: {  	s16 =	sadd.s32 s23, s16;
	_ =	strace @!p2 $0x9000004F;
	s14 =	sadd.s32 s21, s14  }
0x152: {  	s12 =	sadd.s32 $0x1, s12  }
0x153: {  	p0 =	sne.s32 s12, s9  }
.Ltmp2:
0x154: {  	_ =	strace $0x80000050;
	(pc) =	sbr.rel @p0 .LBB2_1-.Ltmp2, $4  }
0x155: {  	_ =	swait.ge [sflag:s11], $0x4000  }
0x156: {  	[sflag:s11] =	ssyncset.done $0x0  }
0x157: {  	[sflag:s11] =	ssyncadd.s32 $0xFFFFC000  }
0x158: {  	_ =	strace $0x90000050  }
0x159: {  	_ =	sfence.sel $0x180000  }
0x15a: {  	[bflag:$0x0] =	sbarrier.arrive $0xFFFF  }
0x15b: {  	p0 =	sne.s32 s5, $0x0;
	_ =	strace $0x90000047  }
0x15c: {  	s0 =	sadd.s32 @!p0 $0x100000, s0;
	[bflag:$0x2] =	sbarrier.arrive $0xFFFF  }
0x15d: {  	[sflag:s0] =	ssyncadd.tile.s32 @!p0 $0x1;
	_ =	shalt  }
.Lfunc_end2:
_tile_overlayer_lowered:
.L_overlay_start_2:
0x15e: {  	(tag) =	ssettag $0x2  }
0x15f: {  	s0 =	rddreg [dreg:$0x0];
	s2 =	stileid.u32  }
0x160: {  	s1 =	rddreg [dreg:$0x1];
	p0 =	sne.s32 s2, $0x0  }
0x161: {  	s3 =	rddreg [dreg:$0x2];
	[bflag:$0x3] =	sbarrier.arrive $0xFFFF;
	s2 =	simm.s32 @!p0 $0x1C01  }
0x162: {  	[timem:s3], [sflag:s2] =	dma.local @!p0 [hbm:s0], s1  }
0x163: {  	s0 =	simm.s32 @!p0 $0x1  }
0x164: {  	_ =	swait.ge @!p0 [sflag:s0], s1  }
0x165: {  	s1 =	ssub.s32 @!p0 $0x0, s1;
	[sflag:s0] =	ssyncset.done @!p0 $0x0  }
0x166: {  	[sflag:s0] =	ssyncadd.s32 @!p0 s1  }
0x167: {  	[bflag:$0x3] =	sbarrier.arrive $0xFFFF  }
0x168: {  	_ =	shalt  }

</sc_bundles>
